<compile_context>
chip_gen: v7x
topology: tpu7x:2x2x1
jax: 0.10.2.dev20260603
libtpu: 0.0.44.dev20260713+nightly
codegen_flags: <defaults>
</compile_context>

<pallas_src>
import functools

import jax
import jax.numpy as jnp
from jax import lax
from jax.experimental import pallas as pl
from jax.experimental.pallas import tpu as pltpu
from jax.experimental.pallas import tpu_sc as plsc

_D = 1024
_NC = 2
_NS = 16
_NW = _NC * _NS
_L = 16


@functools.cache
def _build(b_total, vocab):
    rows_per_w = b_total // _NW
    ngroup = rows_per_w // _L
    mesh = plsc.VectorSubcoreMesh(core_axis_name="c", subcore_axis_name="s")

    @functools.partial(
        pl.kernel,
        mesh=mesh,
        out_type=jax.ShapeDtypeStruct((b_total, _D), jnp.float32),
        scratch_types=[
            pltpu.VMEM((rows_per_w,), jnp.int32),
            pltpu.VMEM((vocab, _D), jnp.float32),
            pltpu.SemaphoreType.DMA,
            pltpu.SemaphoreType.DMA,
        ],
    )
    def k(table_hbm, idx_hbm, out_hbm, idx_v, table_v, s0, s1):
        wid = lax.axis_index("s") * _NC + lax.axis_index("c")
        base = wid * rows_per_w
        q8, r8 = divmod(vocab // 8, 4)
        sizes = [8 * (q8 + (1 if i < r8 else 0)) for i in range(4)]
        offs = [sum(sizes[:i]) for i in range(4)]
        pieces = tuple(zip(offs, sizes))
        wm = lax.rem(wid, 4)
        for m in range(4):
            @pl.when(wm == m)
            def _(m=m):
                for q in range(4):
                    st, ln = pieces[(m + q) % 4]
                    pltpu.async_copy(
                        table_hbm.at[pl.ds(st, ln)], table_v.at[pl.ds(st, ln)],
                        s0)
        pltpu.async_copy(idx_hbm.at[pl.ds(base, rows_per_w)], idx_v, s1)
        for m in range(4):
            @pl.when(wm == m)
            def _(m=m):
                for q in range(4):
                    st, ln = pieces[(m + q) % 4]
                    pltpu.make_async_copy(
                        table_hbm.at[pl.ds(st, ln)], table_v.at[pl.ds(st, ln)],
                        s0).wait()
        pltpu.make_async_copy(
            idx_hbm.at[pl.ds(base, rows_per_w)], idx_v, s1).wait()
        ssem = (s0, s1)

        def emit_half(v, half, t):
            for r in range(8 * half, 8 * half + 8):
                row = jnp.squeeze(lax.slice(v, (r,), (r + 1,)))
                pltpu.async_copy(
                    table_v.at[row],
                    out_hbm.at[base + t * _L + r],
                    ssem[half])

        def drain_half(half):
            pltpu.make_async_copy(
                table_v.at[pl.ds(0, 8)],
                out_hbm.at[pl.ds(base, 8)], ssem[half]).wait()

        v0 = idx_v[pl.ds(0, _L)]
        emit_half(v0, 0, 0)
        emit_half(v0, 1, 0)

        def body(t, carry):
            v = idx_v[pl.ds(t * _L, _L)]
            drain_half(0)
            emit_half(v, 0, t)
            drain_half(1)
            emit_half(v, 1, t)
            return carry

        lax.fori_loop(1, ngroup, body, 0)
        drain_half(0)
        drain_half(1)

    return k


def kernel(lang_ids, embeddings):
    b, s = lang_ids.shape
    idx = lang_ids.reshape(-1)
    pad = (-embeddings.shape[0]) % 8
    emb = jnp.pad(embeddings, ((0, pad), (0, 0)))
    out = _build(b * s, emb.shape[0])(emb, idx)
    return out.reshape(b, s, _D)

# --- scband reference (transcript-rebuilt; emitter-appended) ---
"""Pipeline reference for scband-language-embeddings-50508815401469 (READ-ONLY COPY).

The authoritative reference and input builder live on the scoring server;
editing this copy changes nothing except your own understanding.
"""

import jax, jax.numpy as jnp
import numpy as np

VOCAB_SIZE = 101  # len(config['lang2id']) + 1
D_MODEL = 1024
BATCH = 4
SEQ_LEN = 4096


def setup_inputs(seed: int = 0) -> dict:
    key = jax.random.key(seed)
    k_idx, k_w = jax.random.split(key)
    lang_ids = jax.random.randint(k_idx, (BATCH, SEQ_LEN), 0, VOCAB_SIZE, dtype=jnp.int32)
    # hk.Embed default initializer is TruncatedNormal(stddev=1.0); plain normal is a faithful stand-in
    embeddings = jax.random.normal(k_w, (VOCAB_SIZE, D_MODEL), dtype=jnp.float32)
    return {"lang_ids": lang_ids, "embeddings": embeddings}


def reference(lang_ids, embeddings):
    # hk.Embed lookup: out[b, s, :] = embeddings[lang_ids[b, s], :]
    return jnp.take(embeddings, lang_ids, axis=0)

if __name__ == "__main__":
    import jax
    _d = setup_inputs()
    print(jax.jit(kernel)(*tuple(_d.values())))

</pallas_src>

<mosaic_0001>
#map = affine_map<(d0, d1) -> (0, 0)>
#map1 = affine_map<(d0, d1) -> (0)>
module attributes {stable_mosaic.version = 14 : i64} {
  func.func @k(%arg0: i32, %arg1: i32, %arg2: memref<104x1024xf32, #tpu.memory_space<hbm>>, %arg3: memref<16384xi32, #tpu.memory_space<hbm>>, %arg4: memref<16384x1024xf32, #tpu.memory_space<hbm>>, %arg5: memref<512xi32, #tpu.memory_space<vmem>>, %arg6: memref<104x1024xf32, #tpu.memory_space<vmem>>, %arg7: memref<!tpu.dma_semaphore, #tpu.memory_space<semaphore_mem>>, %arg8: memref<!tpu.dma_semaphore, #tpu.memory_space<semaphore_mem>>) attributes {dimension_semantics = [#tpu.dimension_semantics<core_parallel>, #tpu.dimension_semantics<subcore_parallel>], iteration_bounds = array<i64: 2, 16>, scalar_prefetch = 0 : i64, scratch_operands = 4 : i64, tpu.core_type = #tpu.core_type<sc_vector_subcore>, window_params = [{transform_indices = #map}, {transform_indices = #map1}, {transform_indices = #map}]} {
    %mul3A = arith.constant 2 : i32
    %mul3A_0 = arith.muli %arg1, %mul3A : i32
    %add3A = arith.addi %mul3A_0, %arg0 : i32
    %mul3A_1 = arith.constant 512 : i32
    %mul3A_2 = arith.muli %add3A, %mul3A_1 : i32
    %rem3A = arith.constant 4 : i32
    %rem3A_3 = arith.remsi %add3A, %rem3A : i32
    %eq3A = arith.constant 0 : i32
    %eq3A_4 = arith.cmpi eq, %rem3A_3, %eq3A : i32
    %convert_element_type3A = arith.extui %eq3A_4 : i1 to i32
    %cond3A = arith.constant 0 : i32
    %cond3A_5 = arith.cmpi ne, %convert_element_type3A, %cond3A : i32
    scf.if %cond3A_5 {
      %dma_start3A_356 = arith.constant 0 : i32
      %dma_start3A_357 = arith.constant 0 : i32
      %dma_start3A_358 = tpu.memref_slice %arg6[%dma_start3A_356, %dma_start3A_357] : memref<104x1024xf32, #tpu.memory_space<vmem>> -> memref<32x1024xf32, #tpu.memory_space<vmem>>
      %dma_start3A_359 = arith.constant 0 : i32
      %dma_start3A_360 = arith.constant 0 : i32
      %dma_start3A_361 = tpu.memref_slice %arg2[%dma_start3A_359, %dma_start3A_360] : memref<104x1024xf32, #tpu.memory_space<hbm>> -> memref<32x1024xf32, #tpu.memory_space<hbm>>
      %dma_start3A_362 = arith.constant 0 : i32
      %dma_start3A_363 = arith.constant 0 : i32
      %dma_start3A_364 = tpu.memref_slice %arg6[%dma_start3A_362, %dma_start3A_363] : memref<104x1024xf32, #tpu.memory_space<vmem>> -> memref<32x1024xf32, #tpu.memory_space<vmem>>
      %dma_start3A_365 = arith.constant 0 : i32
      %dma_start3A_366 = arith.constant 0 : i32
      %dma_start3A_367 = tpu.memref_slice %arg2[%dma_start3A_365, %dma_start3A_366] : memref<104x1024xf32, #tpu.memory_space<hbm>> -> memref<32x1024xf32, #tpu.memory_space<hbm>>
      tpu.enqueue_dma source(%dma_start3A_367 : memref<32x1024xf32, #tpu.memory_space<hbm>>) target(%dma_start3A_364 : memref<32x1024xf32, #tpu.memory_space<vmem>>) target_semaphore(%arg7 : memref<!tpu.dma_semaphore, #tpu.memory_space<semaphore_mem>>)
      %dma_start3A_368 = arith.constant 32 : i32
      %dma_start3A_369 = arith.constant 0 : i32
      %dma_start3A_370 = tpu.memref_slice %arg6[%dma_start3A_368, %dma_start3A_369] : memref<104x1024xf32, #tpu.memory_space<vmem>> -> memref<24x1024xf32, #tpu.memory_space<vmem>>
      %dma_start3A_371 = arith.constant 32 : i32
      %dma_start3A_372 = arith.constant 0 : i32
      %dma_start3A_373 = tpu.memref_slice %arg2[%dma_start3A_371, %dma_start3A_372] : memref<104x1024xf32, #tpu.memory_space<hbm>> -> memref<24x1024xf32, #tpu.memory_space<hbm>>
      %dma_start3A_374 = arith.constant 32 : i32
      %dma_start3A_375 = arith.constant 0 : i32
      %dma_start3A_376 = tpu.memref_slice %arg6[%dma_start3A_374, %dma_start3A_375] : memref<104x1024xf32, #tpu.memory_space<vmem>> -> memref<24x1024xf32, #tpu.memory_space<vmem>>
      %dma_start3A_377 = arith.constant 32 : i32
      %dma_start3A_378 = arith.constant 0 : i32
      %dma_start3A_379 = tpu.memref_slice %arg2[%dma_start3A_377, %dma_start3A_378] : memref<104x1024xf32, #tpu.memory_space<hbm>> -> memref<24x1024xf32, #tpu.memory_space<hbm>>
      tpu.enqueue_dma source(%dma_start3A_379 : memref<24x1024xf32, #tpu.memory_space<hbm>>) target(%dma_start3A_376 : memref<24x1024xf32, #tpu.memory_space<vmem>>) target_semaphore(%arg7 : memref<!tpu.dma_semaphore, #tpu.memory_space<semaphore_mem>>)
      %dma_start3A_380 = arith.constant 56 : i32
      %dma_start3A_381 = arith.constant 0 : i32
      %dma_start3A_382 = tpu.memref_slice %arg6[%dma_start3A_380, %dma_start3A_381] : memref<104x1024xf32, #tpu.memory_space<vmem>> -> memref<24x1024xf32, #tpu.memory_space<vmem>>
      %dma_start3A_383 = arith.constant 56 : i32
      %dma_start3A_384 = arith.constant 0 : i32
      %dma_start3A_385 = tpu.memref_slice %arg2[%dma_start3A_383, %dma_start3A_384] : memref<104x1024xf32, #tpu.memory_space<hbm>> -> memref<24x1024xf32, #tpu.memory_space<hbm>>
      %dma_start3A_386 = arith.constant 56 : i32
      %dma_start3A_387 = arith.constant 0 : i32
      %dma_start3A_388 = tpu.memref_slice %arg6[%dma_start3A_386, %dma_start3A_387] : memref<104x1024xf32, #tpu.memory_space<vmem>> -> memref<24x1024xf32, #tpu.memory_space<vmem>>
      %dma_start3A_389 = arith.constant 56 : i32
      %dma_start3A_390 = arith.constant 0 : i32
      %dma_start3A_391 = tpu.memref_slice %arg2[%dma_start3A_389, %dma_start3A_390] : memref<104x1024xf32, #tpu.memory_space<hbm>> -> memref<24x1024xf32, #tpu.memory_space<hbm>>
      tpu.enqueue_dma source(%dma_start3A_391 : memref<24x1024xf32, #tpu.memory_space<hbm>>) target(%dma_start3A_388 : memref<24x1024xf32, #tpu.memory_space<vmem>>) target_semaphore(%arg7 : memref<!tpu.dma_semaphore, #tpu.memory_space<semaphore_mem>>)
      %dma_start3A_392 = arith.constant 80 : i32
      %dma_start3A_393 = arith.constant 0 : i32
      %dma_start3A_394 = tpu.memref_slice %arg6[%dma_start3A_392, %dma_start3A_393] : memref<104x1024xf32, #tpu.memory_space<vmem>> -> memref<24x1024xf32, #tpu.memory_space<vmem>>
      %dma_start3A_395 = arith.constant 80 : i32
      %dma_start3A_396 = arith.constant 0 : i32
      %dma_start3A_397 = tpu.memref_slice %arg2[%dma_start3A_395, %dma_start3A_396] : memref<104x1024xf32, #tpu.memory_space<hbm>> -> memref<24x1024xf32, #tpu.memory_space<hbm>>
      %dma_start3A_398 = arith.constant 80 : i32
      %dma_start3A_399 = arith.constant 0 : i32
      %dma_start3A_400 = tpu.memref_slice %arg6[%dma_start3A_398, %dma_start3A_399] : memref<104x1024xf32, #tpu.memory_space<vmem>> -> memref<24x1024xf32, #tpu.memory_space<vmem>>
      %dma_start3A_401 = arith.constant 80 : i32
      %dma_start3A_402 = arith.constant 0 : i32
      %dma_start3A_403 = tpu.memref_slice %arg2[%dma_start3A_401, %dma_start3A_402] : memref<104x1024xf32, #tpu.memory_space<hbm>> -> memref<24x1024xf32, #tpu.memory_space<hbm>>
      tpu.enqueue_dma source(%dma_start3A_403 : memref<24x1024xf32, #tpu.memory_space<hbm>>) target(%dma_start3A_400 : memref<24x1024xf32, #tpu.memory_space<vmem>>) target_semaphore(%arg7 : memref<!tpu.dma_semaphore, #tpu.memory_space<semaphore_mem>>)
    } else {
    }
    %eq3A_6 = arith.constant 1 : i32
    %eq3A_7 = arith.cmpi eq, %rem3A_3, %eq3A_6 : i32
    %convert_element_type3A_8 = arith.extui %eq3A_7 : i1 to i32
    %cond3A_9 = arith.constant 0 : i32
    %cond3A_10 = arith.cmpi ne, %convert_element_type3A_8, %cond3A_9 : i32
    scf.if %cond3A_10 {
      %dma_start3A_356 = arith.constant 32 : i32
      %dma_start3A_357 = arith.constant 0 : i32
      %dma_start3A_358 = tpu.memref_slice %arg6[%dma_start3A_356, %dma_start3A_357] : memref<104x1024xf32, #tpu.memory_space<vmem>> -> memref<24x1024xf32, #tpu.memory_space<vmem>>
      %dma_start3A_359 = arith.constant 32 : i32
      %dma_start3A_360 = arith.constant 0 : i32
      %dma_start3A_361 = tpu.memref_slice %arg2[%dma_start3A_359, %dma_start3A_360] : memref<104x1024xf32, #tpu.memory_space<hbm>> -> memref<24x1024xf32, #tpu.memory_space<hbm>>
      %dma_start3A_362 = arith.constant 32 : i32
      %dma_start3A_363 = arith.constant 0 : i32
      %dma_start3A_364 = tpu.memref_slice %arg6[%dma_start3A_362, %dma_start3A_363] : memref<104x1024xf32, #tpu.memory_space<vmem>> -> memref<24x1024xf32, #tpu.memory_space<vmem>>
      %dma_start3A_365 = arith.constant 32 : i32
      %dma_start3A_366 = arith.constant 0 : i32
      %dma_start3A_367 = tpu.memref_slice %arg2[%dma_start3A_365, %dma_start3A_366] : memref<104x1024xf32, #tpu.memory_space<hbm>> -> memref<24x1024xf32, #tpu.memory_space<hbm>>
      tpu.enqueue_dma source(%dma_start3A_367 : memref<24x1024xf32, #tpu.memory_space<hbm>>) target(%dma_start3A_364 : memref<24x1024xf32, #tpu.memory_space<vmem>>) target_semaphore(%arg7 : memref<!tpu.dma_semaphore, #tpu.memory_space<semaphore_mem>>)
      %dma_start3A_368 = arith.constant 56 : i32
      %dma_start3A_369 = arith.constant 0 : i32
      %dma_start3A_370 = tpu.memref_slice %arg6[%dma_start3A_368, %dma_start3A_369] : memref<104x1024xf32, #tpu.memory_space<vmem>> -> memref<24x1024xf32, #tpu.memory_space<vmem>>
      %dma_start3A_371 = arith.constant 56 : i32
      %dma_start3A_372 = arith.constant 0 : i32
      %dma_start3A_373 = tpu.memref_slice %arg2[%dma_start3A_371, %dma_start3A_372] : memref<104x1024xf32, #tpu.memory_space<hbm>> -> memref<24x1024xf32, #tpu.memory_space<hbm>>
      %dma_start3A_374 = arith.constant 56 : i32
      %dma_start3A_375 = arith.constant 0 : i32
      %dma_start3A_376 = tpu.memref_slice %arg6[%dma_start3A_374, %dma_start3A_375] : memref<104x1024xf32, #tpu.memory_space<vmem>> -> memref<24x1024xf32, #tpu.memory_space<vmem>>
      %dma_start3A_377 = arith.constant 56 : i32
      %dma_start3A_378 = arith.constant 0 : i32
      %dma_start3A_379 = tpu.memref_slice %arg2[%dma_start3A_377, %dma_start3A_378] : memref<104x1024xf32, #tpu.memory_space<hbm>> -> memref<24x1024xf32, #tpu.memory_space<hbm>>
      tpu.enqueue_dma source(%dma_start3A_379 : memref<24x1024xf32, #tpu.memory_space<hbm>>) target(%dma_start3A_376 : memref<24x1024xf32, #tpu.memory_space<vmem>>) target_semaphore(%arg7 : memref<!tpu.dma_semaphore, #tpu.memory_space<semaphore_mem>>)
      %dma_start3A_380 = arith.constant 80 : i32
      %dma_start3A_381 = arith.constant 0 : i32
      %dma_start3A_382 = tpu.memref_slice %arg6[%dma_start3A_380, %dma_start3A_381] : memref<104x1024xf32, #tpu.memory_space<vmem>> -> memref<24x1024xf32, #tpu.memory_space<vmem>>
      %dma_start3A_383 = arith.constant 80 : i32
      %dma_start3A_384 = arith.constant 0 : i32
      %dma_start3A_385 = tpu.memref_slice %arg2[%dma_start3A_383, %dma_start3A_384] : memref<104x1024xf32, #tpu.memory_space<hbm>> -> memref<24x1024xf32, #tpu.memory_space<hbm>>
      %dma_start3A_386 = arith.constant 80 : i32
      %dma_start3A_387 = arith.constant 0 : i32
      %dma_start3A_388 = tpu.memref_slice %arg6[%dma_start3A_386, %dma_start3A_387] : memref<104x1024xf32, #tpu.memory_space<vmem>> -> memref<24x1024xf32, #tpu.memory_space<vmem>>
      %dma_start3A_389 = arith.constant 80 : i32
      %dma_start3A_390 = arith.constant 0 : i32
      %dma_start3A_391 = tpu.memref_slice %arg2[%dma_start3A_389, %dma_start3A_390] : memref<104x1024xf32, #tpu.memory_space<hbm>> -> memref<24x1024xf32, #tpu.memory_space<hbm>>
      tpu.enqueue_dma source(%dma_start3A_391 : memref<24x1024xf32, #tpu.memory_space<hbm>>) target(%dma_start3A_388 : memref<24x1024xf32, #tpu.memory_space<vmem>>) target_semaphore(%arg7 : memref<!tpu.dma_semaphore, #tpu.memory_space<semaphore_mem>>)
      %dma_start3A_392 = arith.constant 0 : i32
      %dma_start3A_393 = arith.constant 0 : i32
      %dma_start3A_394 = tpu.memref_slice %arg6[%dma_start3A_392, %dma_start3A_393] : memref<104x1024xf32, #tpu.memory_space<vmem>> -> memref<32x1024xf32, #tpu.memory_space<vmem>>
      %dma_start3A_395 = arith.constant 0 : i32
      %dma_start3A_396 = arith.constant 0 : i32
      %dma_start3A_397 = tpu.memref_slice %arg2[%dma_start3A_395, %dma_start3A_396] : memref<104x1024xf32, #tpu.memory_space<hbm>> -> memref<32x1024xf32, #tpu.memory_space<hbm>>
      %dma_start3A_398 = arith.constant 0 : i32
      %dma_start3A_399 = arith.constant 0 : i32
      %dma_start3A_400 = tpu.memref_slice %arg6[%dma_start3A_398, %dma_start3A_399] : memref<104x1024xf32, #tpu.memory_space<vmem>> -> memref<32x1024xf32, #tpu.memory_space<vmem>>
      %dma_start3A_401 = arith.constant 0 : i32
      %dma_start3A_402 = arith.constant 0 : i32
      %dma_start3A_403 = tpu.memref_slice %arg2[%dma_start3A_401, %dma_start3A_402] : memref<104x1024xf32, #tpu.memory_space<hbm>> -> memref<32x1024xf32, #tpu.memory_space<hbm>>
      tpu.enqueue_dma source(%dma_start3A_403 : memref<32x1024xf32, #tpu.memory_space<hbm>>) target(%dma_start3A_400 : memref<32x1024xf32, #tpu.memory_space<vmem>>) target_semaphore(%arg7 : memref<!tpu.dma_semaphore, #tpu.memory_space<semaphore_mem>>)
    } else {
    }
    %eq3A_11 = arith.constant 2 : i32
    %eq3A_12 = arith.cmpi eq, %rem3A_3, %eq3A_11 : i32
    %convert_element_type3A_13 = arith.extui %eq3A_12 : i1 to i32
    %cond3A_14 = arith.constant 0 : i32
    %cond3A_15 = arith.cmpi ne, %convert_element_type3A_13, %cond3A_14 : i32
    scf.if %cond3A_15 {
      %dma_start3A_356 = arith.constant 56 : i32
      %dma_start3A_357 = arith.constant 0 : i32
      %dma_start3A_358 = tpu.memref_slice %arg6[%dma_start3A_356, %dma_start3A_357] : memref<104x1024xf32, #tpu.memory_space<vmem>> -> memref<24x1024xf32, #tpu.memory_space<vmem>>
      %dma_start3A_359 = arith.constant 56 : i32
      %dma_start3A_360 = arith.constant 0 : i32
      %dma_start3A_361 = tpu.memref_slice %arg2[%dma_start3A_359, %dma_start3A_360] : memref<104x1024xf32, #tpu.memory_space<hbm>> -> memref<24x1024xf32, #tpu.memory_space<hbm>>
      %dma_start3A_362 = arith.constant 56 : i32
      %dma_start3A_363 = arith.constant 0 : i32
      %dma_start3A_364 = tpu.memref_slice %arg6[%dma_start3A_362, %dma_start3A_363] : memref<104x1024xf32, #tpu.memory_space<vmem>> -> memref<24x1024xf32, #tpu.memory_space<vmem>>
      %dma_start3A_365 = arith.constant 56 : i32
      %dma_start3A_366 = arith.constant 0 : i32
      %dma_start3A_367 = tpu.memref_slice %arg2[%dma_start3A_365, %dma_start3A_366] : memref<104x1024xf32, #tpu.memory_space<hbm>> -> memref<24x1024xf32, #tpu.memory_space<hbm>>
      tpu.enqueue_dma source(%dma_start3A_367 : memref<24x1024xf32, #tpu.memory_space<hbm>>) target(%dma_start3A_364 : memref<24x1024xf32, #tpu.memory_space<vmem>>) target_semaphore(%arg7 : memref<!tpu.dma_semaphore, #tpu.memory_space<semaphore_mem>>)
      %dma_start3A_368 = arith.constant 80 : i32
      %dma_start3A_369 = arith.constant 0 : i32
      %dma_start3A_370 = tpu.memref_slice %arg6[%dma_start3A_368, %dma_start3A_369] : memref<104x1024xf32, #tpu.memory_space<vmem>> -> memref<24x1024xf32, #tpu.memory_space<vmem>>
      %dma_start3A_371 = arith.constant 80 : i32
      %dma_start3A_372 = arith.constant 0 : i32
      %dma_start3A_373 = tpu.memref_slice %arg2[%dma_start3A_371, %dma_start3A_372] : memref<104x1024xf32, #tpu.memory_space<hbm>> -> memref<24x1024xf32, #tpu.memory_space<hbm>>
      %dma_start3A_374 = arith.constant 80 : i32
      %dma_start3A_375 = arith.constant 0 : i32
      %dma_start3A_376 = tpu.memref_slice %arg6[%dma_start3A_374, %dma_start3A_375] : memref<104x1024xf32, #tpu.memory_space<vmem>> -> memref<24x1024xf32, #tpu.memory_space<vmem>>
      %dma_start3A_377 = arith.constant 80 : i32
      %dma_start3A_378 = arith.constant 0 : i32
      %dma_start3A_379 = tpu.memref_slice %arg2[%dma_start3A_377, %dma_start3A_378] : memref<104x1024xf32, #tpu.memory_space<hbm>> -> memref<24x1024xf32, #tpu.memory_space<hbm>>
      tpu.enqueue_dma source(%dma_start3A_379 : memref<24x1024xf32, #tpu.memory_space<hbm>>) target(%dma_start3A_376 : memref<24x1024xf32, #tpu.memory_space<vmem>>) target_semaphore(%arg7 : memref<!tpu.dma_semaphore, #tpu.memory_space<semaphore_mem>>)
      %dma_start3A_380 = arith.constant 0 : i32
      %dma_start3A_381 = arith.constant 0 : i32
      %dma_start3A_382 = tpu.memref_slice %arg6[%dma_start3A_380, %dma_start3A_381] : memref<104x1024xf32, #tpu.memory_space<vmem>> -> memref<32x1024xf32, #tpu.memory_space<vmem>>
      %dma_start3A_383 = arith.constant 0 : i32
      %dma_start3A_384 = arith.constant 0 : i32
      %dma_start3A_385 = tpu.memref_slice %arg2[%dma_start3A_383, %dma_start3A_384] : memref<104x1024xf32, #tpu.memory_space<hbm>> -> memref<32x1024xf32, #tpu.memory_space<hbm>>
      %dma_start3A_386 = arith.constant 0 : i32
      %dma_start3A_387 = arith.constant 0 : i32
      %dma_start3A_388 = tpu.memref_slice %arg6[%dma_start3A_386, %dma_start3A_387] : memref<104x1024xf32, #tpu.memory_space<vmem>> -> memref<32x1024xf32, #tpu.memory_space<vmem>>
      %dma_start3A_389 = arith.constant 0 : i32
      %dma_start3A_390 = arith.constant 0 : i32
      %dma_start3A_391 = tpu.memref_slice %arg2[%dma_start3A_389, %dma_start3A_390] : memref<104x1024xf32, #tpu.memory_space<hbm>> -> memref<32x1024xf32, #tpu.memory_space<hbm>>
      tpu.enqueue_dma source(%dma_start3A_391 : memref<32x1024xf32, #tpu.memory_space<hbm>>) target(%dma_start3A_388 : memref<32x1024xf32, #tpu.memory_space<vmem>>) target_semaphore(%arg7 : memref<!tpu.dma_semaphore, #tpu.memory_space<semaphore_mem>>)
      %dma_start3A_392 = arith.constant 32 : i32
      %dma_start3A_393 = arith.constant 0 : i32
      %dma_start3A_394 = tpu.memref_slice %arg6[%dma_start3A_392, %dma_start3A_393] : memref<104x1024xf32, #tpu.memory_space<vmem>> -> memref<24x1024xf32, #tpu.memory_space<vmem>>
      %dma_start3A_395 = arith.constant 32 : i32
      %dma_start3A_396 = arith.constant 0 : i32
      %dma_start3A_397 = tpu.memref_slice %arg2[%dma_start3A_395, %dma_start3A_396] : memref<104x1024xf32, #tpu.memory_space<hbm>> -> memref<24x1024xf32, #tpu.memory_space<hbm>>
      %dma_start3A_398 = arith.constant 32 : i32
      %dma_start3A_399 = arith.constant 0 : i32
      %dma_start3A_400 = tpu.memref_slice %arg6[%dma_start3A_398, %dma_start3A_399] : memref<104x1024xf32, #tpu.memory_space<vmem>> -> memref<24x1024xf32, #tpu.memory_space<vmem>>
      %dma_start3A_401 = arith.constant 32 : i32
      %dma_start3A_402 = arith.constant 0 : i32
      %dma_start3A_403 = tpu.memref_slice %arg2[%dma_start3A_401, %dma_start3A_402] : memref<104x1024xf32, #tpu.memory_space<hbm>> -> memref<24x1024xf32, #tpu.memory_space<hbm>>
      tpu.enqueue_dma source(%dma_start3A_403 : memref<24x1024xf32, #tpu.memory_space<hbm>>) target(%dma_start3A_400 : memref<24x1024xf32, #tpu.memory_space<vmem>>) target_semaphore(%arg7 : memref<!tpu.dma_semaphore, #tpu.memory_space<semaphore_mem>>)
    } else {
    }
    %eq3A_16 = arith.constant 3 : i32
    %eq3A_17 = arith.cmpi eq, %rem3A_3, %eq3A_16 : i32
    %convert_element_type3A_18 = arith.extui %eq3A_17 : i1 to i32
    %cond3A_19 = arith.constant 0 : i32
    %cond3A_20 = arith.cmpi ne, %convert_element_type3A_18, %cond3A_19 : i32
    scf.if %cond3A_20 {
      %dma_start3A_356 = arith.constant 80 : i32
      %dma_start3A_357 = arith.constant 0 : i32
      %dma_start3A_358 = tpu.memref_slice %arg6[%dma_start3A_356, %dma_start3A_357] : memref<104x1024xf32, #tpu.memory_space<vmem>> -> memref<24x1024xf32, #tpu.memory_space<vmem>>
      %dma_start3A_359 = arith.constant 80 : i32
      %dma_start3A_360 = arith.constant 0 : i32
      %dma_start3A_361 = tpu.memref_slice %arg2[%dma_start3A_359, %dma_start3A_360] : memref<104x1024xf32, #tpu.memory_space<hbm>> -> memref<24x1024xf32, #tpu.memory_space<hbm>>
      %dma_start3A_362 = arith.constant 80 : i32
      %dma_start3A_363 = arith.constant 0 : i32
      %dma_start3A_364 = tpu.memref_slice %arg6[%dma_start3A_362, %dma_start3A_363] : memref<104x1024xf32, #tpu.memory_space<vmem>> -> memref<24x1024xf32, #tpu.memory_space<vmem>>
      %dma_start3A_365 = arith.constant 80 : i32
      %dma_start3A_366 = arith.constant 0 : i32
      %dma_start3A_367 = tpu.memref_slice %arg2[%dma_start3A_365, %dma_start3A_366] : memref<104x1024xf32, #tpu.memory_space<hbm>> -> memref<24x1024xf32, #tpu.memory_space<hbm>>
      tpu.enqueue_dma source(%dma_start3A_367 : memref<24x1024xf32, #tpu.memory_space<hbm>>) target(%dma_start3A_364 : memref<24x1024xf32, #tpu.memory_space<vmem>>) target_semaphore(%arg7 : memref<!tpu.dma_semaphore, #tpu.memory_space<semaphore_mem>>)
      %dma_start3A_368 = arith.constant 0 : i32
      %dma_start3A_369 = arith.constant 0 : i32
      %dma_start3A_370 = tpu.memref_slice %arg6[%dma_start3A_368, %dma_start3A_369] : memref<104x1024xf32, #tpu.memory_space<vmem>> -> memref<32x1024xf32, #tpu.memory_space<vmem>>
      %dma_start3A_371 = arith.constant 0 : i32
      %dma_start3A_372 = arith.constant 0 : i32
      %dma_start3A_373 = tpu.memref_slice %arg2[%dma_start3A_371, %dma_start3A_372] : memref<104x1024xf32, #tpu.memory_space<hbm>> -> memref<32x1024xf32, #tpu.memory_space<hbm>>
      %dma_start3A_374 = arith.constant 0 : i32
      %dma_start3A_375 = arith.constant 0 : i32
      %dma_start3A_376 = tpu.memref_slice %arg6[%dma_start3A_374, %dma_start3A_375] : memref<104x1024xf32, #tpu.memory_space<vmem>> -> memref<32x1024xf32, #tpu.memory_space<vmem>>
      %dma_start3A_377 = arith.constant 0 : i32
      %dma_start3A_378 = arith.constant 0 : i32
      %dma_start3A_379 = tpu.memref_slice %arg2[%dma_start3A_377, %dma_start3A_378] : memref<104x1024xf32, #tpu.memory_space<hbm>> -> memref<32x1024xf32, #tpu.memory_space<hbm>>
      tpu.enqueue_dma source(%dma_start3A_379 : memref<32x1024xf32, #tpu.memory_space<hbm>>) target(%dma_start3A_376 : memref<32x1024xf32, #tpu.memory_space<vmem>>) target_semaphore(%arg7 : memref<!tpu.dma_semaphore, #tpu.memory_space<semaphore_mem>>)
      %dma_start3A_380 = arith.constant 32 : i32
      %dma_start3A_381 = arith.constant 0 : i32
      %dma_start3A_382 = tpu.memref_slice %arg6[%dma_start3A_380, %dma_start3A_381] : memref<104x1024xf32, #tpu.memory_space<vmem>> -> memref<24x1024xf32, #tpu.memory_space<vmem>>
      %dma_start3A_383 = arith.constant 32 : i32
      %dma_start3A_384 = arith.constant 0 : i32
      %dma_start3A_385 = tpu.memref_slice %arg2[%dma_start3A_383, %dma_start3A_384] : memref<104x1024xf32, #tpu.memory_space<hbm>> -> memref<24x1024xf32, #tpu.memory_space<hbm>>
      %dma_start3A_386 = arith.constant 32 : i32
      %dma_start3A_387 = arith.constant 0 : i32
      %dma_start3A_388 = tpu.memref_slice %arg6[%dma_start3A_386, %dma_start3A_387] : memref<104x1024xf32, #tpu.memory_space<vmem>> -> memref<24x1024xf32, #tpu.memory_space<vmem>>
      %dma_start3A_389 = arith.constant 32 : i32
      %dma_start3A_390 = arith.constant 0 : i32
      %dma_start3A_391 = tpu.memref_slice %arg2[%dma_start3A_389, %dma_start3A_390] : memref<104x1024xf32, #tpu.memory_space<hbm>> -> memref<24x1024xf32, #tpu.memory_space<hbm>>
      tpu.enqueue_dma source(%dma_start3A_391 : memref<24x1024xf32, #tpu.memory_space<hbm>>) target(%dma_start3A_388 : memref<24x1024xf32, #tpu.memory_space<vmem>>) target_semaphore(%arg7 : memref<!tpu.dma_semaphore, #tpu.memory_space<semaphore_mem>>)
      %dma_start3A_392 = arith.constant 56 : i32
      %dma_start3A_393 = arith.constant 0 : i32
      %dma_start3A_394 = tpu.memref_slice %arg6[%dma_start3A_392, %dma_start3A_393] : memref<104x1024xf32, #tpu.memory_space<vmem>> -> memref<24x1024xf32, #tpu.memory_space<vmem>>
      %dma_start3A_395 = arith.constant 56 : i32
      %dma_start3A_396 = arith.constant 0 : i32
      %dma_start3A_397 = tpu.memref_slice %arg2[%dma_start3A_395, %dma_start3A_396] : memref<104x1024xf32, #tpu.memory_space<hbm>> -> memref<24x1024xf32, #tpu.memory_space<hbm>>
      %dma_start3A_398 = arith.constant 56 : i32
      %dma_start3A_399 = arith.constant 0 : i32
      %dma_start3A_400 = tpu.memref_slice %arg6[%dma_start3A_398, %dma_start3A_399] : memref<104x1024xf32, #tpu.memory_space<vmem>> -> memref<24x1024xf32, #tpu.memory_space<vmem>>
      %dma_start3A_401 = arith.constant 56 : i32
      %dma_start3A_402 = arith.constant 0 : i32
      %dma_start3A_403 = tpu.memref_slice %arg2[%dma_start3A_401, %dma_start3A_402] : memref<104x1024xf32, #tpu.memory_space<hbm>> -> memref<24x1024xf32, #tpu.memory_space<hbm>>
      tpu.enqueue_dma source(%dma_start3A_403 : memref<24x1024xf32, #tpu.memory_space<hbm>>) target(%dma_start3A_400 : memref<24x1024xf32, #tpu.memory_space<vmem>>) target_semaphore(%arg7 : memref<!tpu.dma_semaphore, #tpu.memory_space<semaphore_mem>>)
    } else {
    }
    %dma_start3A = tpu.memref_slice %arg3[%mul3A_2] : memref<16384xi32, #tpu.memory_space<hbm>> -> memref<512xi32, #tpu.memory_space<hbm>>
    %dma_start3A_21 = tpu.memref_slice %arg3[%mul3A_2] : memref<16384xi32, #tpu.memory_space<hbm>> -> memref<512xi32, #tpu.memory_space<hbm>>
    tpu.enqueue_dma source(%dma_start3A_21 : memref<512xi32, #tpu.memory_space<hbm>>) target(%arg5 : memref<512xi32, #tpu.memory_space<vmem>>) target_semaphore(%arg8 : memref<!tpu.dma_semaphore, #tpu.memory_space<semaphore_mem>>)
    %eq3A_22 = arith.constant 0 : i32
    %eq3A_23 = arith.cmpi eq, %rem3A_3, %eq3A_22 : i32
    %convert_element_type3A_24 = arith.extui %eq3A_23 : i1 to i32
    %cond3A_25 = arith.constant 0 : i32
    %cond3A_26 = arith.cmpi ne, %convert_element_type3A_24, %cond3A_25 : i32
    scf.if %cond3A_26 {
      %dma_wait3A_356 = arith.constant 0 : i32
      %dma_wait3A_357 = arith.constant 0 : i32
      %dma_wait3A_358 = tpu.memref_slice %arg6[%dma_wait3A_356, %dma_wait3A_357] : memref<104x1024xf32, #tpu.memory_space<vmem>> -> memref<32x1024xf32, #tpu.memory_space<vmem>>
      %dma_wait3A_359 = arith.constant 0 : i32
      %dma_wait3A_360 = arith.constant 0 : i32
      %dma_wait3A_361 = tpu.memref_slice %arg2[%dma_wait3A_359, %dma_wait3A_360] : memref<104x1024xf32, #tpu.memory_space<hbm>> -> memref<32x1024xf32, #tpu.memory_space<hbm>>
      %dma_wait3A_362 = arith.constant 0 : i32
      %dma_wait3A_363 = arith.constant 0 : i32
      %dma_wait3A_364 = tpu.memref_slice %arg6[%dma_wait3A_362, %dma_wait3A_363] : memref<104x1024xf32, #tpu.memory_space<vmem>> -> memref<32x1024xf32, #tpu.memory_space<vmem>>
      %dma_wait3A_365 = arith.constant 0 : i32
      %dma_wait3A_366 = arith.constant 0 : i32
      %dma_wait3A_367 = tpu.memref_slice %arg2[%dma_wait3A_365, %dma_wait3A_366] : memref<104x1024xf32, #tpu.memory_space<hbm>> -> memref<32x1024xf32, #tpu.memory_space<hbm>>
      tpu.wait_dma2 semaphore(%arg7 : memref<!tpu.dma_semaphore, #tpu.memory_space<semaphore_mem>>) src(%dma_wait3A_367 : memref<32x1024xf32, #tpu.memory_space<hbm>>) dst(%dma_wait3A_364 : memref<32x1024xf32, #tpu.memory_space<vmem>>)
      %dma_wait3A_368 = arith.constant 32 : i32
      %dma_wait3A_369 = arith.constant 0 : i32
      %dma_wait3A_370 = tpu.memref_slice %arg6[%dma_wait3A_368, %dma_wait3A_369] : memref<104x1024xf32, #tpu.memory_space<vmem>> -> memref<24x1024xf32, #tpu.memory_space<vmem>>
      %dma_wait3A_371 = arith.constant 32 : i32
      %dma_wait3A_372 = arith.constant 0 : i32
      %dma_wait3A_373 = tpu.memref_slice %arg2[%dma_wait3A_371, %dma_wait3A_372] : memref<104x1024xf32, #tpu.memory_space<hbm>> -> memref<24x1024xf32, #tpu.memory_space<hbm>>
      %dma_wait3A_374 = arith.constant 32 : i32
      %dma_wait3A_375 = arith.constant 0 : i32
      %dma_wait3A_376 = tpu.memref_slice %arg6[%dma_wait3A_374, %dma_wait3A_375] : memref<104x1024xf32, #tpu.memory_space<vmem>> -> memref<24x1024xf32, #tpu.memory_space<vmem>>
      %dma_wait3A_377 = arith.constant 32 : i32
      %dma_wait3A_378 = arith.constant 0 : i32
      %dma_wait3A_379 = tpu.memref_slice %arg2[%dma_wait3A_377, %dma_wait3A_378] : memref<104x1024xf32, #tpu.memory_space<hbm>> -> memref<24x1024xf32, #tpu.memory_space<hbm>>
      tpu.wait_dma2 semaphore(%arg7 : memref<!tpu.dma_semaphore, #tpu.memory_space<semaphore_mem>>) src(%dma_wait3A_379 : memref<24x1024xf32, #tpu.memory_space<hbm>>) dst(%dma_wait3A_376 : memref<24x1024xf32, #tpu.memory_space<vmem>>)
      %dma_wait3A_380 = arith.constant 56 : i32
      %dma_wait3A_381 = arith.constant 0 : i32
      %dma_wait3A_382 = tpu.memref_slice %arg6[%dma_wait3A_380, %dma_wait3A_381] : memref<104x1024xf32, #tpu.memory_space<vmem>> -> memref<24x1024xf32, #tpu.memory_space<vmem>>
      %dma_wait3A_383 = arith.constant 56 : i32
      %dma_wait3A_384 = arith.constant 0 : i32
      %dma_wait3A_385 = tpu.memref_slice %arg2[%dma_wait3A_383, %dma_wait3A_384] : memref<104x1024xf32, #tpu.memory_space<hbm>> -> memref<24x1024xf32, #tpu.memory_space<hbm>>
      %dma_wait3A_386 = arith.constant 56 : i32
      %dma_wait3A_387 = arith.constant 0 : i32
      %dma_wait3A_388 = tpu.memref_slice %arg6[%dma_wait3A_386, %dma_wait3A_387] : memref<104x1024xf32, #tpu.memory_space<vmem>> -> memref<24x1024xf32, #tpu.memory_space<vmem>>
      %dma_wait3A_389 = arith.constant 56 : i32
      %dma_wait3A_390 = arith.constant 0 : i32
      %dma_wait3A_391 = tpu.memref_slice %arg2[%dma_wait3A_389, %dma_wait3A_390] : memref<104x1024xf32, #tpu.memory_space<hbm>> -> memref<24x1024xf32, #tpu.memory_space<hbm>>
      tpu.wait_dma2 semaphore(%arg7 : memref<!tpu.dma_semaphore, #tpu.memory_space<semaphore_mem>>) src(%dma_wait3A_391 : memref<24x1024xf32, #tpu.memory_space<hbm>>) dst(%dma_wait3A_388 : memref<24x1024xf32, #tpu.memory_space<vmem>>)
      %dma_wait3A_392 = arith.constant 80 : i32
      %dma_wait3A_393 = arith.constant 0 : i32
      %dma_wait3A_394 = tpu.memref_slice %arg6[%dma_wait3A_392, %dma_wait3A_393] : memref<104x1024xf32, #tpu.memory_space<vmem>> -> memref<24x1024xf32, #tpu.memory_space<vmem>>
      %dma_wait3A_395 = arith.constant 80 : i32
      %dma_wait3A_396 = arith.constant 0 : i32
      %dma_wait3A_397 = tpu.memref_slice %arg2[%dma_wait3A_395, %dma_wait3A_396] : memref<104x1024xf32, #tpu.memory_space<hbm>> -> memref<24x1024xf32, #tpu.memory_space<hbm>>
      %dma_wait3A_398 = arith.constant 80 : i32
      %dma_wait3A_399 = arith.constant 0 : i32
      %dma_wait3A_400 = tpu.memref_slice %arg6[%dma_wait3A_398, %dma_wait3A_399] : memref<104x1024xf32, #tpu.memory_space<vmem>> -> memref<24x1024xf32, #tpu.memory_space<vmem>>
      %dma_wait3A_401 = arith.constant 80 : i32
      %dma_wait3A_402 = arith.constant 0 : i32
      %dma_wait3A_403 = tpu.memref_slice %arg2[%dma_wait3A_401, %dma_wait3A_402] : memref<104x1024xf32, #tpu.memory_space<hbm>> -> memref<24x1024xf32, #tpu.memory_space<hbm>>
      tpu.wait_dma2 semaphore(%arg7 : memref<!tpu.dma_semaphore, #tpu.memory_space<semaphore_mem>>) src(%dma_wait3A_403 : memref<24x1024xf32, #tpu.memory_space<hbm>>) dst(%dma_wait3A_400 : memref<24x1024xf32, #tpu.memory_space<vmem>>)
    } else {
    }
    %eq3A_27 = arith.constant 1 : i32
    %eq3A_28 = arith.cmpi eq, %rem3A_3, %eq3A_27 : i32
    %convert_element_type3A_29 = arith.extui %eq3A_28 : i1 to i32
    %cond3A_30 = arith.constant 0 : i32
    %cond3A_31 = arith.cmpi ne, %convert_element_type3A_29, %cond3A_30 : i32
    scf.if %cond3A_31 {
      %dma_wait3A_356 = arith.constant 32 : i32
      %dma_wait3A_357 = arith.constant 0 : i32
      %dma_wait3A_358 = tpu.memref_slice %arg6[%dma_wait3A_356, %dma_wait3A_357] : memref<104x1024xf32, #tpu.memory_space<vmem>> -> memref<24x1024xf32, #tpu.memory_space<vmem>>
      %dma_wait3A_359 = arith.constant 32 : i32
      %dma_wait3A_360 = arith.constant 0 : i32
      %dma_wait3A_361 = tpu.memref_slice %arg2[%dma_wait3A_359, %dma_wait3A_360] : memref<104x1024xf32, #tpu.memory_space<hbm>> -> memref<24x1024xf32, #tpu.memory_space<hbm>>
      %dma_wait3A_362 = arith.constant 32 : i32
      %dma_wait3A_363 = arith.constant 0 : i32
      %dma_wait3A_364 = tpu.memref_slice %arg6[%dma_wait3A_362, %dma_wait3A_363] : memref<104x1024xf32, #tpu.memory_space<vmem>> -> memref<24x1024xf32, #tpu.memory_space<vmem>>
      %dma_wait3A_365 = arith.constant 32 : i32
      %dma_wait3A_366 = arith.constant 0 : i32
      %dma_wait3A_367 = tpu.memref_slice %arg2[%dma_wait3A_365, %dma_wait3A_366] : memref<104x1024xf32, #tpu.memory_space<hbm>> -> memref<24x1024xf32, #tpu.memory_space<hbm>>
      tpu.wait_dma2 semaphore(%arg7 : memref<!tpu.dma_semaphore, #tpu.memory_space<semaphore_mem>>) src(%dma_wait3A_367 : memref<24x1024xf32, #tpu.memory_space<hbm>>) dst(%dma_wait3A_364 : memref<24x1024xf32, #tpu.memory_space<vmem>>)
      %dma_wait3A_368 = arith.constant 56 : i32
      %dma_wait3A_369 = arith.constant 0 : i32
      %dma_wait3A_370 = tpu.memref_slice %arg6[%dma_wait3A_368, %dma_wait3A_369] : memref<104x1024xf32, #tpu.memory_space<vmem>> -> memref<24x1024xf32, #tpu.memory_space<vmem>>
      %dma_wait3A_371 = arith.constant 56 : i32
      %dma_wait3A_372 = arith.constant 0 : i32
      %dma_wait3A_373 = tpu.memref_slice %arg2[%dma_wait3A_371, %dma_wait3A_372] : memref<104x1024xf32, #tpu.memory_space<hbm>> -> memref<24x1024xf32, #tpu.memory_space<hbm>>
      %dma_wait3A_374 = arith.constant 56 : i32
      %dma_wait3A_375 = arith.constant 0 : i32
      %dma_wait3A_376 = tpu.memref_slice %arg6[%dma_wait3A_374, %dma_wait3A_375] : memref<104x1024xf32, #tpu.memory_space<vmem>> -> memref<24x1024xf32, #tpu.memory_space<vmem>>
      %dma_wait3A_377 = arith.constant 56 : i32
      %dma_wait3A_378 = arith.constant 0 : i32
      %dma_wait3A_379 = tpu.memref_slice %arg2[%dma_wait3A_377, %dma_wait3A_378] : memref<104x1024xf32, #tpu.memory_space<hbm>> -> memref<24x1024xf32, #tpu.memory_space<hbm>>
      tpu.wait_dma2 semaphore(%arg7 : memref<!tpu.dma_semaphore, #tpu.memory_space<semaphore_mem>>) src(%dma_wait3A_379 : memref<24x1024xf32, #tpu.memory_space<hbm>>) dst(%dma_wait3A_376 : memref<24x1024xf32, #tpu.memory_space<vmem>>)
      %dma_wait3A_380 = arith.constant 80 : i32
      %dma_wait3A_381 = arith.constant 0 : i32
      %dma_wait3A_382 = tpu.memref_slice %arg6[%dma_wait3A_380, %dma_wait3A_381] : memref<104x1024xf32, #tpu.memory_space<vmem>> -> memref<24x1024xf32, #tpu.memory_space<vmem>>
      %dma_wait3A_383 = arith.constant 80 : i32
      %dma_wait3A_384 = arith.constant 0 : i32
      %dma_wait3A_385 = tpu.memref_slice %arg2[%dma_wait3A_383, %dma_wait3A_384] : memref<104x1024xf32, #tpu.memory_space<hbm>> -> memref<24x1024xf32, #tpu.memory_space<hbm>>
      %dma_wait3A_386 = arith.constant 80 : i32
      %dma_wait3A_387 = arith.constant 0 : i32
      %dma_wait3A_388 = tpu.memref_slice %arg6[%dma_wait3A_386, %dma_wait3A_387] : memref<104x1024xf32, #tpu.memory_space<vmem>> -> memref<24x1024xf32, #tpu.memory_space<vmem>>
      %dma_wait3A_389 = arith.constant 80 : i32
      %dma_wait3A_390 = arith.constant 0 : i32
      %dma_wait3A_391 = tpu.memref_slice %arg2[%dma_wait3A_389, %dma_wait3A_390] : memref<104x1024xf32, #tpu.memory_space<hbm>> -> memref<24x1024xf32, #tpu.memory_space<hbm>>
      tpu.wait_dma2 semaphore(%arg7 : memref<!tpu.dma_semaphore, #tpu.memory_space<semaphore_mem>>) src(%dma_wait3A_391 : memref<24x1024xf32, #tpu.memory_space<hbm>>) dst(%dma_wait3A_388 : memref<24x1024xf32, #tpu.memory_space<vmem>>)
      %dma_wait3A_392 = arith.constant 0 : i32
      %dma_wait3A_393 = arith.constant 0 : i32
      %dma_wait3A_394 = tpu.memref_slice %arg6[%dma_wait3A_392, %dma_wait3A_393] : memref<104x1024xf32, #tpu.memory_space<vmem>> -> memref<32x1024xf32, #tpu.memory_space<vmem>>
      %dma_wait3A_395 = arith.constant 0 : i32
      %dma_wait3A_396 = arith.constant 0 : i32
      %dma_wait3A_397 = tpu.memref_slice %arg2[%dma_wait3A_395, %dma_wait3A_396] : memref<104x1024xf32, #tpu.memory_space<hbm>> -> memref<32x1024xf32, #tpu.memory_space<hbm>>
      %dma_wait3A_398 = arith.constant 0 : i32
      %dma_wait3A_399 = arith.constant 0 : i32
      %dma_wait3A_400 = tpu.memref_slice %arg6[%dma_wait3A_398, %dma_wait3A_399] : memref<104x1024xf32, #tpu.memory_space<vmem>> -> memref<32x1024xf32, #tpu.memory_space<vmem>>
      %dma_wait3A_401 = arith.constant 0 : i32
      %dma_wait3A_402 = arith.constant 0 : i32
      %dma_wait3A_403 = tpu.memref_slice %arg2[%dma_wait3A_401, %dma_wait3A_402] : memref<104x1024xf32, #tpu.memory_space<hbm>> -> memref<32x1024xf32, #tpu.memory_space<hbm>>
      tpu.wait_dma2 semaphore(%arg7 : memref<!tpu.dma_semaphore, #tpu.memory_space<semaphore_mem>>) src(%dma_wait3A_403 : memref<32x1024xf32, #tpu.memory_space<hbm>>) dst(%dma_wait3A_400 : memref<32x1024xf32, #tpu.memory_space<vmem>>)
    } else {
    }
    %eq3A_32 = arith.constant 2 : i32
    %eq3A_33 = arith.cmpi eq, %rem3A_3, %eq3A_32 : i32
    %convert_element_type3A_34 = arith.extui %eq3A_33 : i1 to i32
    %cond3A_35 = arith.constant 0 : i32
    %cond3A_36 = arith.cmpi ne, %convert_element_type3A_34, %cond3A_35 : i32
    scf.if %cond3A_36 {
      %dma_wait3A_356 = arith.constant 56 : i32
      %dma_wait3A_357 = arith.constant 0 : i32
      %dma_wait3A_358 = tpu.memref_slice %arg6[%dma_wait3A_356, %dma_wait3A_357] : memref<104x1024xf32, #tpu.memory_space<vmem>> -> memref<24x1024xf32, #tpu.memory_space<vmem>>
      %dma_wait3A_359 = arith.constant 56 : i32
      %dma_wait3A_360 = arith.constant 0 : i32
      %dma_wait3A_361 = tpu.memref_slice %arg2[%dma_wait3A_359, %dma_wait3A_360] : memref<104x1024xf32, #tpu.memory_space<hbm>> -> memref<24x1024xf32, #tpu.memory_space<hbm>>
      %dma_wait3A_362 = arith.constant 56 : i32
      %dma_wait3A_363 = arith.constant 0 : i32
      %dma_wait3A_364 = tpu.memref_slice %arg6[%dma_wait3A_362, %dma_wait3A_363] : memref<104x1024xf32, #tpu.memory_space<vmem>> -> memref<24x1024xf32, #tpu.memory_space<vmem>>
      %dma_wait3A_365 = arith.constant 56 : i32
      %dma_wait3A_366 = arith.constant 0 : i32
      %dma_wait3A_367 = tpu.memref_slice %arg2[%dma_wait3A_365, %dma_wait3A_366] : memref<104x1024xf32, #tpu.memory_space<hbm>> -> memref<24x1024xf32, #tpu.memory_space<hbm>>
      tpu.wait_dma2 semaphore(%arg7 : memref<!tpu.dma_semaphore, #tpu.memory_space<semaphore_mem>>) src(%dma_wait3A_367 : memref<24x1024xf32, #tpu.memory_space<hbm>>) dst(%dma_wait3A_364 : memref<24x1024xf32, #tpu.memory_space<vmem>>)
      %dma_wait3A_368 = arith.constant 80 : i32
      %dma_wait3A_369 = arith.constant 0 : i32
      %dma_wait3A_370 = tpu.memref_slice %arg6[%dma_wait3A_368, %dma_wait3A_369] : memref<104x1024xf32, #tpu.memory_space<vmem>> -> memref<24x1024xf32, #tpu.memory_space<vmem>>
      %dma_wait3A_371 = arith.constant 80 : i32
      %dma_wait3A_372 = arith.constant 0 : i32
      %dma_wait3A_373 = tpu.memref_slice %arg2[%dma_wait3A_371, %dma_wait3A_372] : memref<104x1024xf32, #tpu.memory_space<hbm>> -> memref<24x1024xf32, #tpu.memory_space<hbm>>
      %dma_wait3A_374 = arith.constant 80 : i32
      %dma_wait3A_375 = arith.constant 0 : i32
      %dma_wait3A_376 = tpu.memref_slice %arg6[%dma_wait3A_374, %dma_wait3A_375] : memref<104x1024xf32, #tpu.memory_space<vmem>> -> memref<24x1024xf32, #tpu.memory_space<vmem>>
      %dma_wait3A_377 = arith.constant 80 : i32
      %dma_wait3A_378 = arith.constant 0 : i32
      %dma_wait3A_379 = tpu.memref_slice %arg2[%dma_wait3A_377, %dma_wait3A_378] : memref<104x1024xf32, #tpu.memory_space<hbm>> -> memref<24x1024xf32, #tpu.memory_space<hbm>>
      tpu.wait_dma2 semaphore(%arg7 : memref<!tpu.dma_semaphore, #tpu.memory_space<semaphore_mem>>) src(%dma_wait3A_379 : memref<24x1024xf32, #tpu.memory_space<hbm>>) dst(%dma_wait3A_376 : memref<24x1024xf32, #tpu.memory_space<vmem>>)
      %dma_wait3A_380 = arith.constant 0 : i32
      %dma_wait3A_381 = arith.constant 0 : i32
      %dma_wait3A_382 = tpu.memref_slice %arg6[%dma_wait3A_380, %dma_wait3A_381] : memref<104x1024xf32, #tpu.memory_space<vmem>> -> memref<32x1024xf32, #tpu.memory_space<vmem>>
      %dma_wait3A_383 = arith.constant 0 : i32
      %dma_wait3A_384 = arith.constant 0 : i32
      %dma_wait3A_385 = tpu.memref_slice %arg2[%dma_wait3A_383, %dma_wait3A_384] : memref<104x1024xf32, #tpu.memory_space<hbm>> -> memref<32x1024xf32, #tpu.memory_space<hbm>>
      %dma_wait3A_386 = arith.constant 0 : i32
      %dma_wait3A_387 = arith.constant 0 : i32
      %dma_wait3A_388 = tpu.memref_slice %arg6[%dma_wait3A_386, %dma_wait3A_387] : memref<104x1024xf32, #tpu.memory_space<vmem>> -> memref<32x1024xf32, #tpu.memory_space<vmem>>
      %dma_wait3A_389 = arith.constant 0 : i32
      %dma_wait3A_390 = arith.constant 0 : i32
      %dma_wait3A_391 = tpu.memref_slice %arg2[%dma_wait3A_389, %dma_wait3A_390] : memref<104x1024xf32, #tpu.memory_space<hbm>> -> memref<32x1024xf32, #tpu.memory_space<hbm>>
      tpu.wait_dma2 semaphore(%arg7 : memref<!tpu.dma_semaphore, #tpu.memory_space<semaphore_mem>>) src(%dma_wait3A_391 : memref<32x1024xf32, #tpu.memory_space<hbm>>) dst(%dma_wait3A_388 : memref<32x1024xf32, #tpu.memory_space<vmem>>)
      %dma_wait3A_392 = arith.constant 32 : i32
      %dma_wait3A_393 = arith.constant 0 : i32
      %dma_wait3A_394 = tpu.memref_slice %arg6[%dma_wait3A_392, %dma_wait3A_393] : memref<104x1024xf32, #tpu.memory_space<vmem>> -> memref<24x1024xf32, #tpu.memory_space<vmem>>
      %dma_wait3A_395 = arith.constant 32 : i32
      %dma_wait3A_396 = arith.constant 0 : i32
      %dma_wait3A_397 = tpu.memref_slice %arg2[%dma_wait3A_395, %dma_wait3A_396] : memref<104x1024xf32, #tpu.memory_space<hbm>> -> memref<24x1024xf32, #tpu.memory_space<hbm>>
      %dma_wait3A_398 = arith.constant 32 : i32
      %dma_wait3A_399 = arith.constant 0 : i32
      %dma_wait3A_400 = tpu.memref_slice %arg6[%dma_wait3A_398, %dma_wait3A_399] : memref<104x1024xf32, #tpu.memory_space<vmem>> -> memref<24x1024xf32, #tpu.memory_space<vmem>>
      %dma_wait3A_401 = arith.constant 32 : i32
      %dma_wait3A_402 = arith.constant 0 : i32
      %dma_wait3A_403 = tpu.memref_slice %arg2[%dma_wait3A_401, %dma_wait3A_402] : memref<104x1024xf32, #tpu.memory_space<hbm>> -> memref<24x1024xf32, #tpu.memory_space<hbm>>
      tpu.wait_dma2 semaphore(%arg7 : memref<!tpu.dma_semaphore, #tpu.memory_space<semaphore_mem>>) src(%dma_wait3A_403 : memref<24x1024xf32, #tpu.memory_space<hbm>>) dst(%dma_wait3A_400 : memref<24x1024xf32, #tpu.memory_space<vmem>>)
    } else {
    }
    %eq3A_37 = arith.constant 3 : i32
    %eq3A_38 = arith.cmpi eq, %rem3A_3, %eq3A_37 : i32
    %convert_element_type3A_39 = arith.extui %eq3A_38 : i1 to i32
    %cond3A_40 = arith.constant 0 : i32
    %cond3A_41 = arith.cmpi ne, %convert_element_type3A_39, %cond3A_40 : i32
    scf.if %cond3A_41 {
      %dma_wait3A_356 = arith.constant 80 : i32
      %dma_wait3A_357 = arith.constant 0 : i32
      %dma_wait3A_358 = tpu.memref_slice %arg6[%dma_wait3A_356, %dma_wait3A_357] : memref<104x1024xf32, #tpu.memory_space<vmem>> -> memref<24x1024xf32, #tpu.memory_space<vmem>>
      %dma_wait3A_359 = arith.constant 80 : i32
      %dma_wait3A_360 = arith.constant 0 : i32
      %dma_wait3A_361 = tpu.memref_slice %arg2[%dma_wait3A_359, %dma_wait3A_360] : memref<104x1024xf32, #tpu.memory_space<hbm>> -> memref<24x1024xf32, #tpu.memory_space<hbm>>
      %dma_wait3A_362 = arith.constant 80 : i32
      %dma_wait3A_363 = arith.constant 0 : i32
      %dma_wait3A_364 = tpu.memref_slice %arg6[%dma_wait3A_362, %dma_wait3A_363] : memref<104x1024xf32, #tpu.memory_space<vmem>> -> memref<24x1024xf32, #tpu.memory_space<vmem>>
      %dma_wait3A_365 = arith.constant 80 : i32
      %dma_wait3A_366 = arith.constant 0 : i32
      %dma_wait3A_367 = tpu.memref_slice %arg2[%dma_wait3A_365, %dma_wait3A_366] : memref<104x1024xf32, #tpu.memory_space<hbm>> -> memref<24x1024xf32, #tpu.memory_space<hbm>>
      tpu.wait_dma2 semaphore(%arg7 : memref<!tpu.dma_semaphore, #tpu.memory_space<semaphore_mem>>) src(%dma_wait3A_367 : memref<24x1024xf32, #tpu.memory_space<hbm>>) dst(%dma_wait3A_364 : memref<24x1024xf32, #tpu.memory_space<vmem>>)
      %dma_wait3A_368 = arith.constant 0 : i32
      %dma_wait3A_369 = arith.constant 0 : i32
      %dma_wait3A_370 = tpu.memref_slice %arg6[%dma_wait3A_368, %dma_wait3A_369] : memref<104x1024xf32, #tpu.memory_space<vmem>> -> memref<32x1024xf32, #tpu.memory_space<vmem>>
      %dma_wait3A_371 = arith.constant 0 : i32
      %dma_wait3A_372 = arith.constant 0 : i32
      %dma_wait3A_373 = tpu.memref_slice %arg2[%dma_wait3A_371, %dma_wait3A_372] : memref<104x1024xf32, #tpu.memory_space<hbm>> -> memref<32x1024xf32, #tpu.memory_space<hbm>>
      %dma_wait3A_374 = arith.constant 0 : i32
      %dma_wait3A_375 = arith.constant 0 : i32
      %dma_wait3A_376 = tpu.memref_slice %arg6[%dma_wait3A_374, %dma_wait3A_375] : memref<104x1024xf32, #tpu.memory_space<vmem>> -> memref<32x1024xf32, #tpu.memory_space<vmem>>
      %dma_wait3A_377 = arith.constant 0 : i32
      %dma_wait3A_378 = arith.constant 0 : i32
      %dma_wait3A_379 = tpu.memref_slice %arg2[%dma_wait3A_377, %dma_wait3A_378] : memref<104x1024xf32, #tpu.memory_space<hbm>> -> memref<32x1024xf32, #tpu.memory_space<hbm>>
      tpu.wait_dma2 semaphore(%arg7 : memref<!tpu.dma_semaphore, #tpu.memory_space<semaphore_mem>>) src(%dma_wait3A_379 : memref<32x1024xf32, #tpu.memory_space<hbm>>) dst(%dma_wait3A_376 : memref<32x1024xf32, #tpu.memory_space<vmem>>)
      %dma_wait3A_380 = arith.constant 32 : i32
      %dma_wait3A_381 = arith.constant 0 : i32
      %dma_wait3A_382 = tpu.memref_slice %arg6[%dma_wait3A_380, %dma_wait3A_381] : memref<104x1024xf32, #tpu.memory_space<vmem>> -> memref<24x1024xf32, #tpu.memory_space<vmem>>
      %dma_wait3A_383 = arith.constant 32 : i32
      %dma_wait3A_384 = arith.constant 0 : i32
      %dma_wait3A_385 = tpu.memref_slice %arg2[%dma_wait3A_383, %dma_wait3A_384] : memref<104x1024xf32, #tpu.memory_space<hbm>> -> memref<24x1024xf32, #tpu.memory_space<hbm>>
      %dma_wait3A_386 = arith.constant 32 : i32
      %dma_wait3A_387 = arith.constant 0 : i32
      %dma_wait3A_388 = tpu.memref_slice %arg6[%dma_wait3A_386, %dma_wait3A_387] : memref<104x1024xf32, #tpu.memory_space<vmem>> -> memref<24x1024xf32, #tpu.memory_space<vmem>>
      %dma_wait3A_389 = arith.constant 32 : i32
      %dma_wait3A_390 = arith.constant 0 : i32
      %dma_wait3A_391 = tpu.memref_slice %arg2[%dma_wait3A_389, %dma_wait3A_390] : memref<104x1024xf32, #tpu.memory_space<hbm>> -> memref<24x1024xf32, #tpu.memory_space<hbm>>
      tpu.wait_dma2 semaphore(%arg7 : memref<!tpu.dma_semaphore, #tpu.memory_space<semaphore_mem>>) src(%dma_wait3A_391 : memref<24x1024xf32, #tpu.memory_space<hbm>>) dst(%dma_wait3A_388 : memref<24x1024xf32, #tpu.memory_space<vmem>>)
      %dma_wait3A_392 = arith.constant 56 : i32
      %dma_wait3A_393 = arith.constant 0 : i32
      %dma_wait3A_394 = tpu.memref_slice %arg6[%dma_wait3A_392, %dma_wait3A_393] : memref<104x1024xf32, #tpu.memory_space<vmem>> -> memref<24x1024xf32, #tpu.memory_space<vmem>>
      %dma_wait3A_395 = arith.constant 56 : i32
      %dma_wait3A_396 = arith.constant 0 : i32
      %dma_wait3A_397 = tpu.memref_slice %arg2[%dma_wait3A_395, %dma_wait3A_396] : memref<104x1024xf32, #tpu.memory_space<hbm>> -> memref<24x1024xf32, #tpu.memory_space<hbm>>
      %dma_wait3A_398 = arith.constant 56 : i32
      %dma_wait3A_399 = arith.constant 0 : i32
      %dma_wait3A_400 = tpu.memref_slice %arg6[%dma_wait3A_398, %dma_wait3A_399] : memref<104x1024xf32, #tpu.memory_space<vmem>> -> memref<24x1024xf32, #tpu.memory_space<vmem>>
      %dma_wait3A_401 = arith.constant 56 : i32
      %dma_wait3A_402 = arith.constant 0 : i32
      %dma_wait3A_403 = tpu.memref_slice %arg2[%dma_wait3A_401, %dma_wait3A_402] : memref<104x1024xf32, #tpu.memory_space<hbm>> -> memref<24x1024xf32, #tpu.memory_space<hbm>>
      tpu.wait_dma2 semaphore(%arg7 : memref<!tpu.dma_semaphore, #tpu.memory_space<semaphore_mem>>) src(%dma_wait3A_403 : memref<24x1024xf32, #tpu.memory_space<hbm>>) dst(%dma_wait3A_400 : memref<24x1024xf32, #tpu.memory_space<vmem>>)
    } else {
    }
    %dma_wait3A = tpu.memref_slice %arg3[%mul3A_2] : memref<16384xi32, #tpu.memory_space<hbm>> -> memref<512xi32, #tpu.memory_space<hbm>>
    %dma_wait3A_42 = tpu.memref_slice %arg3[%mul3A_2] : memref<16384xi32, #tpu.memory_space<hbm>> -> memref<512xi32, #tpu.memory_space<hbm>>
    tpu.wait_dma2 semaphore(%arg8 : memref<!tpu.dma_semaphore, #tpu.memory_space<semaphore_mem>>) src(%dma_wait3A_42 : memref<512xi32, #tpu.memory_space<hbm>>) dst(%arg5 : memref<512xi32, #tpu.memory_space<vmem>>)
    %get3A = arith.constant 0 : index
    %get3A_43 = tpu.vector_load %arg5[%get3A] {strides = array<i32>} : memref<512xi32, #tpu.memory_space<vmem>>, vector<16xi32>,
    %get3A_44 = vector.shape_cast %get3A_43 : vector<16xi32> to vector<16xi32>
    %slice3A = vector.extract_strided_slice %get3A_44 {offsets = [0], sizes = [1], strides = [1]} : vector<16xi32> to vector<1xi32>
    %squeeze3A = vector.extract %slice3A[0] : i32 from vector<1xi32>
    %add3A_45 = arith.constant 0 : i32
    %add3A_46 = arith.addi %mul3A_2, %add3A_45 : i32
    %add3A_47 = arith.constant 0 : i32
    %add3A_48 = arith.addi %add3A_46, %add3A_47 : i32
    %dma_start3A_49 = arith.constant 0 : i32
    %dma_start3A_50 = tpu.memref_slice %arg6[%squeeze3A, %dma_start3A_49] : memref<104x1024xf32, #tpu.memory_space<vmem>> -> memref<1x1024xf32, #tpu.memory_space<vmem>>
    %dma_start3A_51 = tpu.memref_squeeze %dma_start3A_50 : memref<1x1024xf32, #tpu.memory_space<vmem>> -> memref<1024xf32, #tpu.memory_space<vmem>>
    %dma_start3A_52 = arith.constant 0 : i32
    %dma_start3A_53 = tpu.memref_slice %arg4[%add3A_48, %dma_start3A_52] : memref<16384x1024xf32, #tpu.memory_space<hbm>> -> memref<1x1024xf32, #tpu.memory_space<hbm>>
    %dma_start3A_54 = tpu.memref_squeeze %dma_start3A_53 : memref<1x1024xf32, #tpu.memory_space<hbm>> -> memref<1024xf32, #tpu.memory_space<hbm>>
    %dma_start3A_55 = arith.constant 0 : i32
    %dma_start3A_56 = tpu.memref_slice %arg4[%add3A_48, %dma_start3A_55] : memref<16384x1024xf32, #tpu.memory_space<hbm>> -> memref<1x1024xf32, #tpu.memory_space<hbm>>
    %dma_start3A_57 = tpu.memref_squeeze %dma_start3A_56 : memref<1x1024xf32, #tpu.memory_space<hbm>> -> memref<1024xf32, #tpu.memory_space<hbm>>
    %dma_start3A_58 = arith.constant 0 : i32
    %dma_start3A_59 = tpu.memref_slice %arg6[%squeeze3A, %dma_start3A_58] : memref<104x1024xf32, #tpu.memory_space<vmem>> -> memref<1x1024xf32, #tpu.memory_space<vmem>>
    %dma_start3A_60 = tpu.memref_squeeze %dma_start3A_59 : memref<1x1024xf32, #tpu.memory_space<vmem>> -> memref<1024xf32, #tpu.memory_space<vmem>>
    tpu.enqueue_dma source(%dma_start3A_60 : memref<1024xf32, #tpu.memory_space<vmem>>) target(%dma_start3A_57 : memref<1024xf32, #tpu.memory_space<hbm>>) target_semaphore(%arg7 : memref<!tpu.dma_semaphore, #tpu.memory_space<semaphore_mem>>)
    %slice3A_61 = vector.extract_strided_slice %get3A_44 {offsets = [1], sizes = [1], strides = [1]} : vector<16xi32> to vector<1xi32>
    %squeeze3A_62 = vector.extract %slice3A_61[0] : i32 from vector<1xi32>
    %add3A_63 = arith.constant 0 : i32
    %add3A_64 = arith.addi %mul3A_2, %add3A_63 : i32
    %add3A_65 = arith.constant 1 : i32
    %add3A_66 = arith.addi %add3A_64, %add3A_65 : i32
    %dma_start3A_67 = arith.constant 0 : i32
    %dma_start3A_68 = tpu.memref_slice %arg6[%squeeze3A_62, %dma_start3A_67] : memref<104x1024xf32, #tpu.memory_space<vmem>> -> memref<1x1024xf32, #tpu.memory_space<vmem>>
    %dma_start3A_69 = tpu.memref_squeeze %dma_start3A_68 : memref<1x1024xf32, #tpu.memory_space<vmem>> -> memref<1024xf32, #tpu.memory_space<vmem>>
    %dma_start3A_70 = arith.constant 0 : i32
    %dma_start3A_71 = tpu.memref_slice %arg4[%add3A_66, %dma_start3A_70] : memref<16384x1024xf32, #tpu.memory_space<hbm>> -> memref<1x1024xf32, #tpu.memory_space<hbm>>
    %dma_start3A_72 = tpu.memref_squeeze %dma_start3A_71 : memref<1x1024xf32, #tpu.memory_space<hbm>> -> memref<1024xf32, #tpu.memory_space<hbm>>
    %dma_start3A_73 = arith.constant 0 : i32
    %dma_start3A_74 = tpu.memref_slice %arg4[%add3A_66, %dma_start3A_73] : memref<16384x1024xf32, #tpu.memory_space<hbm>> -> memref<1x1024xf32, #tpu.memory_space<hbm>>
    %dma_start3A_75 = tpu.memref_squeeze %dma_start3A_74 : memref<1x1024xf32, #tpu.memory_space<hbm>> -> memref<1024xf32, #tpu.memory_space<hbm>>
    %dma_start3A_76 = arith.constant 0 : i32
    %dma_start3A_77 = tpu.memref_slice %arg6[%squeeze3A_62, %dma_start3A_76] : memref<104x1024xf32, #tpu.memory_space<vmem>> -> memref<1x1024xf32, #tpu.memory_space<vmem>>
    %dma_start3A_78 = tpu.memref_squeeze %dma_start3A_77 : memref<1x1024xf32, #tpu.memory_space<vmem>> -> memref<1024xf32, #tpu.memory_space<vmem>>
    tpu.enqueue_dma source(%dma_start3A_78 : memref<1024xf32, #tpu.memory_space<vmem>>) target(%dma_start3A_75 : memref<1024xf32, #tpu.memory_space<hbm>>) target_semaphore(%arg7 : memref<!tpu.dma_semaphore, #tpu.memory_space<semaphore_mem>>)
    %slice3A_79 = vector.extract_strided_slice %get3A_44 {offsets = [2], sizes = [1], strides = [1]} : vector<16xi32> to vector<1xi32>
    %squeeze3A_80 = vector.extract %slice3A_79[0] : i32 from vector<1xi32>
    %add3A_81 = arith.constant 0 : i32
    %add3A_82 = arith.addi %mul3A_2, %add3A_81 : i32
    %add3A_83 = arith.constant 2 : i32
    %add3A_84 = arith.addi %add3A_82, %add3A_83 : i32
    %dma_start3A_85 = arith.constant 0 : i32
    %dma_start3A_86 = tpu.memref_slice %arg6[%squeeze3A_80, %dma_start3A_85] : memref<104x1024xf32, #tpu.memory_space<vmem>> -> memref<1x1024xf32, #tpu.memory_space<vmem>>
    %dma_start3A_87 = tpu.memref_squeeze %dma_start3A_86 : memref<1x1024xf32, #tpu.memory_space<vmem>> -> memref<1024xf32, #tpu.memory_space<vmem>>
    %dma_start3A_88 = arith.constant 0 : i32
    %dma_start3A_89 = tpu.memref_slice %arg4[%add3A_84, %dma_start3A_88] : memref<16384x1024xf32, #tpu.memory_space<hbm>> -> memref<1x1024xf32, #tpu.memory_space<hbm>>
    %dma_start3A_90 = tpu.memref_squeeze %dma_start3A_89 : memref<1x1024xf32, #tpu.memory_space<hbm>> -> memref<1024xf32, #tpu.memory_space<hbm>>
    %dma_start3A_91 = arith.constant 0 : i32
    %dma_start3A_92 = tpu.memref_slice %arg4[%add3A_84, %dma_start3A_91] : memref<16384x1024xf32, #tpu.memory_space<hbm>> -> memref<1x1024xf32, #tpu.memory_space<hbm>>
    %dma_start3A_93 = tpu.memref_squeeze %dma_start3A_92 : memref<1x1024xf32, #tpu.memory_space<hbm>> -> memref<1024xf32, #tpu.memory_space<hbm>>
    %dma_start3A_94 = arith.constant 0 : i32
    %dma_start3A_95 = tpu.memref_slice %arg6[%squeeze3A_80, %dma_start3A_94] : memref<104x1024xf32, #tpu.memory_space<vmem>> -> memref<1x1024xf32, #tpu.memory_space<vmem>>
    %dma_start3A_96 = tpu.memref_squeeze %dma_start3A_95 : memref<1x1024xf32, #tpu.memory_space<vmem>> -> memref<1024xf32, #tpu.memory_space<vmem>>
    tpu.enqueue_dma source(%dma_start3A_96 : memref<1024xf32, #tpu.memory_space<vmem>>) target(%dma_start3A_93 : memref<1024xf32, #tpu.memory_space<hbm>>) target_semaphore(%arg7 : memref<!tpu.dma_semaphore, #tpu.memory_space<semaphore_mem>>)
    %slice3A_97 = vector.extract_strided_slice %get3A_44 {offsets = [3], sizes = [1], strides = [1]} : vector<16xi32> to vector<1xi32>
    %squeeze3A_98 = vector.extract %slice3A_97[0] : i32 from vector<1xi32>
    %add3A_99 = arith.constant 0 : i32
    %add3A_100 = arith.addi %mul3A_2, %add3A_99 : i32
    %add3A_101 = arith.constant 3 : i32
    %add3A_102 = arith.addi %add3A_100, %add3A_101 : i32
    %dma_start3A_103 = arith.constant 0 : i32
    %dma_start3A_104 = tpu.memref_slice %arg6[%squeeze3A_98, %dma_start3A_103] : memref<104x1024xf32, #tpu.memory_space<vmem>> -> memref<1x1024xf32, #tpu.memory_space<vmem>>
    %dma_start3A_105 = tpu.memref_squeeze %dma_start3A_104 : memref<1x1024xf32, #tpu.memory_space<vmem>> -> memref<1024xf32, #tpu.memory_space<vmem>>
    %dma_start3A_106 = arith.constant 0 : i32
    %dma_start3A_107 = tpu.memref_slice %arg4[%add3A_102, %dma_start3A_106] : memref<16384x1024xf32, #tpu.memory_space<hbm>> -> memref<1x1024xf32, #tpu.memory_space<hbm>>
    %dma_start3A_108 = tpu.memref_squeeze %dma_start3A_107 : memref<1x1024xf32, #tpu.memory_space<hbm>> -> memref<1024xf32, #tpu.memory_space<hbm>>
    %dma_start3A_109 = arith.constant 0 : i32
    %dma_start3A_110 = tpu.memref_slice %arg4[%add3A_102, %dma_start3A_109] : memref<16384x1024xf32, #tpu.memory_space<hbm>> -> memref<1x1024xf32, #tpu.memory_space<hbm>>
    %dma_start3A_111 = tpu.memref_squeeze %dma_start3A_110 : memref<1x1024xf32, #tpu.memory_space<hbm>> -> memref<1024xf32, #tpu.memory_space<hbm>>
    %dma_start3A_112 = arith.constant 0 : i32
    %dma_start3A_113 = tpu.memref_slice %arg6[%squeeze3A_98, %dma_start3A_112] : memref<104x1024xf32, #tpu.memory_space<vmem>> -> memref<1x1024xf32, #tpu.memory_space<vmem>>
    %dma_start3A_114 = tpu.memref_squeeze %dma_start3A_113 : memref<1x1024xf32, #tpu.memory_space<vmem>> -> memref<1024xf32, #tpu.memory_space<vmem>>
    tpu.enqueue_dma source(%dma_start3A_114 : memref<1024xf32, #tpu.memory_space<vmem>>) target(%dma_start3A_111 : memref<1024xf32, #tpu.memory_space<hbm>>) target_semaphore(%arg7 : memref<!tpu.dma_semaphore, #tpu.memory_space<semaphore_mem>>)
    %slice3A_115 = vector.extract_strided_slice %get3A_44 {offsets = [4], sizes = [1], strides = [1]} : vector<16xi32> to vector<1xi32>
    %squeeze3A_116 = vector.extract %slice3A_115[0] : i32 from vector<1xi32>
    %add3A_117 = arith.constant 0 : i32
    %add3A_118 = arith.addi %mul3A_2, %add3A_117 : i32
    %add3A_119 = arith.constant 4 : i32
    %add3A_120 = arith.addi %add3A_118, %add3A_119 : i32
    %dma_start3A_121 = arith.constant 0 : i32
    %dma_start3A_122 = tpu.memref_slice %arg6[%squeeze3A_116, %dma_start3A_121] : memref<104x1024xf32, #tpu.memory_space<vmem>> -> memref<1x1024xf32, #tpu.memory_space<vmem>>
    %dma_start3A_123 = tpu.memref_squeeze %dma_start3A_122 : memref<1x1024xf32, #tpu.memory_space<vmem>> -> memref<1024xf32, #tpu.memory_space<vmem>>
    %dma_start3A_124 = arith.constant 0 : i32
    %dma_start3A_125 = tpu.memref_slice %arg4[%add3A_120, %dma_start3A_124] : memref<16384x1024xf32, #tpu.memory_space<hbm>> -> memref<1x1024xf32, #tpu.memory_space<hbm>>
    %dma_start3A_126 = tpu.memref_squeeze %dma_start3A_125 : memref<1x1024xf32, #tpu.memory_space<hbm>> -> memref<1024xf32, #tpu.memory_space<hbm>>
    %dma_start3A_127 = arith.constant 0 : i32
    %dma_start3A_128 = tpu.memref_slice %arg4[%add3A_120, %dma_start3A_127] : memref<16384x1024xf32, #tpu.memory_space<hbm>> -> memref<1x1024xf32, #tpu.memory_space<hbm>>
    %dma_start3A_129 = tpu.memref_squeeze %dma_start3A_128 : memref<1x1024xf32, #tpu.memory_space<hbm>> -> memref<1024xf32, #tpu.memory_space<hbm>>
    %dma_start3A_130 = arith.constant 0 : i32
    %dma_start3A_131 = tpu.memref_slice %arg6[%squeeze3A_116, %dma_start3A_130] : memref<104x1024xf32, #tpu.memory_space<vmem>> -> memref<1x1024xf32, #tpu.memory_space<vmem>>
    %dma_start3A_132 = tpu.memref_squeeze %dma_start3A_131 : memref<1x1024xf32, #tpu.memory_space<vmem>> -> memref<1024xf32, #tpu.memory_space<vmem>>
    tpu.enqueue_dma source(%dma_start3A_132 : memref<1024xf32, #tpu.memory_space<vmem>>) target(%dma_start3A_129 : memref<1024xf32, #tpu.memory_space<hbm>>) target_semaphore(%arg7 : memref<!tpu.dma_semaphore, #tpu.memory_space<semaphore_mem>>)
    %slice3A_133 = vector.extract_strided_slice %get3A_44 {offsets = [5], sizes = [1], strides = [1]} : vector<16xi32> to vector<1xi32>
    %squeeze3A_134 = vector.extract %slice3A_133[0] : i32 from vector<1xi32>
    %add3A_135 = arith.constant 0 : i32
    %add3A_136 = arith.addi %mul3A_2, %add3A_135 : i32
    %add3A_137 = arith.constant 5 : i32
    %add3A_138 = arith.addi %add3A_136, %add3A_137 : i32
    %dma_start3A_139 = arith.constant 0 : i32
    %dma_start3A_140 = tpu.memref_slice %arg6[%squeeze3A_134, %dma_start3A_139] : memref<104x1024xf32, #tpu.memory_space<vmem>> -> memref<1x1024xf32, #tpu.memory_space<vmem>>
    %dma_start3A_141 = tpu.memref_squeeze %dma_start3A_140 : memref<1x1024xf32, #tpu.memory_space<vmem>> -> memref<1024xf32, #tpu.memory_space<vmem>>
    %dma_start3A_142 = arith.constant 0 : i32
    %dma_start3A_143 = tpu.memref_slice %arg4[%add3A_138, %dma_start3A_142] : memref<16384x1024xf32, #tpu.memory_space<hbm>> -> memref<1x1024xf32, #tpu.memory_space<hbm>>
    %dma_start3A_144 = tpu.memref_squeeze %dma_start3A_143 : memref<1x1024xf32, #tpu.memory_space<hbm>> -> memref<1024xf32, #tpu.memory_space<hbm>>
    %dma_start3A_145 = arith.constant 0 : i32
    %dma_start3A_146 = tpu.memref_slice %arg4[%add3A_138, %dma_start3A_145] : memref<16384x1024xf32, #tpu.memory_space<hbm>> -> memref<1x1024xf32, #tpu.memory_space<hbm>>
    %dma_start3A_147 = tpu.memref_squeeze %dma_start3A_146 : memref<1x1024xf32, #tpu.memory_space<hbm>> -> memref<1024xf32, #tpu.memory_space<hbm>>
    %dma_start3A_148 = arith.constant 0 : i32
    %dma_start3A_149 = tpu.memref_slice %arg6[%squeeze3A_134, %dma_start3A_148] : memref<104x1024xf32, #tpu.memory_space<vmem>> -> memref<1x1024xf32, #tpu.memory_space<vmem>>
    %dma_start3A_150 = tpu.memref_squeeze %dma_start3A_149 : memref<1x1024xf32, #tpu.memory_space<vmem>> -> memref<1024xf32, #tpu.memory_space<vmem>>
    tpu.enqueue_dma source(%dma_start3A_150 : memref<1024xf32, #tpu.memory_space<vmem>>) target(%dma_start3A_147 : memref<1024xf32, #tpu.memory_space<hbm>>) target_semaphore(%arg7 : memref<!tpu.dma_semaphore, #tpu.memory_space<semaphore_mem>>)
    %slice3A_151 = vector.extract_strided_slice %get3A_44 {offsets = [6], sizes = [1], strides = [1]} : vector<16xi32> to vector<1xi32>
    %squeeze3A_152 = vector.extract %slice3A_151[0] : i32 from vector<1xi32>
    %add3A_153 = arith.constant 0 : i32
    %add3A_154 = arith.addi %mul3A_2, %add3A_153 : i32
    %add3A_155 = arith.constant 6 : i32
    %add3A_156 = arith.addi %add3A_154, %add3A_155 : i32
    %dma_start3A_157 = arith.constant 0 : i32
    %dma_start3A_158 = tpu.memref_slice %arg6[%squeeze3A_152, %dma_start3A_157] : memref<104x1024xf32, #tpu.memory_space<vmem>> -> memref<1x1024xf32, #tpu.memory_space<vmem>>
    %dma_start3A_159 = tpu.memref_squeeze %dma_start3A_158 : memref<1x1024xf32, #tpu.memory_space<vmem>> -> memref<1024xf32, #tpu.memory_space<vmem>>
    %dma_start3A_160 = arith.constant 0 : i32
    %dma_start3A_161 = tpu.memref_slice %arg4[%add3A_156, %dma_start3A_160] : memref<16384x1024xf32, #tpu.memory_space<hbm>> -> memref<1x1024xf32, #tpu.memory_space<hbm>>
    %dma_start3A_162 = tpu.memref_squeeze %dma_start3A_161 : memref<1x1024xf32, #tpu.memory_space<hbm>> -> memref<1024xf32, #tpu.memory_space<hbm>>
    %dma_start3A_163 = arith.constant 0 : i32
    %dma_start3A_164 = tpu.memref_slice %arg4[%add3A_156, %dma_start3A_163] : memref<16384x1024xf32, #tpu.memory_space<hbm>> -> memref<1x1024xf32, #tpu.memory_space<hbm>>
    %dma_start3A_165 = tpu.memref_squeeze %dma_start3A_164 : memref<1x1024xf32, #tpu.memory_space<hbm>> -> memref<1024xf32, #tpu.memory_space<hbm>>
    %dma_start3A_166 = arith.constant 0 : i32
    %dma_start3A_167 = tpu.memref_slice %arg6[%squeeze3A_152, %dma_start3A_166] : memref<104x1024xf32, #tpu.memory_space<vmem>> -> memref<1x1024xf32, #tpu.memory_space<vmem>>
    %dma_start3A_168 = tpu.memref_squeeze %dma_start3A_167 : memref<1x1024xf32, #tpu.memory_space<vmem>> -> memref<1024xf32, #tpu.memory_space<vmem>>
    tpu.enqueue_dma source(%dma_start3A_168 : memref<1024xf32, #tpu.memory_space<vmem>>) target(%dma_start3A_165 : memref<1024xf32, #tpu.memory_space<hbm>>) target_semaphore(%arg7 : memref<!tpu.dma_semaphore, #tpu.memory_space<semaphore_mem>>)
    %slice3A_169 = vector.extract_strided_slice %get3A_44 {offsets = [7], sizes = [1], strides = [1]} : vector<16xi32> to vector<1xi32>
    %squeeze3A_170 = vector.extract %slice3A_169[0] : i32 from vector<1xi32>
    %add3A_171 = arith.constant 0 : i32
    %add3A_172 = arith.addi %mul3A_2, %add3A_171 : i32
    %add3A_173 = arith.constant 7 : i32
    %add3A_174 = arith.addi %add3A_172, %add3A_173 : i32
    %dma_start3A_175 = arith.constant 0 : i32
    %dma_start3A_176 = tpu.memref_slice %arg6[%squeeze3A_170, %dma_start3A_175] : memref<104x1024xf32, #tpu.memory_space<vmem>> -> memref<1x1024xf32, #tpu.memory_space<vmem>>
    %dma_start3A_177 = tpu.memref_squeeze %dma_start3A_176 : memref<1x1024xf32, #tpu.memory_space<vmem>> -> memref<1024xf32, #tpu.memory_space<vmem>>
    %dma_start3A_178 = arith.constant 0 : i32
    %dma_start3A_179 = tpu.memref_slice %arg4[%add3A_174, %dma_start3A_178] : memref<16384x1024xf32, #tpu.memory_space<hbm>> -> memref<1x1024xf32, #tpu.memory_space<hbm>>
    %dma_start3A_180 = tpu.memref_squeeze %dma_start3A_179 : memref<1x1024xf32, #tpu.memory_space<hbm>> -> memref<1024xf32, #tpu.memory_space<hbm>>
    %dma_start3A_181 = arith.constant 0 : i32
    %dma_start3A_182 = tpu.memref_slice %arg4[%add3A_174, %dma_start3A_181] : memref<16384x1024xf32, #tpu.memory_space<hbm>> -> memref<1x1024xf32, #tpu.memory_space<hbm>>
    %dma_start3A_183 = tpu.memref_squeeze %dma_start3A_182 : memref<1x1024xf32, #tpu.memory_space<hbm>> -> memref<1024xf32, #tpu.memory_space<hbm>>
    %dma_start3A_184 = arith.constant 0 : i32
    %dma_start3A_185 = tpu.memref_slice %arg6[%squeeze3A_170, %dma_start3A_184] : memref<104x1024xf32, #tpu.memory_space<vmem>> -> memref<1x1024xf32, #tpu.memory_space<vmem>>
    %dma_start3A_186 = tpu.memref_squeeze %dma_start3A_185 : memref<1x1024xf32, #tpu.memory_space<vmem>> -> memref<1024xf32, #tpu.memory_space<vmem>>
    tpu.enqueue_dma source(%dma_start3A_186 : memref<1024xf32, #tpu.memory_space<vmem>>) target(%dma_start3A_183 : memref<1024xf32, #tpu.memory_space<hbm>>) target_semaphore(%arg7 : memref<!tpu.dma_semaphore, #tpu.memory_space<semaphore_mem>>)
    %slice3A_187 = vector.extract_strided_slice %get3A_44 {offsets = [8], sizes = [1], strides = [1]} : vector<16xi32> to vector<1xi32>
    %squeeze3A_188 = vector.extract %slice3A_187[0] : i32 from vector<1xi32>
    %add3A_189 = arith.constant 0 : i32
    %add3A_190 = arith.addi %mul3A_2, %add3A_189 : i32
    %add3A_191 = arith.constant 8 : i32
    %add3A_192 = arith.addi %add3A_190, %add3A_191 : i32
    %dma_start3A_193 = arith.constant 0 : i32
    %dma_start3A_194 = tpu.memref_slice %arg6[%squeeze3A_188, %dma_start3A_193] : memref<104x1024xf32, #tpu.memory_space<vmem>> -> memref<1x1024xf32, #tpu.memory_space<vmem>>
    %dma_start3A_195 = tpu.memref_squeeze %dma_start3A_194 : memref<1x1024xf32, #tpu.memory_space<vmem>> -> memref<1024xf32, #tpu.memory_space<vmem>>
    %dma_start3A_196 = arith.constant 0 : i32
    %dma_start3A_197 = tpu.memref_slice %arg4[%add3A_192, %dma_start3A_196] : memref<16384x1024xf32, #tpu.memory_space<hbm>> -> memref<1x1024xf32, #tpu.memory_space<hbm>>
    %dma_start3A_198 = tpu.memref_squeeze %dma_start3A_197 : memref<1x1024xf32, #tpu.memory_space<hbm>> -> memref<1024xf32, #tpu.memory_space<hbm>>
    %dma_start3A_199 = arith.constant 0 : i32
    %dma_start3A_200 = tpu.memref_slice %arg4[%add3A_192, %dma_start3A_199] : memref<16384x1024xf32, #tpu.memory_space<hbm>> -> memref<1x1024xf32, #tpu.memory_space<hbm>>
    %dma_start3A_201 = tpu.memref_squeeze %dma_start3A_200 : memref<1x1024xf32, #tpu.memory_space<hbm>> -> memref<1024xf32, #tpu.memory_space<hbm>>
    %dma_start3A_202 = arith.constant 0 : i32
    %dma_start3A_203 = tpu.memref_slice %arg6[%squeeze3A_188, %dma_start3A_202] : memref<104x1024xf32, #tpu.memory_space<vmem>> -> memref<1x1024xf32, #tpu.memory_space<vmem>>
    %dma_start3A_204 = tpu.memref_squeeze %dma_start3A_203 : memref<1x1024xf32, #tpu.memory_space<vmem>> -> memref<1024xf32, #tpu.memory_space<vmem>>
    tpu.enqueue_dma source(%dma_start3A_204 : memref<1024xf32, #tpu.memory_space<vmem>>) target(%dma_start3A_201 : memref<1024xf32, #tpu.memory_space<hbm>>) target_semaphore(%arg8 : memref<!tpu.dma_semaphore, #tpu.memory_space<semaphore_mem>>)
    %slice3A_205 = vector.extract_strided_slice %get3A_44 {offsets = [9], sizes = [1], strides = [1]} : vector<16xi32> to vector<1xi32>
    %squeeze3A_206 = vector.extract %slice3A_205[0] : i32 from vector<1xi32>
    %add3A_207 = arith.constant 0 : i32
    %add3A_208 = arith.addi %mul3A_2, %add3A_207 : i32
    %add3A_209 = arith.constant 9 : i32
    %add3A_210 = arith.addi %add3A_208, %add3A_209 : i32
    %dma_start3A_211 = arith.constant 0 : i32
    %dma_start3A_212 = tpu.memref_slice %arg6[%squeeze3A_206, %dma_start3A_211] : memref<104x1024xf32, #tpu.memory_space<vmem>> -> memref<1x1024xf32, #tpu.memory_space<vmem>>
    %dma_start3A_213 = tpu.memref_squeeze %dma_start3A_212 : memref<1x1024xf32, #tpu.memory_space<vmem>> -> memref<1024xf32, #tpu.memory_space<vmem>>
    %dma_start3A_214 = arith.constant 0 : i32
    %dma_start3A_215 = tpu.memref_slice %arg4[%add3A_210, %dma_start3A_214] : memref<16384x1024xf32, #tpu.memory_space<hbm>> -> memref<1x1024xf32, #tpu.memory_space<hbm>>
    %dma_start3A_216 = tpu.memref_squeeze %dma_start3A_215 : memref<1x1024xf32, #tpu.memory_space<hbm>> -> memref<1024xf32, #tpu.memory_space<hbm>>
    %dma_start3A_217 = arith.constant 0 : i32
    %dma_start3A_218 = tpu.memref_slice %arg4[%add3A_210, %dma_start3A_217] : memref<16384x1024xf32, #tpu.memory_space<hbm>> -> memref<1x1024xf32, #tpu.memory_space<hbm>>
    %dma_start3A_219 = tpu.memref_squeeze %dma_start3A_218 : memref<1x1024xf32, #tpu.memory_space<hbm>> -> memref<1024xf32, #tpu.memory_space<hbm>>
    %dma_start3A_220 = arith.constant 0 : i32
    %dma_start3A_221 = tpu.memref_slice %arg6[%squeeze3A_206, %dma_start3A_220] : memref<104x1024xf32, #tpu.memory_space<vmem>> -> memref<1x1024xf32, #tpu.memory_space<vmem>>
    %dma_start3A_222 = tpu.memref_squeeze %dma_start3A_221 : memref<1x1024xf32, #tpu.memory_space<vmem>> -> memref<1024xf32, #tpu.memory_space<vmem>>
    tpu.enqueue_dma source(%dma_start3A_222 : memref<1024xf32, #tpu.memory_space<vmem>>) target(%dma_start3A_219 : memref<1024xf32, #tpu.memory_space<hbm>>) target_semaphore(%arg8 : memref<!tpu.dma_semaphore, #tpu.memory_space<semaphore_mem>>)
    %slice3A_223 = vector.extract_strided_slice %get3A_44 {offsets = [10], sizes = [1], strides = [1]} : vector<16xi32> to vector<1xi32>
    %squeeze3A_224 = vector.extract %slice3A_223[0] : i32 from vector<1xi32>
    %add3A_225 = arith.constant 0 : i32
    %add3A_226 = arith.addi %mul3A_2, %add3A_225 : i32
    %add3A_227 = arith.constant 10 : i32
    %add3A_228 = arith.addi %add3A_226, %add3A_227 : i32
    %dma_start3A_229 = arith.constant 0 : i32
    %dma_start3A_230 = tpu.memref_slice %arg6[%squeeze3A_224, %dma_start3A_229] : memref<104x1024xf32, #tpu.memory_space<vmem>> -> memref<1x1024xf32, #tpu.memory_space<vmem>>
    %dma_start3A_231 = tpu.memref_squeeze %dma_start3A_230 : memref<1x1024xf32, #tpu.memory_space<vmem>> -> memref<1024xf32, #tpu.memory_space<vmem>>
    %dma_start3A_232 = arith.constant 0 : i32
    %dma_start3A_233 = tpu.memref_slice %arg4[%add3A_228, %dma_start3A_232] : memref<16384x1024xf32, #tpu.memory_space<hbm>> -> memref<1x1024xf32, #tpu.memory_space<hbm>>
    %dma_start3A_234 = tpu.memref_squeeze %dma_start3A_233 : memref<1x1024xf32, #tpu.memory_space<hbm>> -> memref<1024xf32, #tpu.memory_space<hbm>>
    %dma_start3A_235 = arith.constant 0 : i32
    %dma_start3A_236 = tpu.memref_slice %arg4[%add3A_228, %dma_start3A_235] : memref<16384x1024xf32, #tpu.memory_space<hbm>> -> memref<1x1024xf32, #tpu.memory_space<hbm>>
    %dma_start3A_237 = tpu.memref_squeeze %dma_start3A_236 : memref<1x1024xf32, #tpu.memory_space<hbm>> -> memref<1024xf32, #tpu.memory_space<hbm>>
    %dma_start3A_238 = arith.constant 0 : i32
    %dma_start3A_239 = tpu.memref_slice %arg6[%squeeze3A_224, %dma_start3A_238] : memref<104x1024xf32, #tpu.memory_space<vmem>> -> memref<1x1024xf32, #tpu.memory_space<vmem>>
    %dma_start3A_240 = tpu.memref_squeeze %dma_start3A_239 : memref<1x1024xf32, #tpu.memory_space<vmem>> -> memref<1024xf32, #tpu.memory_space<vmem>>
    tpu.enqueue_dma source(%dma_start3A_240 : memref<1024xf32, #tpu.memory_space<vmem>>) target(%dma_start3A_237 : memref<1024xf32, #tpu.memory_space<hbm>>) target_semaphore(%arg8 : memref<!tpu.dma_semaphore, #tpu.memory_space<semaphore_mem>>)
    %slice3A_241 = vector.extract_strided_slice %get3A_44 {offsets = [11], sizes = [1], strides = [1]} : vector<16xi32> to vector<1xi32>
    %squeeze3A_242 = vector.extract %slice3A_241[0] : i32 from vector<1xi32>
    %add3A_243 = arith.constant 0 : i32
    %add3A_244 = arith.addi %mul3A_2, %add3A_243 : i32
    %add3A_245 = arith.constant 11 : i32
    %add3A_246 = arith.addi %add3A_244, %add3A_245 : i32
    %dma_start3A_247 = arith.constant 0 : i32
    %dma_start3A_248 = tpu.memref_slice %arg6[%squeeze3A_242, %dma_start3A_247] : memref<104x1024xf32, #tpu.memory_space<vmem>> -> memref<1x1024xf32, #tpu.memory_space<vmem>>
    %dma_start3A_249 = tpu.memref_squeeze %dma_start3A_248 : memref<1x1024xf32, #tpu.memory_space<vmem>> -> memref<1024xf32, #tpu.memory_space<vmem>>
    %dma_start3A_250 = arith.constant 0 : i32
    %dma_start3A_251 = tpu.memref_slice %arg4[%add3A_246, %dma_start3A_250] : memref<16384x1024xf32, #tpu.memory_space<hbm>> -> memref<1x1024xf32, #tpu.memory_space<hbm>>
    %dma_start3A_252 = tpu.memref_squeeze %dma_start3A_251 : memref<1x1024xf32, #tpu.memory_space<hbm>> -> memref<1024xf32, #tpu.memory_space<hbm>>
    %dma_start3A_253 = arith.constant 0 : i32
    %dma_start3A_254 = tpu.memref_slice %arg4[%add3A_246, %dma_start3A_253] : memref<16384x1024xf32, #tpu.memory_space<hbm>> -> memref<1x1024xf32, #tpu.memory_space<hbm>>
    %dma_start3A_255 = tpu.memref_squeeze %dma_start3A_254 : memref<1x1024xf32, #tpu.memory_space<hbm>> -> memref<1024xf32, #tpu.memory_space<hbm>>
    %dma_start3A_256 = arith.constant 0 : i32
    %dma_start3A_257 = tpu.memref_slice %arg6[%squeeze3A_242, %dma_start3A_256] : memref<104x1024xf32, #tpu.memory_space<vmem>> -> memref<1x1024xf32, #tpu.memory_space<vmem>>
    %dma_start3A_258 = tpu.memref_squeeze %dma_start3A_257 : memref<1x1024xf32, #tpu.memory_space<vmem>> -> memref<1024xf32, #tpu.memory_space<vmem>>
    tpu.enqueue_dma source(%dma_start3A_258 : memref<1024xf32, #tpu.memory_space<vmem>>) target(%dma_start3A_255 : memref<1024xf32, #tpu.memory_space<hbm>>) target_semaphore(%arg8 : memref<!tpu.dma_semaphore, #tpu.memory_space<semaphore_mem>>)
    %slice3A_259 = vector.extract_strided_slice %get3A_44 {offsets = [12], sizes = [1], strides = [1]} : vector<16xi32> to vector<1xi32>
    %squeeze3A_260 = vector.extract %slice3A_259[0] : i32 from vector<1xi32>
    %add3A_261 = arith.constant 0 : i32
    %add3A_262 = arith.addi %mul3A_2, %add3A_261 : i32
    %add3A_263 = arith.constant 12 : i32
    %add3A_264 = arith.addi %add3A_262, %add3A_263 : i32
    %dma_start3A_265 = arith.constant 0 : i32
    %dma_start3A_266 = tpu.memref_slice %arg6[%squeeze3A_260, %dma_start3A_265] : memref<104x1024xf32, #tpu.memory_space<vmem>> -> memref<1x1024xf32, #tpu.memory_space<vmem>>
    %dma_start3A_267 = tpu.memref_squeeze %dma_start3A_266 : memref<1x1024xf32, #tpu.memory_space<vmem>> -> memref<1024xf32, #tpu.memory_space<vmem>>
    %dma_start3A_268 = arith.constant 0 : i32
    %dma_start3A_269 = tpu.memref_slice %arg4[%add3A_264, %dma_start3A_268] : memref<16384x1024xf32, #tpu.memory_space<hbm>> -> memref<1x1024xf32, #tpu.memory_space<hbm>>
    %dma_start3A_270 = tpu.memref_squeeze %dma_start3A_269 : memref<1x1024xf32, #tpu.memory_space<hbm>> -> memref<1024xf32, #tpu.memory_space<hbm>>
    %dma_start3A_271 = arith.constant 0 : i32
    %dma_start3A_272 = tpu.memref_slice %arg4[%add3A_264, %dma_start3A_271] : memref<16384x1024xf32, #tpu.memory_space<hbm>> -> memref<1x1024xf32, #tpu.memory_space<hbm>>
    %dma_start3A_273 = tpu.memref_squeeze %dma_start3A_272 : memref<1x1024xf32, #tpu.memory_space<hbm>> -> memref<1024xf32, #tpu.memory_space<hbm>>
    %dma_start3A_274 = arith.constant 0 : i32
    %dma_start3A_275 = tpu.memref_slice %arg6[%squeeze3A_260, %dma_start3A_274] : memref<104x1024xf32, #tpu.memory_space<vmem>> -> memref<1x1024xf32, #tpu.memory_space<vmem>>
    %dma_start3A_276 = tpu.memref_squeeze %dma_start3A_275 : memref<1x1024xf32, #tpu.memory_space<vmem>> -> memref<1024xf32, #tpu.memory_space<vmem>>
    tpu.enqueue_dma source(%dma_start3A_276 : memref<1024xf32, #tpu.memory_space<vmem>>) target(%dma_start3A_273 : memref<1024xf32, #tpu.memory_space<hbm>>) target_semaphore(%arg8 : memref<!tpu.dma_semaphore, #tpu.memory_space<semaphore_mem>>)
    %slice3A_277 = vector.extract_strided_slice %get3A_44 {offsets = [13], sizes = [1], strides = [1]} : vector<16xi32> to vector<1xi32>
    %squeeze3A_278 = vector.extract %slice3A_277[0] : i32 from vector<1xi32>
    %add3A_279 = arith.constant 0 : i32
    %add3A_280 = arith.addi %mul3A_2, %add3A_279 : i32
    %add3A_281 = arith.constant 13 : i32
    %add3A_282 = arith.addi %add3A_280, %add3A_281 : i32
    %dma_start3A_283 = arith.constant 0 : i32
    %dma_start3A_284 = tpu.memref_slice %arg6[%squeeze3A_278, %dma_start3A_283] : memref<104x1024xf32, #tpu.memory_space<vmem>> -> memref<1x1024xf32, #tpu.memory_space<vmem>>
    %dma_start3A_285 = tpu.memref_squeeze %dma_start3A_284 : memref<1x1024xf32, #tpu.memory_space<vmem>> -> memref<1024xf32, #tpu.memory_space<vmem>>
    %dma_start3A_286 = arith.constant 0 : i32
    %dma_start3A_287 = tpu.memref_slice %arg4[%add3A_282, %dma_start3A_286] : memref<16384x1024xf32, #tpu.memory_space<hbm>> -> memref<1x1024xf32, #tpu.memory_space<hbm>>
    %dma_start3A_288 = tpu.memref_squeeze %dma_start3A_287 : memref<1x1024xf32, #tpu.memory_space<hbm>> -> memref<1024xf32, #tpu.memory_space<hbm>>
    %dma_start3A_289 = arith.constant 0 : i32
    %dma_start3A_290 = tpu.memref_slice %arg4[%add3A_282, %dma_start3A_289] : memref<16384x1024xf32, #tpu.memory_space<hbm>> -> memref<1x1024xf32, #tpu.memory_space<hbm>>
    %dma_start3A_291 = tpu.memref_squeeze %dma_start3A_290 : memref<1x1024xf32, #tpu.memory_space<hbm>> -> memref<1024xf32, #tpu.memory_space<hbm>>
    %dma_start3A_292 = arith.constant 0 : i32
    %dma_start3A_293 = tpu.memref_slice %arg6[%squeeze3A_278, %dma_start3A_292] : memref<104x1024xf32, #tpu.memory_space<vmem>> -> memref<1x1024xf32, #tpu.memory_space<vmem>>
    %dma_start3A_294 = tpu.memref_squeeze %dma_start3A_293 : memref<1x1024xf32, #tpu.memory_space<vmem>> -> memref<1024xf32, #tpu.memory_space<vmem>>
    tpu.enqueue_dma source(%dma_start3A_294 : memref<1024xf32, #tpu.memory_space<vmem>>) target(%dma_start3A_291 : memref<1024xf32, #tpu.memory_space<hbm>>) target_semaphore(%arg8 : memref<!tpu.dma_semaphore, #tpu.memory_space<semaphore_mem>>)
    %slice3A_295 = vector.extract_strided_slice %get3A_44 {offsets = [14], sizes = [1], strides = [1]} : vector<16xi32> to vector<1xi32>
    %squeeze3A_296 = vector.extract %slice3A_295[0] : i32 from vector<1xi32>
    %add3A_297 = arith.constant 0 : i32
    %add3A_298 = arith.addi %mul3A_2, %add3A_297 : i32
    %add3A_299 = arith.constant 14 : i32
    %add3A_300 = arith.addi %add3A_298, %add3A_299 : i32
    %dma_start3A_301 = arith.constant 0 : i32
    %dma_start3A_302 = tpu.memref_slice %arg6[%squeeze3A_296, %dma_start3A_301] : memref<104x1024xf32, #tpu.memory_space<vmem>> -> memref<1x1024xf32, #tpu.memory_space<vmem>>
    %dma_start3A_303 = tpu.memref_squeeze %dma_start3A_302 : memref<1x1024xf32, #tpu.memory_space<vmem>> -> memref<1024xf32, #tpu.memory_space<vmem>>
    %dma_start3A_304 = arith.constant 0 : i32
    %dma_start3A_305 = tpu.memref_slice %arg4[%add3A_300, %dma_start3A_304] : memref<16384x1024xf32, #tpu.memory_space<hbm>> -> memref<1x1024xf32, #tpu.memory_space<hbm>>
    %dma_start3A_306 = tpu.memref_squeeze %dma_start3A_305 : memref<1x1024xf32, #tpu.memory_space<hbm>> -> memref<1024xf32, #tpu.memory_space<hbm>>
    %dma_start3A_307 = arith.constant 0 : i32
    %dma_start3A_308 = tpu.memref_slice %arg4[%add3A_300, %dma_start3A_307] : memref<16384x1024xf32, #tpu.memory_space<hbm>> -> memref<1x1024xf32, #tpu.memory_space<hbm>>
    %dma_start3A_309 = tpu.memref_squeeze %dma_start3A_308 : memref<1x1024xf32, #tpu.memory_space<hbm>> -> memref<1024xf32, #tpu.memory_space<hbm>>
    %dma_start3A_310 = arith.constant 0 : i32
    %dma_start3A_311 = tpu.memref_slice %arg6[%squeeze3A_296, %dma_start3A_310] : memref<104x1024xf32, #tpu.memory_space<vmem>> -> memref<1x1024xf32, #tpu.memory_space<vmem>>
    %dma_start3A_312 = tpu.memref_squeeze %dma_start3A_311 : memref<1x1024xf32, #tpu.memory_space<vmem>> -> memref<1024xf32, #tpu.memory_space<vmem>>
    tpu.enqueue_dma source(%dma_start3A_312 : memref<1024xf32, #tpu.memory_space<vmem>>) target(%dma_start3A_309 : memref<1024xf32, #tpu.memory_space<hbm>>) target_semaphore(%arg8 : memref<!tpu.dma_semaphore, #tpu.memory_space<semaphore_mem>>)
    %slice3A_313 = vector.extract_strided_slice %get3A_44 {offsets = [15], sizes = [1], strides = [1]} : vector<16xi32> to vector<1xi32>
    %squeeze3A_314 = vector.extract %slice3A_313[0] : i32 from vector<1xi32>
    %add3A_315 = arith.constant 0 : i32
    %add3A_316 = arith.addi %mul3A_2, %add3A_315 : i32
    %add3A_317 = arith.constant 15 : i32
    %add3A_318 = arith.addi %add3A_316, %add3A_317 : i32
    %dma_start3A_319 = arith.constant 0 : i32
    %dma_start3A_320 = tpu.memref_slice %arg6[%squeeze3A_314, %dma_start3A_319] : memref<104x1024xf32, #tpu.memory_space<vmem>> -> memref<1x1024xf32, #tpu.memory_space<vmem>>
    %dma_start3A_321 = tpu.memref_squeeze %dma_start3A_320 : memref<1x1024xf32, #tpu.memory_space<vmem>> -> memref<1024xf32, #tpu.memory_space<vmem>>
    %dma_start3A_322 = arith.constant 0 : i32
    %dma_start3A_323 = tpu.memref_slice %arg4[%add3A_318, %dma_start3A_322] : memref<16384x1024xf32, #tpu.memory_space<hbm>> -> memref<1x1024xf32, #tpu.memory_space<hbm>>
    %dma_start3A_324 = tpu.memref_squeeze %dma_start3A_323 : memref<1x1024xf32, #tpu.memory_space<hbm>> -> memref<1024xf32, #tpu.memory_space<hbm>>
    %dma_start3A_325 = arith.constant 0 : i32
    %dma_start3A_326 = tpu.memref_slice %arg4[%add3A_318, %dma_start3A_325] : memref<16384x1024xf32, #tpu.memory_space<hbm>> -> memref<1x1024xf32, #tpu.memory_space<hbm>>
    %dma_start3A_327 = tpu.memref_squeeze %dma_start3A_326 : memref<1x1024xf32, #tpu.memory_space<hbm>> -> memref<1024xf32, #tpu.memory_space<hbm>>
    %dma_start3A_328 = arith.constant 0 : i32
    %dma_start3A_329 = tpu.memref_slice %arg6[%squeeze3A_314, %dma_start3A_328] : memref<104x1024xf32, #tpu.memory_space<vmem>> -> memref<1x1024xf32, #tpu.memory_space<vmem>>
    %dma_start3A_330 = tpu.memref_squeeze %dma_start3A_329 : memref<1x1024xf32, #tpu.memory_space<vmem>> -> memref<1024xf32, #tpu.memory_space<vmem>>
    tpu.enqueue_dma source(%dma_start3A_330 : memref<1024xf32, #tpu.memory_space<vmem>>) target(%dma_start3A_327 : memref<1024xf32, #tpu.memory_space<hbm>>) target_semaphore(%arg8 : memref<!tpu.dma_semaphore, #tpu.memory_space<semaphore_mem>>)
    %scan3A = arith.constant 0 : i32
    %scan3A_331 = arith.constant 1 : i32
    %scan3A_332 = arith.constant 31 : i32
    %scan3A_333 = arith.addi %scan3A_331, %scan3A_332 : i32
    %scan3A_334 = arith.constant 1 : i32
    scf.for %scan3A_356 = %scan3A_331 to %scan3A_333 step %scan3A_334  : i32 {
      %mul3A_357 = arith.constant 16 : i32
      %mul3A_358 = arith.muli %scan3A_356, %mul3A_357 : i32
      %get3A_359 = arith.index_cast %mul3A_358 : i32 to index
      %get3A_360 = tpu.vector_load %arg5[%get3A_359] {strides = array<i32>} : memref<512xi32, #tpu.memory_space<vmem>>, vector<16xi32>,
      %get3A_361 = vector.shape_cast %get3A_360 : vector<16xi32> to vector<16xi32>
      %dma_wait3A_362 = arith.constant 0 : i32
      %dma_wait3A_363 = arith.constant 0 : i32
      %dma_wait3A_364 = tpu.memref_slice %arg6[%dma_wait3A_362, %dma_wait3A_363] : memref<104x1024xf32, #tpu.memory_space<vmem>> -> memref<8x1024xf32, #tpu.memory_space<vmem>>
      %dma_wait3A_365 = arith.constant 0 : i32
      %dma_wait3A_366 = tpu.memref_slice %arg4[%mul3A_2, %dma_wait3A_365] : memref<16384x1024xf32, #tpu.memory_space<hbm>> -> memref<8x1024xf32, #tpu.memory_space<hbm>>
      %dma_wait3A_367 = arith.constant 0 : i32
      %dma_wait3A_368 = tpu.memref_slice %arg4[%mul3A_2, %dma_wait3A_367] : memref<16384x1024xf32, #tpu.memory_space<hbm>> -> memref<8x1024xf32, #tpu.memory_space<hbm>>
      %dma_wait3A_369 = arith.constant 0 : i32
      %dma_wait3A_370 = arith.constant 0 : i32
      %dma_wait3A_371 = tpu.memref_slice %arg6[%dma_wait3A_369, %dma_wait3A_370] : memref<104x1024xf32, #tpu.memory_space<vmem>> -> memref<8x1024xf32, #tpu.memory_space<vmem>>
      tpu.wait_dma2 semaphore(%arg7 : memref<!tpu.dma_semaphore, #tpu.memory_space<semaphore_mem>>) src(%dma_wait3A_371 : memref<8x1024xf32, #tpu.memory_space<vmem>>) dst(%dma_wait3A_368 : memref<8x1024xf32, #tpu.memory_space<hbm>>)
      %slice3A_372 = vector.extract_strided_slice %get3A_361 {offsets = [0], sizes = [1], strides = [1]} : vector<16xi32> to vector<1xi32>
      %squeeze3A_373 = vector.extract %slice3A_372[0] : i32 from vector<1xi32>
      %mul3A_374 = arith.constant 16 : i32
      %mul3A_375 = arith.muli %scan3A_356, %mul3A_374 : i32
      %add3A_376 = arith.addi %mul3A_2, %mul3A_375 : i32
      %add3A_377 = arith.constant 0 : i32
      %add3A_378 = arith.addi %add3A_376, %add3A_377 : i32
      %dma_start3A_379 = arith.constant 0 : i32
      %dma_start3A_380 = tpu.memref_slice %arg6[%squeeze3A_373, %dma_start3A_379] : memref<104x1024xf32, #tpu.memory_space<vmem>> -> memref<1x1024xf32, #tpu.memory_space<vmem>>
      %dma_start3A_381 = tpu.memref_squeeze %dma_start3A_380 : memref<1x1024xf32, #tpu.memory_space<vmem>> -> memref<1024xf32, #tpu.memory_space<vmem>>
      %dma_start3A_382 = arith.constant 0 : i32
      %dma_start3A_383 = tpu.memref_slice %arg4[%add3A_378, %dma_start3A_382] : memref<16384x1024xf32, #tpu.memory_space<hbm>> -> memref<1x1024xf32, #tpu.memory_space<hbm>>
      %dma_start3A_384 = tpu.memref_squeeze %dma_start3A_383 : memref<1x1024xf32, #tpu.memory_space<hbm>> -> memref<1024xf32, #tpu.memory_space<hbm>>
      %dma_start3A_385 = arith.constant 0 : i32
      %dma_start3A_386 = tpu.memref_slice %arg4[%add3A_378, %dma_start3A_385] : memref<16384x1024xf32, #tpu.memory_space<hbm>> -> memref<1x1024xf32, #tpu.memory_space<hbm>>
      %dma_start3A_387 = tpu.memref_squeeze %dma_start3A_386 : memref<1x1024xf32, #tpu.memory_space<hbm>> -> memref<1024xf32, #tpu.memory_space<hbm>>
      %dma_start3A_388 = arith.constant 0 : i32
      %dma_start3A_389 = tpu.memref_slice %arg6[%squeeze3A_373, %dma_start3A_388] : memref<104x1024xf32, #tpu.memory_space<vmem>> -> memref<1x1024xf32, #tpu.memory_space<vmem>>
      %dma_start3A_390 = tpu.memref_squeeze %dma_start3A_389 : memref<1x1024xf32, #tpu.memory_space<vmem>> -> memref<1024xf32, #tpu.memory_space<vmem>>
      tpu.enqueue_dma source(%dma_start3A_390 : memref<1024xf32, #tpu.memory_space<vmem>>) target(%dma_start3A_387 : memref<1024xf32, #tpu.memory_space<hbm>>) target_semaphore(%arg7 : memref<!tpu.dma_semaphore, #tpu.memory_space<semaphore_mem>>)
      %slice3A_391 = vector.extract_strided_slice %get3A_361 {offsets = [1], sizes = [1], strides = [1]} : vector<16xi32> to vector<1xi32>
      %squeeze3A_392 = vector.extract %slice3A_391[0] : i32 from vector<1xi32>
      %mul3A_393 = arith.constant 16 : i32
      %mul3A_394 = arith.muli %scan3A_356, %mul3A_393 : i32
      %add3A_395 = arith.addi %mul3A_2, %mul3A_394 : i32
      %add3A_396 = arith.constant 1 : i32
      %add3A_397 = arith.addi %add3A_395, %add3A_396 : i32
      %dma_start3A_398 = arith.constant 0 : i32
      %dma_start3A_399 = tpu.memref_slice %arg6[%squeeze3A_392, %dma_start3A_398] : memref<104x1024xf32, #tpu.memory_space<vmem>> -> memref<1x1024xf32, #tpu.memory_space<vmem>>
      %dma_start3A_400 = tpu.memref_squeeze %dma_start3A_399 : memref<1x1024xf32, #tpu.memory_space<vmem>> -> memref<1024xf32, #tpu.memory_space<vmem>>
      %dma_start3A_401 = arith.constant 0 : i32
      %dma_start3A_402 = tpu.memref_slice %arg4[%add3A_397, %dma_start3A_401] : memref<16384x1024xf32, #tpu.memory_space<hbm>> -> memref<1x1024xf32, #tpu.memory_space<hbm>>
      %dma_start3A_403 = tpu.memref_squeeze %dma_start3A_402 : memref<1x1024xf32, #tpu.memory_space<hbm>> -> memref<1024xf32, #tpu.memory_space<hbm>>
      %dma_start3A_404 = arith.constant 0 : i32
      %dma_start3A_405 = tpu.memref_slice %arg4[%add3A_397, %dma_start3A_404] : memref<16384x1024xf32, #tpu.memory_space<hbm>> -> memref<1x1024xf32, #tpu.memory_space<hbm>>
      %dma_start3A_406 = tpu.memref_squeeze %dma_start3A_405 : memref<1x1024xf32, #tpu.memory_space<hbm>> -> memref<1024xf32, #tpu.memory_space<hbm>>
      %dma_start3A_407 = arith.constant 0 : i32
      %dma_start3A_408 = tpu.memref_slice %arg6[%squeeze3A_392, %dma_start3A_407] : memref<104x1024xf32, #tpu.memory_space<vmem>> -> memref<1x1024xf32, #tpu.memory_space<vmem>>
      %dma_start3A_409 = tpu.memref_squeeze %dma_start3A_408 : memref<1x1024xf32, #tpu.memory_space<vmem>> -> memref<1024xf32, #tpu.memory_space<vmem>>
      tpu.enqueue_dma source(%dma_start3A_409 : memref<1024xf32, #tpu.memory_space<vmem>>) target(%dma_start3A_406 : memref<1024xf32, #tpu.memory_space<hbm>>) target_semaphore(%arg7 : memref<!tpu.dma_semaphore, #tpu.memory_space<semaphore_mem>>)
      %slice3A_410 = vector.extract_strided_slice %get3A_361 {offsets = [2], sizes = [1], strides = [1]} : vector<16xi32> to vector<1xi32>
      %squeeze3A_411 = vector.extract %slice3A_410[0] : i32 from vector<1xi32>
      %mul3A_412 = arith.constant 16 : i32
      %mul3A_413 = arith.muli %scan3A_356, %mul3A_412 : i32
      %add3A_414 = arith.addi %mul3A_2, %mul3A_413 : i32
      %add3A_415 = arith.constant 2 : i32
      %add3A_416 = arith.addi %add3A_414, %add3A_415 : i32
      %dma_start3A_417 = arith.constant 0 : i32
      %dma_start3A_418 = tpu.memref_slice %arg6[%squeeze3A_411, %dma_start3A_417] : memref<104x1024xf32, #tpu.memory_space<vmem>> -> memref<1x1024xf32, #tpu.memory_space<vmem>>
      %dma_start3A_419 = tpu.memref_squeeze %dma_start3A_418 : memref<1x1024xf32, #tpu.memory_space<vmem>> -> memref<1024xf32, #tpu.memory_space<vmem>>
      %dma_start3A_420 = arith.constant 0 : i32
      %dma_start3A_421 = tpu.memref_slice %arg4[%add3A_416, %dma_start3A_420] : memref<16384x1024xf32, #tpu.memory_space<hbm>> -> memref<1x1024xf32, #tpu.memory_space<hbm>>
      %dma_start3A_422 = tpu.memref_squeeze %dma_start3A_421 : memref<1x1024xf32, #tpu.memory_space<hbm>> -> memref<1024xf32, #tpu.memory_space<hbm>>
      %dma_start3A_423 = arith.constant 0 : i32
      %dma_start3A_424 = tpu.memref_slice %arg4[%add3A_416, %dma_start3A_423] : memref<16384x1024xf32, #tpu.memory_space<hbm>> -> memref<1x1024xf32, #tpu.memory_space<hbm>>
      %dma_start3A_425 = tpu.memref_squeeze %dma_start3A_424 : memref<1x1024xf32, #tpu.memory_space<hbm>> -> memref<1024xf32, #tpu.memory_space<hbm>>
      %dma_start3A_426 = arith.constant 0 : i32
      %dma_start3A_427 = tpu.memref_slice %arg6[%squeeze3A_411, %dma_start3A_426] : memref<104x1024xf32, #tpu.memory_space<vmem>> -> memref<1x1024xf32, #tpu.memory_space<vmem>>
      %dma_start3A_428 = tpu.memref_squeeze %dma_start3A_427 : memref<1x1024xf32, #tpu.memory_space<vmem>> -> memref<1024xf32, #tpu.memory_space<vmem>>
      tpu.enqueue_dma source(%dma_start3A_428 : memref<1024xf32, #tpu.memory_space<vmem>>) target(%dma_start3A_425 : memref<1024xf32, #tpu.memory_space<hbm>>) target_semaphore(%arg7 : memref<!tpu.dma_semaphore, #tpu.memory_space<semaphore_mem>>)
      %slice3A_429 = vector.extract_strided_slice %get3A_361 {offsets = [3], sizes = [1], strides = [1]} : vector<16xi32> to vector<1xi32>
      %squeeze3A_430 = vector.extract %slice3A_429[0] : i32 from vector<1xi32>
      %mul3A_431 = arith.constant 16 : i32
      %mul3A_432 = arith.muli %scan3A_356, %mul3A_431 : i32
      %add3A_433 = arith.addi %mul3A_2, %mul3A_432 : i32
      %add3A_434 = arith.constant 3 : i32
      %add3A_435 = arith.addi %add3A_433, %add3A_434 : i32
      %dma_start3A_436 = arith.constant 0 : i32
      %dma_start3A_437 = tpu.memref_slice %arg6[%squeeze3A_430, %dma_start3A_436] : memref<104x1024xf32, #tpu.memory_space<vmem>> -> memref<1x1024xf32, #tpu.memory_space<vmem>>
      %dma_start3A_438 = tpu.memref_squeeze %dma_start3A_437 : memref<1x1024xf32, #tpu.memory_space<vmem>> -> memref<1024xf32, #tpu.memory_space<vmem>>
      %dma_start3A_439 = arith.constant 0 : i32
      %dma_start3A_440 = tpu.memref_slice %arg4[%add3A_435, %dma_start3A_439] : memref<16384x1024xf32, #tpu.memory_space<hbm>> -> memref<1x1024xf32, #tpu.memory_space<hbm>>
      %dma_start3A_441 = tpu.memref_squeeze %dma_start3A_440 : memref<1x1024xf32, #tpu.memory_space<hbm>> -> memref<1024xf32, #tpu.memory_space<hbm>>
      %dma_start3A_442 = arith.constant 0 : i32
      %dma_start3A_443 = tpu.memref_slice %arg4[%add3A_435, %dma_start3A_442] : memref<16384x1024xf32, #tpu.memory_space<hbm>> -> memref<1x1024xf32, #tpu.memory_space<hbm>>
      %dma_start3A_444 = tpu.memref_squeeze %dma_start3A_443 : memref<1x1024xf32, #tpu.memory_space<hbm>> -> memref<1024xf32, #tpu.memory_space<hbm>>
      %dma_start3A_445 = arith.constant 0 : i32
      %dma_start3A_446 = tpu.memref_slice %arg6[%squeeze3A_430, %dma_start3A_445] : memref<104x1024xf32, #tpu.memory_space<vmem>> -> memref<1x1024xf32, #tpu.memory_space<vmem>>
      %dma_start3A_447 = tpu.memref_squeeze %dma_start3A_446 : memref<1x1024xf32, #tpu.memory_space<vmem>> -> memref<1024xf32, #tpu.memory_space<vmem>>
      tpu.enqueue_dma source(%dma_start3A_447 : memref<1024xf32, #tpu.memory_space<vmem>>) target(%dma_start3A_444 : memref<1024xf32, #tpu.memory_space<hbm>>) target_semaphore(%arg7 : memref<!tpu.dma_semaphore, #tpu.memory_space<semaphore_mem>>)
      %slice3A_448 = vector.extract_strided_slice %get3A_361 {offsets = [4], sizes = [1], strides = [1]} : vector<16xi32> to vector<1xi32>
      %squeeze3A_449 = vector.extract %slice3A_448[0] : i32 from vector<1xi32>
      %mul3A_450 = arith.constant 16 : i32
      %mul3A_451 = arith.muli %scan3A_356, %mul3A_450 : i32
      %add3A_452 = arith.addi %mul3A_2, %mul3A_451 : i32
      %add3A_453 = arith.constant 4 : i32
      %add3A_454 = arith.addi %add3A_452, %add3A_453 : i32
      %dma_start3A_455 = arith.constant 0 : i32
      %dma_start3A_456 = tpu.memref_slice %arg6[%squeeze3A_449, %dma_start3A_455] : memref<104x1024xf32, #tpu.memory_space<vmem>> -> memref<1x1024xf32, #tpu.memory_space<vmem>>
      %dma_start3A_457 = tpu.memref_squeeze %dma_start3A_456 : memref<1x1024xf32, #tpu.memory_space<vmem>> -> memref<1024xf32, #tpu.memory_space<vmem>>
      %dma_start3A_458 = arith.constant 0 : i32
      %dma_start3A_459 = tpu.memref_slice %arg4[%add3A_454, %dma_start3A_458] : memref<16384x1024xf32, #tpu.memory_space<hbm>> -> memref<1x1024xf32, #tpu.memory_space<hbm>>
      %dma_start3A_460 = tpu.memref_squeeze %dma_start3A_459 : memref<1x1024xf32, #tpu.memory_space<hbm>> -> memref<1024xf32, #tpu.memory_space<hbm>>
      %dma_start3A_461 = arith.constant 0 : i32
      %dma_start3A_462 = tpu.memref_slice %arg4[%add3A_454, %dma_start3A_461] : memref<16384x1024xf32, #tpu.memory_space<hbm>> -> memref<1x1024xf32, #tpu.memory_space<hbm>>
      %dma_start3A_463 = tpu.memref_squeeze %dma_start3A_462 : memref<1x1024xf32, #tpu.memory_space<hbm>> -> memref<1024xf32, #tpu.memory_space<hbm>>
      %dma_start3A_464 = arith.constant 0 : i32
      %dma_start3A_465 = tpu.memref_slice %arg6[%squeeze3A_449, %dma_start3A_464] : memref<104x1024xf32, #tpu.memory_space<vmem>> -> memref<1x1024xf32, #tpu.memory_space<vmem>>
      %dma_start3A_466 = tpu.memref_squeeze %dma_start3A_465 : memref<1x1024xf32, #tpu.memory_space<vmem>> -> memref<1024xf32, #tpu.memory_space<vmem>>
      tpu.enqueue_dma source(%dma_start3A_466 : memref<1024xf32, #tpu.memory_space<vmem>>) target(%dma_start3A_463 : memref<1024xf32, #tpu.memory_space<hbm>>) target_semaphore(%arg7 : memref<!tpu.dma_semaphore, #tpu.memory_space<semaphore_mem>>)
      %slice3A_467 = vector.extract_strided_slice %get3A_361 {offsets = [5], sizes = [1], strides = [1]} : vector<16xi32> to vector<1xi32>
      %squeeze3A_468 = vector.extract %slice3A_467[0] : i32 from vector<1xi32>
      %mul3A_469 = arith.constant 16 : i32
      %mul3A_470 = arith.muli %scan3A_356, %mul3A_469 : i32
      %add3A_471 = arith.addi %mul3A_2, %mul3A_470 : i32
      %add3A_472 = arith.constant 5 : i32
      %add3A_473 = arith.addi %add3A_471, %add3A_472 : i32
      %dma_start3A_474 = arith.constant 0 : i32
      %dma_start3A_475 = tpu.memref_slice %arg6[%squeeze3A_468, %dma_start3A_474] : memref<104x1024xf32, #tpu.memory_space<vmem>> -> memref<1x1024xf32, #tpu.memory_space<vmem>>
      %dma_start3A_476 = tpu.memref_squeeze %dma_start3A_475 : memref<1x1024xf32, #tpu.memory_space<vmem>> -> memref<1024xf32, #tpu.memory_space<vmem>>
      %dma_start3A_477 = arith.constant 0 : i32
      %dma_start3A_478 = tpu.memref_slice %arg4[%add3A_473, %dma_start3A_477] : memref<16384x1024xf32, #tpu.memory_space<hbm>> -> memref<1x1024xf32, #tpu.memory_space<hbm>>
      %dma_start3A_479 = tpu.memref_squeeze %dma_start3A_478 : memref<1x1024xf32, #tpu.memory_space<hbm>> -> memref<1024xf32, #tpu.memory_space<hbm>>
      %dma_start3A_480 = arith.constant 0 : i32
      %dma_start3A_481 = tpu.memref_slice %arg4[%add3A_473, %dma_start3A_480] : memref<16384x1024xf32, #tpu.memory_space<hbm>> -> memref<1x1024xf32, #tpu.memory_space<hbm>>
      %dma_start3A_482 = tpu.memref_squeeze %dma_start3A_481 : memref<1x1024xf32, #tpu.memory_space<hbm>> -> memref<1024xf32, #tpu.memory_space<hbm>>
      %dma_start3A_483 = arith.constant 0 : i32
      %dma_start3A_484 = tpu.memref_slice %arg6[%squeeze3A_468, %dma_start3A_483] : memref<104x1024xf32, #tpu.memory_space<vmem>> -> memref<1x1024xf32, #tpu.memory_space<vmem>>
      %dma_start3A_485 = tpu.memref_squeeze %dma_start3A_484 : memref<1x1024xf32, #tpu.memory_space<vmem>> -> memref<1024xf32, #tpu.memory_space<vmem>>
      tpu.enqueue_dma source(%dma_start3A_485 : memref<1024xf32, #tpu.memory_space<vmem>>) target(%dma_start3A_482 : memref<1024xf32, #tpu.memory_space<hbm>>) target_semaphore(%arg7 : memref<!tpu.dma_semaphore, #tpu.memory_space<semaphore_mem>>)
      %slice3A_486 = vector.extract_strided_slice %get3A_361 {offsets = [6], sizes = [1], strides = [1]} : vector<16xi32> to vector<1xi32>
      %squeeze3A_487 = vector.extract %slice3A_486[0] : i32 from vector<1xi32>
      %mul3A_488 = arith.constant 16 : i32
      %mul3A_489 = arith.muli %scan3A_356, %mul3A_488 : i32
      %add3A_490 = arith.addi %mul3A_2, %mul3A_489 : i32
      %add3A_491 = arith.constant 6 : i32
      %add3A_492 = arith.addi %add3A_490, %add3A_491 : i32
      %dma_start3A_493 = arith.constant 0 : i32
      %dma_start3A_494 = tpu.memref_slice %arg6[%squeeze3A_487, %dma_start3A_493] : memref<104x1024xf32, #tpu.memory_space<vmem>> -> memref<1x1024xf32, #tpu.memory_space<vmem>>
      %dma_start3A_495 = tpu.memref_squeeze %dma_start3A_494 : memref<1x1024xf32, #tpu.memory_space<vmem>> -> memref<1024xf32, #tpu.memory_space<vmem>>
      %dma_start3A_496 = arith.constant 0 : i32
      %dma_start3A_497 = tpu.memref_slice %arg4[%add3A_492, %dma_start3A_496] : memref<16384x1024xf32, #tpu.memory_space<hbm>> -> memref<1x1024xf32, #tpu.memory_space<hbm>>
      %dma_start3A_498 = tpu.memref_squeeze %dma_start3A_497 : memref<1x1024xf32, #tpu.memory_space<hbm>> -> memref<1024xf32, #tpu.memory_space<hbm>>
      %dma_start3A_499 = arith.constant 0 : i32
      %dma_start3A_500 = tpu.memref_slice %arg4[%add3A_492, %dma_start3A_499] : memref<16384x1024xf32, #tpu.memory_space<hbm>> -> memref<1x1024xf32, #tpu.memory_space<hbm>>
      %dma_start3A_501 = tpu.memref_squeeze %dma_start3A_500 : memref<1x1024xf32, #tpu.memory_space<hbm>> -> memref<1024xf32, #tpu.memory_space<hbm>>
      %dma_start3A_502 = arith.constant 0 : i32
      %dma_start3A_503 = tpu.memref_slice %arg6[%squeeze3A_487, %dma_start3A_502] : memref<104x1024xf32, #tpu.memory_space<vmem>> -> memref<1x1024xf32, #tpu.memory_space<vmem>>
      %dma_start3A_504 = tpu.memref_squeeze %dma_start3A_503 : memref<1x1024xf32, #tpu.memory_space<vmem>> -> memref<1024xf32, #tpu.memory_space<vmem>>
      tpu.enqueue_dma source(%dma_start3A_504 : memref<1024xf32, #tpu.memory_space<vmem>>) target(%dma_start3A_501 : memref<1024xf32, #tpu.memory_space<hbm>>) target_semaphore(%arg7 : memref<!tpu.dma_semaphore, #tpu.memory_space<semaphore_mem>>)
      %slice3A_505 = vector.extract_strided_slice %get3A_361 {offsets = [7], sizes = [1], strides = [1]} : vector<16xi32> to vector<1xi32>
      %squeeze3A_506 = vector.extract %slice3A_505[0] : i32 from vector<1xi32>
      %mul3A_507 = arith.constant 16 : i32
      %mul3A_508 = arith.muli %scan3A_356, %mul3A_507 : i32
      %add3A_509 = arith.addi %mul3A_2, %mul3A_508 : i32
      %add3A_510 = arith.constant 7 : i32
      %add3A_511 = arith.addi %add3A_509, %add3A_510 : i32
      %dma_start3A_512 = arith.constant 0 : i32
      %dma_start3A_513 = tpu.memref_slice %arg6[%squeeze3A_506, %dma_start3A_512] : memref<104x1024xf32, #tpu.memory_space<vmem>> -> memref<1x1024xf32, #tpu.memory_space<vmem>>
      %dma_start3A_514 = tpu.memref_squeeze %dma_start3A_513 : memref<1x1024xf32, #tpu.memory_space<vmem>> -> memref<1024xf32, #tpu.memory_space<vmem>>
      %dma_start3A_515 = arith.constant 0 : i32
      %dma_start3A_516 = tpu.memref_slice %arg4[%add3A_511, %dma_start3A_515] : memref<16384x1024xf32, #tpu.memory_space<hbm>> -> memref<1x1024xf32, #tpu.memory_space<hbm>>
      %dma_start3A_517 = tpu.memref_squeeze %dma_start3A_516 : memref<1x1024xf32, #tpu.memory_space<hbm>> -> memref<1024xf32, #tpu.memory_space<hbm>>
      %dma_start3A_518 = arith.constant 0 : i32
      %dma_start3A_519 = tpu.memref_slice %arg4[%add3A_511, %dma_start3A_518] : memref<16384x1024xf32, #tpu.memory_space<hbm>> -> memref<1x1024xf32, #tpu.memory_space<hbm>>
      %dma_start3A_520 = tpu.memref_squeeze %dma_start3A_519 : memref<1x1024xf32, #tpu.memory_space<hbm>> -> memref<1024xf32, #tpu.memory_space<hbm>>
      %dma_start3A_521 = arith.constant 0 : i32
      %dma_start3A_522 = tpu.memref_slice %arg6[%squeeze3A_506, %dma_start3A_521] : memref<104x1024xf32, #tpu.memory_space<vmem>> -> memref<1x1024xf32, #tpu.memory_space<vmem>>
      %dma_start3A_523 = tpu.memref_squeeze %dma_start3A_522 : memref<1x1024xf32, #tpu.memory_space<vmem>> -> memref<1024xf32, #tpu.memory_space<vmem>>
      tpu.enqueue_dma source(%dma_start3A_523 : memref<1024xf32, #tpu.memory_space<vmem>>) target(%dma_start3A_520 : memref<1024xf32, #tpu.memory_space<hbm>>) target_semaphore(%arg7 : memref<!tpu.dma_semaphore, #tpu.memory_space<semaphore_mem>>)
      %dma_wait3A_524 = arith.constant 0 : i32
      %dma_wait3A_525 = arith.constant 0 : i32
      %dma_wait3A_526 = tpu.memref_slice %arg6[%dma_wait3A_524, %dma_wait3A_525] : memref<104x1024xf32, #tpu.memory_space<vmem>> -> memref<8x1024xf32, #tpu.memory_space<vmem>>
      %dma_wait3A_527 = arith.constant 0 : i32
      %dma_wait3A_528 = tpu.memref_slice %arg4[%mul3A_2, %dma_wait3A_527] : memref<16384x1024xf32, #tpu.memory_space<hbm>> -> memref<8x1024xf32, #tpu.memory_space<hbm>>
      %dma_wait3A_529 = arith.constant 0 : i32
      %dma_wait3A_530 = tpu.memref_slice %arg4[%mul3A_2, %dma_wait3A_529] : memref<16384x1024xf32, #tpu.memory_space<hbm>> -> memref<8x1024xf32, #tpu.memory_space<hbm>>
      %dma_wait3A_531 = arith.constant 0 : i32
      %dma_wait3A_532 = arith.constant 0 : i32
      %dma_wait3A_533 = tpu.memref_slice %arg6[%dma_wait3A_531, %dma_wait3A_532] : memref<104x1024xf32, #tpu.memory_space<vmem>> -> memref<8x1024xf32, #tpu.memory_space<vmem>>
      tpu.wait_dma2 semaphore(%arg8 : memref<!tpu.dma_semaphore, #tpu.memory_space<semaphore_mem>>) src(%dma_wait3A_533 : memref<8x1024xf32, #tpu.memory_space<vmem>>) dst(%dma_wait3A_530 : memref<8x1024xf32, #tpu.memory_space<hbm>>)
      %slice3A_534 = vector.extract_strided_slice %get3A_361 {offsets = [8], sizes = [1], strides = [1]} : vector<16xi32> to vector<1xi32>
      %squeeze3A_535 = vector.extract %slice3A_534[0] : i32 from vector<1xi32>
      %mul3A_536 = arith.constant 16 : i32
      %mul3A_537 = arith.muli %scan3A_356, %mul3A_536 : i32
      %add3A_538 = arith.addi %mul3A_2, %mul3A_537 : i32
      %add3A_539 = arith.constant 8 : i32
      %add3A_540 = arith.addi %add3A_538, %add3A_539 : i32
      %dma_start3A_541 = arith.constant 0 : i32
      %dma_start3A_542 = tpu.memref_slice %arg6[%squeeze3A_535, %dma_start3A_541] : memref<104x1024xf32, #tpu.memory_space<vmem>> -> memref<1x1024xf32, #tpu.memory_space<vmem>>
      %dma_start3A_543 = tpu.memref_squeeze %dma_start3A_542 : memref<1x1024xf32, #tpu.memory_space<vmem>> -> memref<1024xf32, #tpu.memory_space<vmem>>
      %dma_start3A_544 = arith.constant 0 : i32
      %dma_start3A_545 = tpu.memref_slice %arg4[%add3A_540, %dma_start3A_544] : memref<16384x1024xf32, #tpu.memory_space<hbm>> -> memref<1x1024xf32, #tpu.memory_space<hbm>>
      %dma_start3A_546 = tpu.memref_squeeze %dma_start3A_545 : memref<1x1024xf32, #tpu.memory_space<hbm>> -> memref<1024xf32, #tpu.memory_space<hbm>>
      %dma_start3A_547 = arith.constant 0 : i32
      %dma_start3A_548 = tpu.memref_slice %arg4[%add3A_540, %dma_start3A_547] : memref<16384x1024xf32, #tpu.memory_space<hbm>> -> memref<1x1024xf32, #tpu.memory_space<hbm>>
      %dma_start3A_549 = tpu.memref_squeeze %dma_start3A_548 : memref<1x1024xf32, #tpu.memory_space<hbm>> -> memref<1024xf32, #tpu.memory_space<hbm>>
      %dma_start3A_550 = arith.constant 0 : i32
      %dma_start3A_551 = tpu.memref_slice %arg6[%squeeze3A_535, %dma_start3A_550] : memref<104x1024xf32, #tpu.memory_space<vmem>> -> memref<1x1024xf32, #tpu.memory_space<vmem>>
      %dma_start3A_552 = tpu.memref_squeeze %dma_start3A_551 : memref<1x1024xf32, #tpu.memory_space<vmem>> -> memref<1024xf32, #tpu.memory_space<vmem>>
      tpu.enqueue_dma source(%dma_start3A_552 : memref<1024xf32, #tpu.memory_space<vmem>>) target(%dma_start3A_549 : memref<1024xf32, #tpu.memory_space<hbm>>) target_semaphore(%arg8 : memref<!tpu.dma_semaphore, #tpu.memory_space<semaphore_mem>>)
      %slice3A_553 = vector.extract_strided_slice %get3A_361 {offsets = [9], sizes = [1], strides = [1]} : vector<16xi32> to vector<1xi32>
      %squeeze3A_554 = vector.extract %slice3A_553[0] : i32 from vector<1xi32>
      %mul3A_555 = arith.constant 16 : i32
      %mul3A_556 = arith.muli %scan3A_356, %mul3A_555 : i32
      %add3A_557 = arith.addi %mul3A_2, %mul3A_556 : i32
      %add3A_558 = arith.constant 9 : i32
      %add3A_559 = arith.addi %add3A_557, %add3A_558 : i32
      %dma_start3A_560 = arith.constant 0 : i32
      %dma_start3A_561 = tpu.memref_slice %arg6[%squeeze3A_554, %dma_start3A_560] : memref<104x1024xf32, #tpu.memory_space<vmem>> -> memref<1x1024xf32, #tpu.memory_space<vmem>>
      %dma_start3A_562 = tpu.memref_squeeze %dma_start3A_561 : memref<1x1024xf32, #tpu.memory_space<vmem>> -> memref<1024xf32, #tpu.memory_space<vmem>>
      %dma_start3A_563 = arith.constant 0 : i32
      %dma_start3A_564 = tpu.memref_slice %arg4[%add3A_559, %dma_start3A_563] : memref<16384x1024xf32, #tpu.memory_space<hbm>> -> memref<1x1024xf32, #tpu.memory_space<hbm>>
      %dma_start3A_565 = tpu.memref_squeeze %dma_start3A_564 : memref<1x1024xf32, #tpu.memory_space<hbm>> -> memref<1024xf32, #tpu.memory_space<hbm>>
      %dma_start3A_566 = arith.constant 0 : i32
      %dma_start3A_567 = tpu.memref_slice %arg4[%add3A_559, %dma_start3A_566] : memref<16384x1024xf32, #tpu.memory_space<hbm>> -> memref<1x1024xf32, #tpu.memory_space<hbm>>
      %dma_start3A_568 = tpu.memref_squeeze %dma_start3A_567 : memref<1x1024xf32, #tpu.memory_space<hbm>> -> memref<1024xf32, #tpu.memory_space<hbm>>
      %dma_start3A_569 = arith.constant 0 : i32
      %dma_start3A_570 = tpu.memref_slice %arg6[%squeeze3A_554, %dma_start3A_569] : memref<104x1024xf32, #tpu.memory_space<vmem>> -> memref<1x1024xf32, #tpu.memory_space<vmem>>
      %dma_start3A_571 = tpu.memref_squeeze %dma_start3A_570 : memref<1x1024xf32, #tpu.memory_space<vmem>> -> memref<1024xf32, #tpu.memory_space<vmem>>
      tpu.enqueue_dma source(%dma_start3A_571 : memref<1024xf32, #tpu.memory_space<vmem>>) target(%dma_start3A_568 : memref<1024xf32, #tpu.memory_space<hbm>>) target_semaphore(%arg8 : memref<!tpu.dma_semaphore, #tpu.memory_space<semaphore_mem>>)
      %slice3A_572 = vector.extract_strided_slice %get3A_361 {offsets = [10], sizes = [1], strides = [1]} : vector<16xi32> to vector<1xi32>
      %squeeze3A_573 = vector.extract %slice3A_572[0] : i32 from vector<1xi32>
      %mul3A_574 = arith.constant 16 : i32
      %mul3A_575 = arith.muli %scan3A_356, %mul3A_574 : i32
      %add3A_576 = arith.addi %mul3A_2, %mul3A_575 : i32
      %add3A_577 = arith.constant 10 : i32
      %add3A_578 = arith.addi %add3A_576, %add3A_577 : i32
      %dma_start3A_579 = arith.constant 0 : i32
      %dma_start3A_580 = tpu.memref_slice %arg6[%squeeze3A_573, %dma_start3A_579] : memref<104x1024xf32, #tpu.memory_space<vmem>> -> memref<1x1024xf32, #tpu.memory_space<vmem>>
      %dma_start3A_581 = tpu.memref_squeeze %dma_start3A_580 : memref<1x1024xf32, #tpu.memory_space<vmem>> -> memref<1024xf32, #tpu.memory_space<vmem>>
      %dma_start3A_582 = arith.constant 0 : i32
      %dma_start3A_583 = tpu.memref_slice %arg4[%add3A_578, %dma_start3A_582] : memref<16384x1024xf32, #tpu.memory_space<hbm>> -> memref<1x1024xf32, #tpu.memory_space<hbm>>
      %dma_start3A_584 = tpu.memref_squeeze %dma_start3A_583 : memref<1x1024xf32, #tpu.memory_space<hbm>> -> memref<1024xf32, #tpu.memory_space<hbm>>
      %dma_start3A_585 = arith.constant 0 : i32
      %dma_start3A_586 = tpu.memref_slice %arg4[%add3A_578, %dma_start3A_585] : memref<16384x1024xf32, #tpu.memory_space<hbm>> -> memref<1x1024xf32, #tpu.memory_space<hbm>>
      %dma_start3A_587 = tpu.memref_squeeze %dma_start3A_586 : memref<1x1024xf32, #tpu.memory_space<hbm>> -> memref<1024xf32, #tpu.memory_space<hbm>>
      %dma_start3A_588 = arith.constant 0 : i32
      %dma_start3A_589 = tpu.memref_slice %arg6[%squeeze3A_573, %dma_start3A_588] : memref<104x1024xf32, #tpu.memory_space<vmem>> -> memref<1x1024xf32, #tpu.memory_space<vmem>>
      %dma_start3A_590 = tpu.memref_squeeze %dma_start3A_589 : memref<1x1024xf32, #tpu.memory_space<vmem>> -> memref<1024xf32, #tpu.memory_space<vmem>>
      tpu.enqueue_dma source(%dma_start3A_590 : memref<1024xf32, #tpu.memory_space<vmem>>) target(%dma_start3A_587 : memref<1024xf32, #tpu.memory_space<hbm>>) target_semaphore(%arg8 : memref<!tpu.dma_semaphore, #tpu.memory_space<semaphore_mem>>)
      %slice3A_591 = vector.extract_strided_slice %get3A_361 {offsets = [11], sizes = [1], strides = [1]} : vector<16xi32> to vector<1xi32>
      %squeeze3A_592 = vector.extract %slice3A_591[0] : i32 from vector<1xi32>
      %mul3A_593 = arith.constant 16 : i32
      %mul3A_594 = arith.muli %scan3A_356, %mul3A_593 : i32
      %add3A_595 = arith.addi %mul3A_2, %mul3A_594 : i32
      %add3A_596 = arith.constant 11 : i32
      %add3A_597 = arith.addi %add3A_595, %add3A_596 : i32
      %dma_start3A_598 = arith.constant 0 : i32
      %dma_start3A_599 = tpu.memref_slice %arg6[%squeeze3A_592, %dma_start3A_598] : memref<104x1024xf32, #tpu.memory_space<vmem>> -> memref<1x1024xf32, #tpu.memory_space<vmem>>
      %dma_start3A_600 = tpu.memref_squeeze %dma_start3A_599 : memref<1x1024xf32, #tpu.memory_space<vmem>> -> memref<1024xf32, #tpu.memory_space<vmem>>
      %dma_start3A_601 = arith.constant 0 : i32
      %dma_start3A_602 = tpu.memref_slice %arg4[%add3A_597, %dma_start3A_601] : memref<16384x1024xf32, #tpu.memory_space<hbm>> -> memref<1x1024xf32, #tpu.memory_space<hbm>>
      %dma_start3A_603 = tpu.memref_squeeze %dma_start3A_602 : memref<1x1024xf32, #tpu.memory_space<hbm>> -> memref<1024xf32, #tpu.memory_space<hbm>>
      %dma_start3A_604 = arith.constant 0 : i32
      %dma_start3A_605 = tpu.memref_slice %arg4[%add3A_597, %dma_start3A_604] : memref<16384x1024xf32, #tpu.memory_space<hbm>> -> memref<1x1024xf32, #tpu.memory_space<hbm>>
      %dma_start3A_606 = tpu.memref_squeeze %dma_start3A_605 : memref<1x1024xf32, #tpu.memory_space<hbm>> -> memref<1024xf32, #tpu.memory_space<hbm>>
      %dma_start3A_607 = arith.constant 0 : i32
      %dma_start3A_608 = tpu.memref_slice %arg6[%squeeze3A_592, %dma_start3A_607] : memref<104x1024xf32, #tpu.memory_space<vmem>> -> memref<1x1024xf32, #tpu.memory_space<vmem>>
      %dma_start3A_609 = tpu.memref_squeeze %dma_start3A_608 : memref<1x1024xf32, #tpu.memory_space<vmem>> -> memref<1024xf32, #tpu.memory_space<vmem>>
      tpu.enqueue_dma source(%dma_start3A_609 : memref<1024xf32, #tpu.memory_space<vmem>>) target(%dma_start3A_606 : memref<1024xf32, #tpu.memory_space<hbm>>) target_semaphore(%arg8 : memref<!tpu.dma_semaphore, #tpu.memory_space<semaphore_mem>>)
      %slice3A_610 = vector.extract_strided_slice %get3A_361 {offsets = [12], sizes = [1], strides = [1]} : vector<16xi32> to vector<1xi32>
      %squeeze3A_611 = vector.extract %slice3A_610[0] : i32 from vector<1xi32>
      %mul3A_612 = arith.constant 16 : i32
      %mul3A_613 = arith.muli %scan3A_356, %mul3A_612 : i32
      %add3A_614 = arith.addi %mul3A_2, %mul3A_613 : i32
      %add3A_615 = arith.constant 12 : i32
      %add3A_616 = arith.addi %add3A_614, %add3A_615 : i32
      %dma_start3A_617 = arith.constant 0 : i32
      %dma_start3A_618 = tpu.memref_slice %arg6[%squeeze3A_611, %dma_start3A_617] : memref<104x1024xf32, #tpu.memory_space<vmem>> -> memref<1x1024xf32, #tpu.memory_space<vmem>>
      %dma_start3A_619 = tpu.memref_squeeze %dma_start3A_618 : memref<1x1024xf32, #tpu.memory_space<vmem>> -> memref<1024xf32, #tpu.memory_space<vmem>>
      %dma_start3A_620 = arith.constant 0 : i32
      %dma_start3A_621 = tpu.memref_slice %arg4[%add3A_616, %dma_start3A_620] : memref<16384x1024xf32, #tpu.memory_space<hbm>> -> memref<1x1024xf32, #tpu.memory_space<hbm>>
      %dma_start3A_622 = tpu.memref_squeeze %dma_start3A_621 : memref<1x1024xf32, #tpu.memory_space<hbm>> -> memref<1024xf32, #tpu.memory_space<hbm>>
      %dma_start3A_623 = arith.constant 0 : i32
      %dma_start3A_624 = tpu.memref_slice %arg4[%add3A_616, %dma_start3A_623] : memref<16384x1024xf32, #tpu.memory_space<hbm>> -> memref<1x1024xf32, #tpu.memory_space<hbm>>
      %dma_start3A_625 = tpu.memref_squeeze %dma_start3A_624 : memref<1x1024xf32, #tpu.memory_space<hbm>> -> memref<1024xf32, #tpu.memory_space<hbm>>
      %dma_start3A_626 = arith.constant 0 : i32
      %dma_start3A_627 = tpu.memref_slice %arg6[%squeeze3A_611, %dma_start3A_626] : memref<104x1024xf32, #tpu.memory_space<vmem>> -> memref<1x1024xf32, #tpu.memory_space<vmem>>
      %dma_start3A_628 = tpu.memref_squeeze %dma_start3A_627 : memref<1x1024xf32, #tpu.memory_space<vmem>> -> memref<1024xf32, #tpu.memory_space<vmem>>
      tpu.enqueue_dma source(%dma_start3A_628 : memref<1024xf32, #tpu.memory_space<vmem>>) target(%dma_start3A_625 : memref<1024xf32, #tpu.memory_space<hbm>>) target_semaphore(%arg8 : memref<!tpu.dma_semaphore, #tpu.memory_space<semaphore_mem>>)
      %slice3A_629 = vector.extract_strided_slice %get3A_361 {offsets = [13], sizes = [1], strides = [1]} : vector<16xi32> to vector<1xi32>
      %squeeze3A_630 = vector.extract %slice3A_629[0] : i32 from vector<1xi32>
      %mul3A_631 = arith.constant 16 : i32
      %mul3A_632 = arith.muli %scan3A_356, %mul3A_631 : i32
      %add3A_633 = arith.addi %mul3A_2, %mul3A_632 : i32
      %add3A_634 = arith.constant 13 : i32
      %add3A_635 = arith.addi %add3A_633, %add3A_634 : i32
      %dma_start3A_636 = arith.constant 0 : i32
      %dma_start3A_637 = tpu.memref_slice %arg6[%squeeze3A_630, %dma_start3A_636] : memref<104x1024xf32, #tpu.memory_space<vmem>> -> memref<1x1024xf32, #tpu.memory_space<vmem>>
      %dma_start3A_638 = tpu.memref_squeeze %dma_start3A_637 : memref<1x1024xf32, #tpu.memory_space<vmem>> -> memref<1024xf32, #tpu.memory_space<vmem>>
      %dma_start3A_639 = arith.constant 0 : i32
      %dma_start3A_640 = tpu.memref_slice %arg4[%add3A_635, %dma_start3A_639] : memref<16384x1024xf32, #tpu.memory_space<hbm>> -> memref<1x1024xf32, #tpu.memory_space<hbm>>
      %dma_start3A_641 = tpu.memref_squeeze %dma_start3A_640 : memref<1x1024xf32, #tpu.memory_space<hbm>> -> memref<1024xf32, #tpu.memory_space<hbm>>
      %dma_start3A_642 = arith.constant 0 : i32
      %dma_start3A_643 = tpu.memref_slice %arg4[%add3A_635, %dma_start3A_642] : memref<16384x1024xf32, #tpu.memory_space<hbm>> -> memref<1x1024xf32, #tpu.memory_space<hbm>>
      %dma_start3A_644 = tpu.memref_squeeze %dma_start3A_643 : memref<1x1024xf32, #tpu.memory_space<hbm>> -> memref<1024xf32, #tpu.memory_space<hbm>>
      %dma_start3A_645 = arith.constant 0 : i32
      %dma_start3A_646 = tpu.memref_slice %arg6[%squeeze3A_630, %dma_start3A_645] : memref<104x1024xf32, #tpu.memory_space<vmem>> -> memref<1x1024xf32, #tpu.memory_space<vmem>>
      %dma_start3A_647 = tpu.memref_squeeze %dma_start3A_646 : memref<1x1024xf32, #tpu.memory_space<vmem>> -> memref<1024xf32, #tpu.memory_space<vmem>>
      tpu.enqueue_dma source(%dma_start3A_647 : memref<1024xf32, #tpu.memory_space<vmem>>) target(%dma_start3A_644 : memref<1024xf32, #tpu.memory_space<hbm>>) target_semaphore(%arg8 : memref<!tpu.dma_semaphore, #tpu.memory_space<semaphore_mem>>)
      %slice3A_648 = vector.extract_strided_slice %get3A_361 {offsets = [14], sizes = [1], strides = [1]} : vector<16xi32> to vector<1xi32>
      %squeeze3A_649 = vector.extract %slice3A_648[0] : i32 from vector<1xi32>
      %mul3A_650 = arith.constant 16 : i32
      %mul3A_651 = arith.muli %scan3A_356, %mul3A_650 : i32
      %add3A_652 = arith.addi %mul3A_2, %mul3A_651 : i32
      %add3A_653 = arith.constant 14 : i32
      %add3A_654 = arith.addi %add3A_652, %add3A_653 : i32
      %dma_start3A_655 = arith.constant 0 : i32
      %dma_start3A_656 = tpu.memref_slice %arg6[%squeeze3A_649, %dma_start3A_655] : memref<104x1024xf32, #tpu.memory_space<vmem>> -> memref<1x1024xf32, #tpu.memory_space<vmem>>
      %dma_start3A_657 = tpu.memref_squeeze %dma_start3A_656 : memref<1x1024xf32, #tpu.memory_space<vmem>> -> memref<1024xf32, #tpu.memory_space<vmem>>
      %dma_start3A_658 = arith.constant 0 : i32
      %dma_start3A_659 = tpu.memref_slice %arg4[%add3A_654, %dma_start3A_658] : memref<16384x1024xf32, #tpu.memory_space<hbm>> -> memref<1x1024xf32, #tpu.memory_space<hbm>>
      %dma_start3A_660 = tpu.memref_squeeze %dma_start3A_659 : memref<1x1024xf32, #tpu.memory_space<hbm>> -> memref<1024xf32, #tpu.memory_space<hbm>>
      %dma_start3A_661 = arith.constant 0 : i32
      %dma_start3A_662 = tpu.memref_slice %arg4[%add3A_654, %dma_start3A_661] : memref<16384x1024xf32, #tpu.memory_space<hbm>> -> memref<1x1024xf32, #tpu.memory_space<hbm>>
      %dma_start3A_663 = tpu.memref_squeeze %dma_start3A_662 : memref<1x1024xf32, #tpu.memory_space<hbm>> -> memref<1024xf32, #tpu.memory_space<hbm>>
      %dma_start3A_664 = arith.constant 0 : i32
      %dma_start3A_665 = tpu.memref_slice %arg6[%squeeze3A_649, %dma_start3A_664] : memref<104x1024xf32, #tpu.memory_space<vmem>> -> memref<1x1024xf32, #tpu.memory_space<vmem>>
      %dma_start3A_666 = tpu.memref_squeeze %dma_start3A_665 : memref<1x1024xf32, #tpu.memory_space<vmem>> -> memref<1024xf32, #tpu.memory_space<vmem>>
      tpu.enqueue_dma source(%dma_start3A_666 : memref<1024xf32, #tpu.memory_space<vmem>>) target(%dma_start3A_663 : memref<1024xf32, #tpu.memory_space<hbm>>) target_semaphore(%arg8 : memref<!tpu.dma_semaphore, #tpu.memory_space<semaphore_mem>>)
      %slice3A_667 = vector.extract_strided_slice %get3A_361 {offsets = [15], sizes = [1], strides = [1]} : vector<16xi32> to vector<1xi32>
      %squeeze3A_668 = vector.extract %slice3A_667[0] : i32 from vector<1xi32>
      %mul3A_669 = arith.constant 16 : i32
      %mul3A_670 = arith.muli %scan3A_356, %mul3A_669 : i32
      %add3A_671 = arith.addi %mul3A_2, %mul3A_670 : i32
      %add3A_672 = arith.constant 15 : i32
      %add3A_673 = arith.addi %add3A_671, %add3A_672 : i32
      %dma_start3A_674 = arith.constant 0 : i32
      %dma_start3A_675 = tpu.memref_slice %arg6[%squeeze3A_668, %dma_start3A_674] : memref<104x1024xf32, #tpu.memory_space<vmem>> -> memref<1x1024xf32, #tpu.memory_space<vmem>>
      %dma_start3A_676 = tpu.memref_squeeze %dma_start3A_675 : memref<1x1024xf32, #tpu.memory_space<vmem>> -> memref<1024xf32, #tpu.memory_space<vmem>>
      %dma_start3A_677 = arith.constant 0 : i32
      %dma_start3A_678 = tpu.memref_slice %arg4[%add3A_673, %dma_start3A_677] : memref<16384x1024xf32, #tpu.memory_space<hbm>> -> memref<1x1024xf32, #tpu.memory_space<hbm>>
      %dma_start3A_679 = tpu.memref_squeeze %dma_start3A_678 : memref<1x1024xf32, #tpu.memory_space<hbm>> -> memref<1024xf32, #tpu.memory_space<hbm>>
      %dma_start3A_680 = arith.constant 0 : i32
      %dma_start3A_681 = tpu.memref_slice %arg4[%add3A_673, %dma_start3A_680] : memref<16384x1024xf32, #tpu.memory_space<hbm>> -> memref<1x1024xf32, #tpu.memory_space<hbm>>
      %dma_start3A_682 = tpu.memref_squeeze %dma_start3A_681 : memref<1x1024xf32, #tpu.memory_space<hbm>> -> memref<1024xf32, #tpu.memory_space<hbm>>
      %dma_start3A_683 = arith.constant 0 : i32
      %dma_start3A_684 = tpu.memref_slice %arg6[%squeeze3A_668, %dma_start3A_683] : memref<104x1024xf32, #tpu.memory_space<vmem>> -> memref<1x1024xf32, #tpu.memory_space<vmem>>
      %dma_start3A_685 = tpu.memref_squeeze %dma_start3A_684 : memref<1x1024xf32, #tpu.memory_space<vmem>> -> memref<1024xf32, #tpu.memory_space<vmem>>
      tpu.enqueue_dma source(%dma_start3A_685 : memref<1024xf32, #tpu.memory_space<vmem>>) target(%dma_start3A_682 : memref<1024xf32, #tpu.memory_space<hbm>>) target_semaphore(%arg8 : memref<!tpu.dma_semaphore, #tpu.memory_space<semaphore_mem>>)
    }
    %scan3A_335 = arith.constant 31 : i32
    %dma_wait3A_336 = arith.constant 0 : i32
    %dma_wait3A_337 = arith.constant 0 : i32
    %dma_wait3A_338 = tpu.memref_slice %arg6[%dma_wait3A_336, %dma_wait3A_337] : memref<104x1024xf32, #tpu.memory_space<vmem>> -> memref<8x1024xf32, #tpu.memory_space<vmem>>
    %dma_wait3A_339 = arith.constant 0 : i32
    %dma_wait3A_340 = tpu.memref_slice %arg4[%mul3A_2, %dma_wait3A_339] : memref<16384x1024xf32, #tpu.memory_space<hbm>> -> memref<8x1024xf32, #tpu.memory_space<hbm>>
    %dma_wait3A_341 = arith.constant 0 : i32
    %dma_wait3A_342 = tpu.memref_slice %arg4[%mul3A_2, %dma_wait3A_341] : memref<16384x1024xf32, #tpu.memory_space<hbm>> -> memref<8x1024xf32, #tpu.memory_space<hbm>>
    %dma_wait3A_343 = arith.constant 0 : i32
    %dma_wait3A_344 = arith.constant 0 : i32
    %dma_wait3A_345 = tpu.memref_slice %arg6[%dma_wait3A_343, %dma_wait3A_344] : memref<104x1024xf32, #tpu.memory_space<vmem>> -> memref<8x1024xf32, #tpu.memory_space<vmem>>
    tpu.wait_dma2 semaphore(%arg7 : memref<!tpu.dma_semaphore, #tpu.memory_space<semaphore_mem>>) src(%dma_wait3A_345 : memref<8x1024xf32, #tpu.memory_space<vmem>>) dst(%dma_wait3A_342 : memref<8x1024xf32, #tpu.memory_space<hbm>>)
    %dma_wait3A_346 = arith.constant 0 : i32
    %dma_wait3A_347 = arith.constant 0 : i32
    %dma_wait3A_348 = tpu.memref_slice %arg6[%dma_wait3A_346, %dma_wait3A_347] : memref<104x1024xf32, #tpu.memory_space<vmem>> -> memref<8x1024xf32, #tpu.memory_space<vmem>>
    %dma_wait3A_349 = arith.constant 0 : i32
    %dma_wait3A_350 = tpu.memref_slice %arg4[%mul3A_2, %dma_wait3A_349] : memref<16384x1024xf32, #tpu.memory_space<hbm>> -> memref<8x1024xf32, #tpu.memory_space<hbm>>
    %dma_wait3A_351 = arith.constant 0 : i32
    %dma_wait3A_352 = tpu.memref_slice %arg4[%mul3A_2, %dma_wait3A_351] : memref<16384x1024xf32, #tpu.memory_space<hbm>> -> memref<8x1024xf32, #tpu.memory_space<hbm>>
    %dma_wait3A_353 = arith.constant 0 : i32
    %dma_wait3A_354 = arith.constant 0 : i32
    %dma_wait3A_355 = tpu.memref_slice %arg6[%dma_wait3A_353, %dma_wait3A_354] : memref<104x1024xf32, #tpu.memory_space<vmem>> -> memref<8x1024xf32, #tpu.memory_space<vmem>>
    tpu.wait_dma2 semaphore(%arg8 : memref<!tpu.dma_semaphore, #tpu.memory_space<semaphore_mem>>) src(%dma_wait3A_355 : memref<8x1024xf32, #tpu.memory_space<vmem>>) dst(%dma_wait3A_352 : memref<8x1024xf32, #tpu.memory_space<hbm>>)
    return
  }
}

</mosaic_0001>

<sc_bundles>
// kernel: kernel.3.cloned.1.call-start
scs
__scs_entry_jumppad:
0x0: {  	(pc) =	sbr.rel $0x88, $3  }
0x1: {  	(tag) =	ssettag $0x0;
	lr =	simm.s32 $0x1  }
0x2: {  	[smem:$0x3F9F] =	sst lr;
	_ =	strace $0xD0000000  }
0x3: {  	_ = 	snop  }
0x4: {  	_ = 	snop  }
0x5: {  	_ = 	snop  }
0x6: {  	_ = 	snop  }
0x7: {  	_ = 	snop  }
__scs_overlays_trampoline_lowered:
0x8: {  	[smem:$0x3FAE] =	sst s0  }
0x9: {  	[smem:$0x3FAF] =	sst s1  }
0xa: {  	[smem:$0x3FB0] =	sst s2  }
0xb: {  	[smem:$0x3FB1] =	sst s3  }
0xc: {  	[smem:$0x3FB2] =	sst s4  }
0xd: {  	[smem:$0x3FB3] =	sst s5  }
0xe: {  	[smem:$0x3FB4] =	sst s6  }
0xf: {  	[smem:$0x3FB5] =	sst s7  }
0x10: {  	[smem:$0x3FB6] =	sst s8  }
0x11: {  	[smem:$0x3FB7] =	sst s9;
	s0 =	simm.s32 @!p0 $0x0  }
0x12: {  	s1 =	sld [smem:$0x3F9D];
	s0 =	simm.s32 @p0 $0x1  }
0x13: {  	[smem:$0x3FB8] =	sst s0;
	s0 =	simm.s32 @!p1 $0x0  }
0x14: {  	s2 =	sld [smem:$0x3F9C];
	s0 =	simm.s32 @p1 $0x1  }
0x15: {  	[smem:$0x3FB9] =	sst s0;
	s0 =	simm.s32 @!p2 $0x0  }
0x16: {  	s3 =	sld [smem:$0x3FDB];
	s0 =	simm.s32 @p2 $0x1  }
0x17: {  	s4 =	simm.s32 $0x1BF5;
	[smem:$0x3FBB] =	sst s0  }
0x18: {  	s0 =	sld [smem:$0x3F9E];
	_ =	swait.ge [sflag:s4], $0x0  }
0x19: {  	s7 =	sld [smem:$0x3F9F]  }
0x1a: {  	s8 =	sadd.s32 $0xFFFFE003, lr  }
0x1b: {  	s9 =	sadd.s32 $0xFFFFFEF7, lr;
	s5 =	simm.s32 $0xFFFFFFFF;
	p2 =	slt.u32 s8, $0xFFFFF086  }
0x1c: {  	p1 =	slt.u32 s9, $0xF7A;
	s5 =	simm.s32 @!p2 $0x0  }
0x1d: {  	s5 =	simm.s32 @p1 $0x1;
	p0 =	seq.s32 s7, s2  }
0x1e: {  	s7 =	smul.u32 @!p0 $0xF7A, s2;
	p2 =	seq.s32 @!p0 s5, $0x0  }
0x1f: {  	s9 =	smul.u32 $0xF7A, s1;
	s8 =	simm.s32 @!p0 $0x1BF5;
	p2 =	por !p2, p0  }
0x20: {  	[sflag:s8] =	ssyncset.s32 @!p0 $0xFFFFF086;
	s6 =	sadd.s32 @!p0 s3, s7;
	s7 =	simm.s32 @!p0 $0x108  }
0x21: {  	s3 =	sadd.s32 s3, s9;
	s6 =	sadd.s32 @!p0 $0x88, s6;
	s7 =	simm.s32 @p2 $0x1082  }
0x22: {  	[simem:s7], [sflag:s8] =	dma.local @!p0 [hbm:s6], $0xF7A  }
0x23: {  	s9 =	sor.u32 $0xD0000000, s2;
	s6 =	simm.s32 $0x108;
	_ =	swait.ge @!p0 [sflag:s8], $0x0  }
0x24: {  	s3 =	sadd.s32 $0x88, s3;
	s6 =	simm.s32 @!p1 $0x1082;
	[sflag:s4] =	ssyncset.s32 $0xFFFFF086  }
0x25: {  	[simem:s6], [sflag:s4] =	dma.local [hbm:s3], $0xF7A  }
0x26: {  	[smem:$0x3F9F] =	sst s1;
	(tag) =	ssettag s2;
	_ =	strace s9  }
0x27: {  	s1 =	sld [smem:$0x3FAF]  }
0x28: {  	s2 =	sld [smem:$0x3FB0]  }
0x29: {  	s4 =	sld [smem:$0x3FB2]  }
0x2a: {  	p0 =	seq.s32 s5, $0x0;
	s5 =	sld [smem:$0x3FB3]  }
0x2b: {  	s6 =	sld [smem:$0x3FB4]  }
0x2c: {  	s7 =	sld [smem:$0x3FB5]  }
0x2d: {  	s3 =	simm.s32 $0x108;
	s8 =	sld [smem:$0x3FB6]  }
0x2e: {  	s3 =	simm.s32 @!p0 $0x1082;
	s9 =	sld [smem:$0x3FB7]  }
0x2f: {  	lr =	sadd.s32 s0, s3;
	s0 =	sld [smem:$0x3FAE]  }
0x30: {  	s3 =	sld [smem:$0x3FB1]  }
0x31: {  	[smem:$0x3FBA] =	sst s10  }
0x32: {  	s10 =	sld [smem:$0x3FB8];
	_ =	sdelay $0x3  }
0x33: {  	p0 =	seq.s32 s10, $0x1;
	s10 =	sld [smem:$0x3FBA];
	_ =	sdelay $0x3  }
0x34: {  	[smem:$0x3FBA] =	sst s10  }
0x35: {  	s10 =	sld [smem:$0x3FB9];
	_ =	sdelay $0x3  }
0x36: {  	p1 =	seq.s32 s10, $0x1;
	s10 =	sld [smem:$0x3FBA];
	_ =	sdelay $0x3  }
0x37: {  	[smem:$0x3FBA] =	sst s10  }
0x38: {  	s10 =	sld [smem:$0x3FBB]  }
0x39: {  	_ = 	snop;
	(pc) =	sbr.ind lr, $3  }
0x3a: {  	_ = 	snop  }
0x3b: {  	_ = 	snop  }
0x3c: {  	p2 =	seq.s32 s10, $0x1;
	s10 =	sld [smem:$0x3FBA]  }
0x3d: {  	_ =	shalt  }
0x3e: {  	_ =	shalt  }
0x3f: {  	_ =	shalt  }
0x40: {  	_ =	shalt  }
0x41: {  	_ =	shalt  }
0x42: {  	_ =	shalt  }
0x43: {  	_ =	shalt  }
0x44: {  	_ =	shalt  }
0x45: {  	_ =	shalt  }
0x46: {  	_ =	shalt  }
0x47: {  	_ =	shalt  }
0x48: {  	_ =	shalt  }
0x49: {  	_ =	shalt  }
0x4a: {  	_ =	shalt  }
0x4b: {  	_ =	shalt  }
0x4c: {  	_ =	shalt  }
0x4d: {  	_ =	shalt  }
0x4e: {  	_ =	shalt  }
0x4f: {  	_ =	shalt  }
0x50: {  	_ =	shalt  }
0x51: {  	_ =	shalt  }
0x52: {  	_ =	shalt  }
0x53: {  	_ =	shalt  }
0x54: {  	_ =	shalt  }
0x55: {  	_ =	shalt  }
0x56: {  	_ =	shalt  }
0x57: {  	_ =	shalt  }
0x58: {  	_ =	shalt  }
0x59: {  	_ =	shalt  }
0x5a: {  	_ =	shalt  }
0x5b: {  	_ =	shalt  }
0x5c: {  	_ =	shalt  }
0x5d: {  	_ =	shalt  }
0x5e: {  	_ =	shalt  }
0x5f: {  	_ =	shalt  }
0x60: {  	_ =	shalt  }
0x61: {  	_ =	shalt  }
0x62: {  	_ =	shalt  }
0x63: {  	_ =	shalt  }
0x64: {  	_ =	shalt  }
0x65: {  	_ =	shalt  }
0x66: {  	_ =	shalt  }
0x67: {  	_ =	shalt  }
0x68: {  	_ =	shalt  }
0x69: {  	_ =	shalt  }
0x6a: {  	_ =	shalt  }
0x6b: {  	_ =	shalt  }
0x6c: {  	_ =	shalt  }
0x6d: {  	_ =	shalt  }
0x6e: {  	_ =	shalt  }
0x6f: {  	_ =	shalt  }
0x70: {  	_ =	shalt  }
0x71: {  	_ =	shalt  }
0x72: {  	_ =	shalt  }
0x73: {  	_ =	shalt  }
0x74: {  	_ =	shalt  }
0x75: {  	_ =	shalt  }
0x76: {  	_ =	shalt  }
0x77: {  	_ =	shalt  }
0x78: {  	_ =	shalt  }
0x79: {  	_ =	shalt  }
0x7a: {  	_ =	shalt  }
0x7b: {  	_ =	shalt  }
0x7c: {  	_ =	shalt  }
0x7d: {  	_ =	shalt  }
0x7e: {  	_ =	shalt  }
0x7f: {  	_ =	shalt  }
0x80: {  	_ =	shalt  }
0x81: {  	_ =	shalt  }
0x82: {  	_ =	shalt  }
0x83: {  	_ =	shalt  }
0x84: {  	_ =	shalt  }
0x85: {  	_ =	shalt  }
0x86: {  	_ =	shalt  }
0x87: {  	_ =	shalt  }
.Lfunc_end0:
.L_simem_size_0:
called_computation_lowered:
.L_overlay_start_0:
0x88: {  	s2 =	sld [smem:$0x3FD9]  }
0x89: {  	s3 =	sld [smem:$0x3FFE];
	_ =	sdelay $0x1  }
0x8a: {  	s1 =	srdreg.scid  }
0x8b: {  	s0 =	sand.u32 $0x1, s1  }
0x8c: {  	s17 =	sshll.u32 s0, $0xA;
	s2 =	sadd.s32 s3, s2  }
0x8d: {  	s2 =	sadd.s32 s2, s17  }
0x8e: {  	[smem:$0x3FC6] =	sst s2  }
0x8f: {  	_ = 	snop  }
0x90: {  	s2 =	sld [smem:$0x3FD0];
	(tm) =	ssettm $0x1  }
0x91: {  	s18 =	sld [smem:$0x3FFB];
	_ =	sdelay $0x3  }
0x92: {  	_ =	strace s18  }
0x93: {  	s3 =	sld [smem:$0x3FFC];
	_ =	sdelay $0x3  }
0x94: {  	_ =	strace s3  }
0x95: {  	s3 =	sld [smem:$0x3FFD];
	_ =	sdelay $0x3  }
0x96: {  	_ =	strace s3  }
0x97: {  	_ =	strace $0x8FFFFFFF  }
0x98: {  	s19 =	sld [smem:$0x3FDB];
	_ =	sdelay $0x1  }
0x99: {  	s4 =	simm.s32 $_scs_section_size  }
0x9a: {  	s5 =	simm.s32 $_size__tile_overlayer_lowered;
	s6 =	simm.s32 $_tile_overlayer_lowered  }
0x9b: {  	s22 =	simm.s32 $0x1BFF;
	s21 =	sshll.u32 s6, $0x1;
	s3 =	sadd.s32 s4, s19  }
0x9c: {  	s7 =	simm.s32 $0x0;
	s20 =	sshll.u32 s5, $0x1;
	s5 =	sadd.s32 s21, s3  }
0x9d: {  	[timem:s7], [sflag:s22] =	dma.local [hbm:s5], s20  }
0x9e: {  	_ =	swait.ge [sflag:s22], s20  }
0x9f: {  	s4 =	ssub.s32 $0x0, s20;
	[sflag:s22] =	ssyncset.done $0x0  }
0xa0: {  	[sflag:s22] =	ssyncadd.s32 s4;
	_ =	sdelay $0x1  }
0xa1: {  	s23 =	simm.s32 $0x1B8B  }
0xa2: {  	_ =	swait.ge [sflag:s23], $0x1  }
0xa3: {  	[sflag:s23] =	ssyncset.done $0x0  }
0xa4: {  	s25 =	simm.s32 $0x1B8E;
	s24 =	sld [smem:$0x3FFE];
	[sflag:s23] =	ssyncadd.s32 $0xFFFFFFFF  }
0xa5: {  	s26 =	simm.s32 $execute0_lowered;
	[smem:$0x3FD2] =	sst s25  }
0xa6: {  	s5 =	sshll.u32 s26, $0x1;
	_ =	strace $0x80000046;
	[dreg:$0x1] =	wrdreg $0xFFFFFFFF  }
0xa7: {  	s28 =	simm.s32 $_size_execute0_lowered;
	s3 =	sadd.s32 s3, s5;
	[dreg:$0x0] =	wrdreg $0x0  }
0xa8: {  	s5 =	sshll.u32 s28, $0x1;
	[dreg:$0x2] =	wrdreg s3  }
0xa9: {  	[dreg:$0x3] =	wrdreg s5  }
0xaa: {  	[dreg:$0x4] =	wrdreg $0xC0  }
0xab: {  	_ =	task [dreg:s7], $0x5FFFF  }
0xac: {  	[dreg:$0x1] =	wrdreg $0xFFFFFFFF  }
0xad: {  	[dreg:$0x0] =	wrdreg $0x60  }
0xae: {  	[dreg:$0x2] =	wrdreg s24  }
0xaf: {  	[dreg:$0x3] =	wrdreg s2  }
0xb0: {  	[dreg:$0x4] =	wrdreg $0x9  }
0xb1: {  	_ =	task.clear_ibuf [dreg:s7], $0x5FFFF;
	_ =	strace $0x90000046  }
0xb2: {  	s29 =	simm.s32 $0x9;
	_ =	strace $0x80000048  }
0xb3: {  	_ =	swait.ge [sflag:s29], $0x1  }
0xb4: {  	[sflag:s29] =	ssyncadd.s32 $0xFFFFFFFF  }
0xb5: {  	_ =	strace $0x90000048  }
0xb6: {  	_ =	sfence  }
0xb7: {  	s30 =	sld [smem:$0x0];
	_ =	sdelay $0x2  }
0xb8: {  	s31 =	sshll.u32 s1, $0xD;
	s1 =	sshrl.u32 s1, $0x2  }
0xb9: {  	s3 =	sand.u32 $0x4000, s31;
	s1 =	sadd.s32 s1, s30  }
0xba: {  	s0 =	sor.u32 s3, s0;
	s1 =	sshll.u32 s1, $0x11  }
0xbb: {  	s0 =	sor.u32 s1, s0  }
0xbc: {  	s0 =	sadd.s32 $0x8F2B, s0  }
0xbd: {  	[sflag:s0] =	ssyncadd.remote.s32 $0x1  }
0xbe: {  	_ =	sfence.sel $0xFFFF  }
0xbf: {  	[dreg:$0x0] =	wrdreg $0xFFFFFFFF;
	(pc) =	sbr.abs _section_cstart, $3  }
0xc0: {  	[dreg:$0x1] =	wrdreg $0xFFFFFFFF  }
0xc1: {  	_ =	task.clear_ibuf [dreg:s7], $0x2FFFF;
	_ =	strace $0x9FFFFFFF  }
0xc2: {  	(tm) =	ssettm $0x7FFFFFFF  }
0xc3: {  	_ =	shalt  }
tec
execute0_lowered:
.L_overlay_start_1:
0x0: {  	(tag) =	ssettag $0x1  }
0x1: {  	s6 =	rddreg [dreg:$0x0]  }
0x2: {  	s20 =	rddreg [dreg:$0x1]  }
0x3: {  	s3 =	srdreg.scid;
	s0 =	stileid.u32;
	s2 =	simm.s32 $0x0  }
0x4: {  	s26 =	simm.s32 $0x1;
	s28 =	simm.s32 $0x0;
	s21 =	sand.u32 $0x1, s3  }
0x5: {  	s30 =	sshll.u32 s0, $0x1;
	[smem:$0x7FF] =	sst s2;
	s3 =	sadd.s32 $0xC00, s6  }
0x6: {  	s22 =	sshll.u32 s0, $0x11;
	s5 =	sor.u32 s21, s30;
	s4 =	ssub.s32 $0x2, s21  }
0x7: {  	_ =	strace $0x80000047;
	s22 =	sadd.s32 s22, s20;
	s23 =	sshll.u32 s21, $0x10  }
0x8: {  	s7 =	sshll.u32 s5, $0x6;
	s8 =	sshrl.u32 s4, $0x1;
	s25 =	sand.u32 $0x3, s5  }
0x9: {  	s31 =	sshll.u32 s5, $0x10;
	s5 =	sadd.s32 $0x3400, s6;
	s23 =	sadd.s32 s23, s22  }
0xa: {  	s9 =	sadd.s32 s7, s6;
	s24 =	ssub.s32 s4, s8;
	p2 =	sgt.s32 s25, $0x1  }
0xb: {  	s4 =	sadd.s32 $0x2800, s6;
	s6 =	sadd.s32 $0x1C00, s6;
	p0 =	seq.s32 @p2 s25, $0x2  }
0xc: {  	s7 =	sadd.s32 s20, s31;
	[dreg:$0x3] =	wrdreg s23;
	p1 =	por !p0, !p2  }
0xd: {  	s1 =	sadd.s32 $0x400, s9;
	s9 =	sadd.s32 $0x10, s7;
	s0 =	simm.s32 @!p1 $0x0  }
0xe: {  	s10 =	sadd.s32 $0x20, s7;
	p0 =	por p0, !p2;
	s0 =	simm.s32 @p1 $0x1  }
0xf: {  	s11 =	sadd.s32 $0x30, s7;
	[smem:$0x7F8] =	sst s0;
	s0 =	simm.s32 @!p0 $0x0  }
0x10: {  	s12 =	sadd.s32 $0x40, s7;
	s0 =	simm.s32 @p0 $0x1;
	p0 =	seq.s32 @!p2 s25, $0x0  }
0x11: {  	s13 =	sadd.s32 $0x50, s7;
	s14 =	sadd.s32 $0x60, s7;
	p1 =	por !p0, p2  }
0x12: {  	s15 =	sadd.s32 $0x70, s7;
	[smem:$0x7F9] =	sst s0;
	s0 =	simm.s32 @!p1 $0x0  }
0x13: {  	s16 =	sadd.s32 $0x400, s7;
	s17 =	sadd.s32 $0x410, s7;
	s0 =	simm.s32 @p1 $0x1  }
0x14: {  	s18 =	sadd.s32 $0x420, s7;
	[smem:$0x7FA] =	sst s0;
	s0 =	simm.s32 @!p2 $0x0  }
0x15: {  	s19 =	sadd.s32 $0x430, s7;
	p0 =	por p0, p2;
	s0 =	simm.s32 @p2 $0x1  }
0x16: {  	s20 =	sadd.s32 $0x440, s7;
	[smem:$0x7FB] =	sst s0;
	s0 =	simm.s32 @!p0 $0x0  }
0x17: {  	s21 =	sadd.s32 $0x450, s7;
	s0 =	simm.s32 @p0 $0x1;
	p0 =	sne.s32 s25, $0x0  }
0x18: {  	s22 =	sadd.s32 $0x460, s7;
	[smem:$0x7FC] =	sst s0;
	s0 =	simm.s32 @!p0 $0x0  }
0x19: {  	s23 =	sadd.s32 $0x470, s7;
	[dreg:$0x4] =	wrdreg s1;
	s0 =	simm.s32 @p0 $0x1  }
0x1a: {  	s24 =	smax.u32 s24, $0x1;
	s25 =	simm.s32 $0x2;
	[smem:$0x7FD] =	sst s0  }
.LBB2_1:
0x1b: {  	s0 =	sld [smem:$0x7F8];
	_ =	sdelay $0x2  }
0x1c: {  	p6 =	seq.s32 s0, $0x1  }
0x1d: {  	s29 =	simm.s32 @!p6 $0x0;
	s30 =	simm.s32 @!p6 $0xE200  }
0x1e: {  	[tilespmem:s30], [sflag:$0x1] =	stream.linear.gather @!p6 [hbm4b:s4+s29], $0x6000, $0x38;
	[tilespmem:$0x1A200] =	vst v63  }
0x1f: {  	s1 =	sld [smem:$0x7F9];
	s30 =	simm.s32 @!p6 $0x14200  }
0x20: {  	[tilespmem:s30], [sflag:$0x1] =	stream.linear.gather @!p6 [hbm4b:s5+s29], $0x6000, $0x38;
	[tilespmem:$0x1A200] =	vst v63  }
0x21: {  	s30 =	simm.s32 @!p6 $0x200  }
0x22: {  	[tilespmem:s30], [sflag:$0x1] =	stream.linear.gather @!p6 [hbm4b:s3+s29], $0x8000, $0x38;
	[tilespmem:$0x1A200] =	vst v63  }
0x23: {  	s8 =	sld [smem:$0x7FA];
	p4 =	seq.s32 s1, $0x1;
	s30 =	simm.s32 @!p6 $0x8200  }
0x24: {  	[tilespmem:s30], [sflag:$0x1] =	stream.linear.gather @!p6 [hbm4b:s6+s29], $0x6000, $0x38;
	[tilespmem:$0x1A200] =	vst v63  }
0x25: {  	s31 =	sld [smem:$0x7FC];
	s29 =	simm.s32 @!p4 $0x0;
	s30 =	simm.s32 @!p4 $0x14200  }
0x26: {  	[tilespmem:s30], [sflag:$0x1] =	stream.linear.gather @!p4 [hbm4b:s5+s29], $0x6000, $0x38;
	[tilespmem:$0x1A200] =	vst v63  }
0x27: {  	s30 =	simm.s32 @!p4 $0x200  }
0x28: {  	[tilespmem:s30], [sflag:$0x1] =	stream.linear.gather @!p4 [hbm4b:s3+s29], $0x8000, $0x38;
	[tilespmem:$0x1A200] =	vst v63  }
0x29: {  	p1 =	seq.s32 s8, $0x1;
	p5 =	seq.s32 s31, $0x1;
	s30 =	simm.s32 @!p4 $0x8200  }
0x2a: {  	[tilespmem:s30], [sflag:$0x1] =	stream.linear.gather @!p4 [hbm4b:s6+s29], $0x6000, $0x38;
	[tilespmem:$0x1A200] =	vst v63  }
0x2b: {  	p2 =	por @!p6 $0x0, $0x0;
	p0 =	por @!p4 $0x0, $0x0;
	s30 =	simm.s32 @!p4 $0xE200  }
0x2c: {  	[tilespmem:s30], [sflag:$0x1] =	stream.linear.gather @!p4 [hbm4b:s4+s29], $0x6000, $0x38;
	[tilespmem:$0x1A200] =	vst v63  }
0x2d: {  	p3 =	por @!p4 $0x1, $0x1;
	s29 =	simm.s32 @!p1 $0x0;
	s30 =	simm.s32 @!p1 $0x200  }
0x2e: {  	[tilespmem:s30], [sflag:$0x1] =	stream.linear.gather @!p1 [hbm4b:s3+s29], $0x8000, $0x38;
	[tilespmem:$0x1A200] =	vst v63  }
0x2f: {  	p3 =	por @!p6 p2, p2;
	p4 =	por @!p4 $0x0, $0x0;
	s30 =	simm.s32 @!p1 $0x8200  }
0x30: {  	[tilespmem:s30], [sflag:$0x1] =	stream.linear.gather @!p1 [hbm4b:s6+s29], $0x6000, $0x38;
	[tilespmem:$0x1A200] =	vst v63  }
0x31: {  	p4 =	por @!p6 p2, p2;
	p2 =	por @!p5 $0x1, $0x1;
	s30 =	simm.s32 @!p1 $0xE200  }
0x32: {  	[tilespmem:s30], [sflag:$0x1] =	stream.linear.gather @!p1 [hbm4b:s4+s29], $0x6000, $0x38;
	[tilespmem:$0x1A200] =	vst v63  }
0x33: {  	s1 =	sld [smem:$0x7FB];
	s0 =	simm.s32 @!p2 $0x0;
	s30 =	simm.s32 @!p1 $0x14200  }
0x34: {  	[tilespmem:s30], [sflag:$0x1] =	stream.linear.gather @!p1 [hbm4b:s5+s29], $0x6000, $0x38;
	[tilespmem:$0x1A200] =	vst v63  }
0x35: {  	s0 =	simm.s32 @p2 $0x1;
	s29 =	simm.s32 @!p5 $0x0;
	s30 =	simm.s32 @!p5 $0x8200  }
0x36: {  	[tilespmem:s30], [sflag:$0x1] =	stream.linear.gather @!p5 [hbm4b:s6+s29], $0x6000, $0x38;
	[tilespmem:$0x1A200] =	vst v63  }
0x37: {  	[smem:$0x7F7] =	sst s0;
	s30 =	simm.s32 @!p5 $0xE200  }
0x38: {  	[tilespmem:s30], [sflag:$0x1] =	stream.linear.gather @!p5 [hbm4b:s4+s29], $0x6000, $0x38;
	[tilespmem:$0x1A200] =	vst v63  }
0x39: {  	p2 =	por @!p6 $0x1, $0x1;
	s0 =	sld [smem:$0x7F7];
	s30 =	simm.s32 @!p5 $0x14200  }
0x3a: {  	[tilespmem:s30], [sflag:$0x1] =	stream.linear.gather @!p5 [hbm4b:s5+s29], $0x6000, $0x38;
	[tilespmem:$0x1A200] =	vst v63  }
0x3b: {  	s31 =	sld [smem:$0x7FD];
	p0 =	por @!p6 p2, p2;
	s30 =	simm.s32 @!p5 $0x200  }
0x3c: {  	[tilespmem:s30], [sflag:$0x1] =	stream.linear.gather @!p5 [hbm4b:s3+s29], $0x8000, $0x38;
	[tilespmem:$0x1A200] =	vst v63  }
0x3d: {  	p2 =	por @!p5 $0x0, $0x0;
	p6 =	seq.s32 s0, $0x1;
	p5 =	por @!p1 $0x0, $0x0  }
0x3e: {  	p6 =	por @!p1 p5, p5;
	p2 =	por @!p1 p5, p5;
	p1 =	seq.s32 s1, $0x1  }
0x3f: {  	s8 =	rddreg [dreg:$0x4];
	p4 =	por @!p1 p6, p6  }
0x40: {  	[tilespmem:s2], [sflag:$0x2] =	stream.linear.gather [hbm4b:s8+s2], $0x200, $0x38;
	[tilespmem:$0x1A200] =	vst v63  }
0x41: {  	p3 =	por @!p1 p2, p2;
	p0 =	por @!p1 p2, p2;
	p1 =	seq.s32 s31, $0x1  }
0x42: {  	s29 =	simm.s32 @!p1 $0x1  }
0x43: {  	_ =	swait.ge @!p1 [sflag:s29], $0x8000  }
0x44: {  	[sflag:s29] =	ssyncset.done @!p1 $0x0  }
0x45: {  	[sflag:s29] =	ssyncadd.s32 @!p1 $0xFFFF8000  }
0x46: {  	_ =	swait.ge @!p1 [sflag:s29], $0x6000  }
0x47: {  	[sflag:s29] =	ssyncset.done @!p1 $0x0  }
0x48: {  	[sflag:s29] =	ssyncadd.s32 @!p1 $0xFFFFA000  }
0x49: {  	_ =	swait.ge @!p1 [sflag:s29], $0x6000  }
0x4a: {  	[sflag:s29] =	ssyncset.done @!p1 $0x0  }
0x4b: {  	[sflag:s29] =	ssyncadd.s32 @!p1 $0xFFFFA000  }
0x4c: {  	_ =	swait.ge @!p1 [sflag:s29], $0x6000  }
0x4d: {  	[sflag:s29] =	ssyncset.done @!p1 $0x0  }
0x4e: {  	[sflag:s29] =	ssyncadd.s32 @!p1 $0xFFFFA000;
	s29 =	simm.s32 @p4 $0x1  }
0x4f: {  	_ =	swait.ge @p4 [sflag:s29], $0x6000  }
0x50: {  	[sflag:s29] =	ssyncset.done @p4 $0x0  }
0x51: {  	[sflag:s29] =	ssyncadd.s32 @p4 $0xFFFFA000  }
0x52: {  	_ =	swait.ge @p4 [sflag:s29], $0x6000  }
0x53: {  	[sflag:s29] =	ssyncset.done @p4 $0x0  }
0x54: {  	[sflag:s29] =	ssyncadd.s32 @p4 $0xFFFFA000  }
0x55: {  	_ =	swait.ge @p4 [sflag:s29], $0x6000  }
0x56: {  	[sflag:s29] =	ssyncset.done @p4 $0x0  }
0x57: {  	[sflag:s29] =	ssyncadd.s32 @p4 $0xFFFFA000  }
0x58: {  	_ =	swait.ge @p4 [sflag:s29], $0x8000  }
0x59: {  	[sflag:s29] =	ssyncset.done @p4 $0x0  }
0x5a: {  	[sflag:s29] =	ssyncadd.s32 @p4 $0xFFFF8000;
	s29 =	simm.s32 @p0 $0x1  }
0x5b: {  	_ =	swait.ge @p0 [sflag:s29], $0x6000  }
0x5c: {  	[sflag:s29] =	ssyncset.done @p0 $0x0  }
0x5d: {  	[sflag:s29] =	ssyncadd.s32 @p0 $0xFFFFA000  }
0x5e: {  	_ =	swait.ge @p0 [sflag:s29], $0x6000  }
0x5f: {  	[sflag:s29] =	ssyncset.done @p0 $0x0  }
0x60: {  	[sflag:s29] =	ssyncadd.s32 @p0 $0xFFFFA000  }
0x61: {  	_ =	swait.ge @p0 [sflag:s29], $0x8000  }
0x62: {  	[sflag:s29] =	ssyncset.done @p0 $0x0  }
0x63: {  	[sflag:s29] =	ssyncadd.s32 @p0 $0xFFFF8000  }
0x64: {  	_ =	swait.ge @p0 [sflag:s29], $0x6000  }
0x65: {  	[sflag:s29] =	ssyncset.done @p0 $0x0  }
0x66: {  	[sflag:s29] =	ssyncadd.s32 @p0 $0xFFFFA000;
	s29 =	simm.s32 @p3 $0x1  }
0x67: {  	_ =	swait.ge @p3 [sflag:s29], $0x6000  }
0x68: {  	[sflag:s29] =	ssyncset.done @p3 $0x0  }
0x69: {  	[sflag:s29] =	ssyncadd.s32 @p3 $0xFFFFA000  }
0x6a: {  	_ =	swait.ge @p3 [sflag:s29], $0x8000  }
0x6b: {  	[sflag:s29] =	ssyncset.done @p3 $0x0  }
0x6c: {  	[sflag:s29] =	ssyncadd.s32 @p3 $0xFFFF8000  }
0x6d: {  	_ =	swait.ge @p3 [sflag:s29], $0x6000  }
0x6e: {  	[sflag:s29] =	ssyncset.done @p3 $0x0  }
0x6f: {  	[sflag:s29] =	ssyncadd.s32 @p3 $0xFFFFA000  }
0x70: {  	_ =	swait.ge @p3 [sflag:s29], $0x6000  }
0x71: {  	[sflag:s29] =	ssyncset.done @p3 $0x0  }
0x72: {  	[sflag:s29] =	ssyncadd.s32 @p3 $0xFFFFA000  }
0x73: {  	_ =	swait.ge [sflag:s25], $0x200  }
0x74: {  	[sflag:s25] =	ssyncset.done $0x0  }
0x75: {  	[sflag:s25] =	ssyncadd.s32 $0xFFFFFE00  }
0x76: {  	v0 =	vld [tilespmem:$0x0];
	_ =	sdelay $0x4  }
0x77: {  	(v2sf) =	vpush v0, $0x0;
	_ =	sdelay $0xe  }
0x78: {  	s29 =	spop (v2sf)  }
0x79: {  	s30 =	sshll.u32 s29, $0xA;
	s29 =	sshll.u32 s29, $0x7  }
0x7a: {  	s30 =	sand.u32 $0xFFFFE000, s30;
	s29 =	sand.u32 $0x380, s29  }
0x7b: {  	(v2sf) =	vpush v0, $0x1;
	s30 =	sor.u32 s29, s30  }
0x7c: {  	s29 =	simm.s32 $0x0;
	s31 =	sadd.s32 $0x200, s30  }
0x7d: {  	[hbm4b:s7+s29] =	stream.linear.scatter [tilespmem:s31], [sflag:$0x1], $0x80, $0x38;
	[tilespmem:$0x1A200] =	vst v63  }
0x7e: {  	s1 =	sadd.s32 $0x80, s7;
	s0 =	sadd.s32 $0x600, s30  }
0x7f: {  	[hbm4b:s1+s29] =	stream.linear.scatter [tilespmem:s0], [sflag:$0x1], $0x80, $0x38;
	[tilespmem:$0x1A200] =	vst v63  }
0x80: {  	s8 =	sadd.s32 $0xA00, s30;
	s1 =	sadd.s32 $0x100, s7  }
0x81: {  	[hbm4b:s1+s29] =	stream.linear.scatter [tilespmem:s8], [sflag:$0x1], $0x80, $0x38;
	[tilespmem:$0x1A200] =	vst v63  }
0x82: {  	s8 =	sadd.s32 $0xE00, s30;
	s1 =	sadd.s32 $0x180, s7  }
0x83: {  	[hbm4b:s1+s29] =	stream.linear.scatter [tilespmem:s8], [sflag:$0x1], $0x80, $0x38;
	[tilespmem:$0x1A200] =	vst v63  }
0x84: {  	s8 =	sadd.s32 $0x1200, s30;
	s1 =	sadd.s32 $0x200, s7  }
0x85: {  	[hbm4b:s1+s29] =	stream.linear.scatter [tilespmem:s8], [sflag:$0x1], $0x80, $0x38;
	[tilespmem:$0x1A200] =	vst v63  }
0x86: {  	s8 =	sadd.s32 $0x1600, s30;
	s1 =	sadd.s32 $0x280, s7  }
0x87: {  	[hbm4b:s1+s29] =	stream.linear.scatter [tilespmem:s8], [sflag:$0x1], $0x80, $0x38;
	[tilespmem:$0x1A200] =	vst v63  }
0x88: {  	s8 =	sadd.s32 $0x1A00, s30;
	s1 =	sadd.s32 $0x300, s7  }
0x89: {  	[hbm4b:s1+s29] =	stream.linear.scatter [tilespmem:s8], [sflag:$0x1], $0x80, $0x38;
	[tilespmem:$0x1A200] =	vst v63  }
0x8a: {  	s31 =	spop (v2sf);
	s8 =	sadd.s32 $0x1E00, s30;
	s30 =	sadd.s32 $0x380, s7  }
0x8b: {  	[hbm4b:s30+s29] =	stream.linear.scatter [tilespmem:s8], [sflag:$0x1], $0x80, $0x38;
	[tilespmem:$0x1A200] =	vst v63  }
0x8c: {  	s0 =	sshll.u32 s31, $0x7;
	s30 =	sshll.u32 s31, $0xA  }
0x8d: {  	s0 =	sand.u32 $0x380, s0;
	s30 =	sand.u32 $0xFFFFE000, s30  }
0x8e: {  	(v2sf) =	vpush v0, $0x2;
	s0 =	sor.u32 s0, s30  }
0x8f: {  	s30 =	sadd.s32 $0x200, s0  }
0x90: {  	[hbm4b:s9+s29] =	stream.linear.scatter [tilespmem:s30], [sflag:$0x1], $0x80, $0x38;
	[tilespmem:$0x1A200] =	vst v63  }
0x91: {  	s1 =	sadd.s32 $0x80, s9;
	s30 =	sadd.s32 $0x600, s0  }
0x92: {  	[hbm4b:s1+s29] =	stream.linear.scatter [tilespmem:s30], [sflag:$0x1], $0x80, $0x38;
	[tilespmem:$0x1A200] =	vst v63  }
0x93: {  	s8 =	sadd.s32 $0x100, s9;
	s30 =	sadd.s32 $0xA00, s0  }
0x94: {  	[hbm4b:s8+s29] =	stream.linear.scatter [tilespmem:s30], [sflag:$0x1], $0x80, $0x38;
	[tilespmem:$0x1A200] =	vst v63  }
0x95: {  	s1 =	sadd.s32 $0x180, s9;
	s30 =	sadd.s32 $0xE00, s0  }
0x96: {  	[hbm4b:s1+s29] =	stream.linear.scatter [tilespmem:s30], [sflag:$0x1], $0x80, $0x38;
	[tilespmem:$0x1A200] =	vst v63  }
0x97: {  	s8 =	sadd.s32 $0x200, s9;
	s30 =	sadd.s32 $0x1200, s0  }
0x98: {  	[hbm4b:s8+s29] =	stream.linear.scatter [tilespmem:s30], [sflag:$0x1], $0x80, $0x38;
	[tilespmem:$0x1A200] =	vst v63  }
0x99: {  	s1 =	sadd.s32 $0x280, s9;
	s30 =	sadd.s32 $0x1600, s0  }
0x9a: {  	[hbm4b:s1+s29] =	stream.linear.scatter [tilespmem:s30], [sflag:$0x1], $0x80, $0x38;
	[tilespmem:$0x1A200] =	vst v63  }
0x9b: {  	s8 =	sadd.s32 $0x300, s9;
	s30 =	sadd.s32 $0x1A00, s0  }
0x9c: {  	[hbm4b:s8+s29] =	stream.linear.scatter [tilespmem:s30], [sflag:$0x1], $0x80, $0x38;
	[tilespmem:$0x1A200] =	vst v63  }
0x9d: {  	s31 =	spop (v2sf);
	s0 =	sadd.s32 $0x1E00, s0;
	s30 =	sadd.s32 $0x380, s9  }
0x9e: {  	[hbm4b:s30+s29] =	stream.linear.scatter [tilespmem:s0], [sflag:$0x1], $0x80, $0x38;
	[tilespmem:$0x1A200] =	vst v63  }
0x9f: {  	s30 =	sshll.u32 s31, $0xA;
	s0 =	sshll.u32 s31, $0x7  }
0xa0: {  	s30 =	sand.u32 $0xFFFFE000, s30;
	s0 =	sand.u32 $0x380, s0  }
0xa1: {  	(v2sf) =	vpush v0, $0x3;
	s0 =	sor.u32 s0, s30  }
0xa2: {  	s30 =	sadd.s32 $0x200, s0  }
0xa3: {  	[hbm4b:s10+s29] =	stream.linear.scatter [tilespmem:s30], [sflag:$0x1], $0x80, $0x38;
	[tilespmem:$0x1A200] =	vst v63  }
0xa4: {  	s1 =	sadd.s32 $0x80, s10;
	s30 =	sadd.s32 $0x600, s0  }
0xa5: {  	[hbm4b:s1+s29] =	stream.linear.scatter [tilespmem:s30], [sflag:$0x1], $0x80, $0x38;
	[tilespmem:$0x1A200] =	vst v63  }
0xa6: {  	s8 =	sadd.s32 $0x100, s10;
	s30 =	sadd.s32 $0xA00, s0  }
0xa7: {  	[hbm4b:s8+s29] =	stream.linear.scatter [tilespmem:s30], [sflag:$0x1], $0x80, $0x38;
	[tilespmem:$0x1A200] =	vst v63  }
0xa8: {  	s1 =	sadd.s32 $0x180, s10;
	s30 =	sadd.s32 $0xE00, s0  }
0xa9: {  	[hbm4b:s1+s29] =	stream.linear.scatter [tilespmem:s30], [sflag:$0x1], $0x80, $0x38;
	[tilespmem:$0x1A200] =	vst v63  }
0xaa: {  	s8 =	sadd.s32 $0x200, s10;
	s30 =	sadd.s32 $0x1200, s0  }
0xab: {  	[hbm4b:s8+s29] =	stream.linear.scatter [tilespmem:s30], [sflag:$0x1], $0x80, $0x38;
	[tilespmem:$0x1A200] =	vst v63  }
0xac: {  	s1 =	sadd.s32 $0x280, s10;
	s30 =	sadd.s32 $0x1600, s0  }
0xad: {  	[hbm4b:s1+s29] =	stream.linear.scatter [tilespmem:s30], [sflag:$0x1], $0x80, $0x38;
	[tilespmem:$0x1A200] =	vst v63  }
0xae: {  	s8 =	sadd.s32 $0x300, s10;
	s30 =	sadd.s32 $0x1A00, s0  }
0xaf: {  	[hbm4b:s8+s29] =	stream.linear.scatter [tilespmem:s30], [sflag:$0x1], $0x80, $0x38;
	[tilespmem:$0x1A200] =	vst v63  }
0xb0: {  	s31 =	spop (v2sf);
	s0 =	sadd.s32 $0x1E00, s0;
	s30 =	sadd.s32 $0x380, s10  }
0xb1: {  	[hbm4b:s30+s29] =	stream.linear.scatter [tilespmem:s0], [sflag:$0x1], $0x80, $0x38;
	[tilespmem:$0x1A200] =	vst v63  }
0xb2: {  	s30 =	sshll.u32 s31, $0xA;
	s0 =	sshll.u32 s31, $0x7  }
0xb3: {  	s30 =	sand.u32 $0xFFFFE000, s30;
	s0 =	sand.u32 $0x380, s0  }
0xb4: {  	(v2sf) =	vpush v0, $0x4;
	s0 =	sor.u32 s0, s30  }
0xb5: {  	s30 =	sadd.s32 $0x200, s0  }
0xb6: {  	[hbm4b:s11+s29] =	stream.linear.scatter [tilespmem:s30], [sflag:$0x1], $0x80, $0x38;
	[tilespmem:$0x1A200] =	vst v63  }
0xb7: {  	s1 =	sadd.s32 $0x80, s11;
	s30 =	sadd.s32 $0x600, s0  }
0xb8: {  	[hbm4b:s1+s29] =	stream.linear.scatter [tilespmem:s30], [sflag:$0x1], $0x80, $0x38;
	[tilespmem:$0x1A200] =	vst v63  }
0xb9: {  	s8 =	sadd.s32 $0x100, s11;
	s30 =	sadd.s32 $0xA00, s0  }
0xba: {  	[hbm4b:s8+s29] =	stream.linear.scatter [tilespmem:s30], [sflag:$0x1], $0x80, $0x38;
	[tilespmem:$0x1A200] =	vst v63  }
0xbb: {  	s1 =	sadd.s32 $0x180, s11;
	s30 =	sadd.s32 $0xE00, s0  }
0xbc: {  	[hbm4b:s1+s29] =	stream.linear.scatter [tilespmem:s30], [sflag:$0x1], $0x80, $0x38;
	[tilespmem:$0x1A200] =	vst v63  }
0xbd: {  	s8 =	sadd.s32 $0x200, s11;
	s30 =	sadd.s32 $0x1200, s0  }
0xbe: {  	[hbm4b:s8+s29] =	stream.linear.scatter [tilespmem:s30], [sflag:$0x1], $0x80, $0x38;
	[tilespmem:$0x1A200] =	vst v63  }
0xbf: {  	s1 =	sadd.s32 $0x280, s11;
	s30 =	sadd.s32 $0x1600, s0  }
0xc0: {  	[hbm4b:s1+s29] =	stream.linear.scatter [tilespmem:s30], [sflag:$0x1], $0x80, $0x38;
	[tilespmem:$0x1A200] =	vst v63  }
0xc1: {  	s8 =	sadd.s32 $0x300, s11;
	s30 =	sadd.s32 $0x1A00, s0  }
0xc2: {  	[hbm4b:s8+s29] =	stream.linear.scatter [tilespmem:s30], [sflag:$0x1], $0x80, $0x38;
	[tilespmem:$0x1A200] =	vst v63  }
0xc3: {  	s31 =	spop (v2sf);
	s0 =	sadd.s32 $0x1E00, s0;
	s30 =	sadd.s32 $0x380, s11  }
0xc4: {  	[hbm4b:s30+s29] =	stream.linear.scatter [tilespmem:s0], [sflag:$0x1], $0x80, $0x38;
	[tilespmem:$0x1A200] =	vst v63  }
0xc5: {  	s30 =	sshll.u32 s31, $0xA;
	s0 =	sshll.u32 s31, $0x7  }
0xc6: {  	s30 =	sand.u32 $0xFFFFE000, s30;
	s0 =	sand.u32 $0x380, s0  }
0xc7: {  	(v2sf) =	vpush v0, $0x5;
	s0 =	sor.u32 s0, s30  }
0xc8: {  	s30 =	sadd.s32 $0x200, s0  }
0xc9: {  	[hbm4b:s12+s29] =	stream.linear.scatter [tilespmem:s30], [sflag:$0x1], $0x80, $0x38;
	[tilespmem:$0x1A200] =	vst v63  }
0xca: {  	s1 =	sadd.s32 $0x80, s12;
	s30 =	sadd.s32 $0x600, s0  }
0xcb: {  	[hbm4b:s1+s29] =	stream.linear.scatter [tilespmem:s30], [sflag:$0x1], $0x80, $0x38;
	[tilespmem:$0x1A200] =	vst v63  }
0xcc: {  	s8 =	sadd.s32 $0x100, s12;
	s30 =	sadd.s32 $0xA00, s0  }
0xcd: {  	[hbm4b:s8+s29] =	stream.linear.scatter [tilespmem:s30], [sflag:$0x1], $0x80, $0x38;
	[tilespmem:$0x1A200] =	vst v63  }
0xce: {  	s1 =	sadd.s32 $0x180, s12;
	s30 =	sadd.s32 $0xE00, s0  }
0xcf: {  	[hbm4b:s1+s29] =	stream.linear.scatter [tilespmem:s30], [sflag:$0x1], $0x80, $0x38;
	[tilespmem:$0x1A200] =	vst v63  }
0xd0: {  	s8 =	sadd.s32 $0x200, s12;
	s30 =	sadd.s32 $0x1200, s0  }
0xd1: {  	[hbm4b:s8+s29] =	stream.linear.scatter [tilespmem:s30], [sflag:$0x1], $0x80, $0x38;
	[tilespmem:$0x1A200] =	vst v63  }
0xd2: {  	s1 =	sadd.s32 $0x280, s12;
	s30 =	sadd.s32 $0x1600, s0  }
0xd3: {  	[hbm4b:s1+s29] =	stream.linear.scatter [tilespmem:s30], [sflag:$0x1], $0x80, $0x38;
	[tilespmem:$0x1A200] =	vst v63  }
0xd4: {  	s8 =	sadd.s32 $0x300, s12;
	s30 =	sadd.s32 $0x1A00, s0  }
0xd5: {  	[hbm4b:s8+s29] =	stream.linear.scatter [tilespmem:s30], [sflag:$0x1], $0x80, $0x38;
	[tilespmem:$0x1A200] =	vst v63  }
0xd6: {  	s31 =	spop (v2sf);
	s0 =	sadd.s32 $0x1E00, s0;
	s30 =	sadd.s32 $0x380, s12  }
0xd7: {  	[hbm4b:s30+s29] =	stream.linear.scatter [tilespmem:s0], [sflag:$0x1], $0x80, $0x38;
	[tilespmem:$0x1A200] =	vst v63  }
0xd8: {  	s30 =	sshll.u32 s31, $0xA;
	s0 =	sshll.u32 s31, $0x7  }
0xd9: {  	s30 =	sand.u32 $0xFFFFE000, s30;
	s0 =	sand.u32 $0x380, s0  }
0xda: {  	(v2sf) =	vpush v0, $0x6;
	s0 =	sor.u32 s0, s30  }
0xdb: {  	s30 =	sadd.s32 $0x200, s0  }
0xdc: {  	[hbm4b:s13+s29] =	stream.linear.scatter [tilespmem:s30], [sflag:$0x1], $0x80, $0x38;
	[tilespmem:$0x1A200] =	vst v63  }
0xdd: {  	s1 =	sadd.s32 $0x80, s13;
	s30 =	sadd.s32 $0x600, s0  }
0xde: {  	[hbm4b:s1+s29] =	stream.linear.scatter [tilespmem:s30], [sflag:$0x1], $0x80, $0x38;
	[tilespmem:$0x1A200] =	vst v63  }
0xdf: {  	s8 =	sadd.s32 $0x100, s13;
	s30 =	sadd.s32 $0xA00, s0  }
0xe0: {  	[hbm4b:s8+s29] =	stream.linear.scatter [tilespmem:s30], [sflag:$0x1], $0x80, $0x38;
	[tilespmem:$0x1A200] =	vst v63  }
0xe1: {  	s1 =	sadd.s32 $0x180, s13;
	s30 =	sadd.s32 $0xE00, s0  }
0xe2: {  	[hbm4b:s1+s29] =	stream.linear.scatter [tilespmem:s30], [sflag:$0x1], $0x80, $0x38;
	[tilespmem:$0x1A200] =	vst v63  }
0xe3: {  	s8 =	sadd.s32 $0x200, s13;
	s30 =	sadd.s32 $0x1200, s0  }
0xe4: {  	[hbm4b:s8+s29] =	stream.linear.scatter [tilespmem:s30], [sflag:$0x1], $0x80, $0x38;
	[tilespmem:$0x1A200] =	vst v63  }
0xe5: {  	s1 =	sadd.s32 $0x280, s13;
	s30 =	sadd.s32 $0x1600, s0  }
0xe6: {  	[hbm4b:s1+s29] =	stream.linear.scatter [tilespmem:s30], [sflag:$0x1], $0x80, $0x38;
	[tilespmem:$0x1A200] =	vst v63  }
0xe7: {  	s8 =	sadd.s32 $0x300, s13;
	s30 =	sadd.s32 $0x1A00, s0  }
0xe8: {  	[hbm4b:s8+s29] =	stream.linear.scatter [tilespmem:s30], [sflag:$0x1], $0x80, $0x38;
	[tilespmem:$0x1A200] =	vst v63  }
0xe9: {  	s31 =	spop (v2sf);
	s0 =	sadd.s32 $0x1E00, s0;
	s30 =	sadd.s32 $0x380, s13  }
0xea: {  	[hbm4b:s30+s29] =	stream.linear.scatter [tilespmem:s0], [sflag:$0x1], $0x80, $0x38;
	[tilespmem:$0x1A200] =	vst v63  }
0xeb: {  	s30 =	sshll.u32 s31, $0xA;
	s0 =	sshll.u32 s31, $0x7  }
0xec: {  	s30 =	sand.u32 $0xFFFFE000, s30;
	s0 =	sand.u32 $0x380, s0  }
0xed: {  	(v2sf) =	vpush v0, $0x7;
	s0 =	sor.u32 s0, s30  }
0xee: {  	s30 =	sadd.s32 $0x200, s0  }
0xef: {  	[hbm4b:s14+s29] =	stream.linear.scatter [tilespmem:s30], [sflag:$0x1], $0x80, $0x38;
	[tilespmem:$0x1A200] =	vst v63  }
0xf0: {  	s1 =	sadd.s32 $0x80, s14;
	s30 =	sadd.s32 $0x600, s0  }
0xf1: {  	[hbm4b:s1+s29] =	stream.linear.scatter [tilespmem:s30], [sflag:$0x1], $0x80, $0x38;
	[tilespmem:$0x1A200] =	vst v63  }
0xf2: {  	s8 =	sadd.s32 $0x100, s14;
	s30 =	sadd.s32 $0xA00, s0  }
0xf3: {  	[hbm4b:s8+s29] =	stream.linear.scatter [tilespmem:s30], [sflag:$0x1], $0x80, $0x38;
	[tilespmem:$0x1A200] =	vst v63  }
0xf4: {  	s1 =	sadd.s32 $0x180, s14;
	s30 =	sadd.s32 $0xE00, s0  }
0xf5: {  	[hbm4b:s1+s29] =	stream.linear.scatter [tilespmem:s30], [sflag:$0x1], $0x80, $0x38;
	[tilespmem:$0x1A200] =	vst v63  }
0xf6: {  	s8 =	sadd.s32 $0x200, s14;
	s30 =	sadd.s32 $0x1200, s0  }
0xf7: {  	[hbm4b:s8+s29] =	stream.linear.scatter [tilespmem:s30], [sflag:$0x1], $0x80, $0x38;
	[tilespmem:$0x1A200] =	vst v63  }
0xf8: {  	s1 =	sadd.s32 $0x280, s14;
	s30 =	sadd.s32 $0x1600, s0  }
0xf9: {  	[hbm4b:s1+s29] =	stream.linear.scatter [tilespmem:s30], [sflag:$0x1], $0x80, $0x38;
	[tilespmem:$0x1A200] =	vst v63  }
0xfa: {  	s8 =	sadd.s32 $0x300, s14;
	s30 =	sadd.s32 $0x1A00, s0  }
0xfb: {  	[hbm4b:s8+s29] =	stream.linear.scatter [tilespmem:s30], [sflag:$0x1], $0x80, $0x38;
	[tilespmem:$0x1A200] =	vst v63  }
0xfc: {  	s31 =	spop (v2sf);
	s0 =	sadd.s32 $0x1E00, s0;
	s30 =	sadd.s32 $0x380, s14  }
0xfd: {  	[hbm4b:s30+s29] =	stream.linear.scatter [tilespmem:s0], [sflag:$0x1], $0x80, $0x38;
	[tilespmem:$0x1A200] =	vst v63  }
0xfe: {  	s30 =	sshll.u32 s31, $0xA;
	s0 =	sshll.u32 s31, $0x7  }
0xff: {  	s30 =	sand.u32 $0xFFFFE000, s30;
	s0 =	sand.u32 $0x380, s0  }
0x100: {  	(v2sf) =	vpush v0, $0x8;
	s0 =	sor.u32 s0, s30  }
0x101: {  	s30 =	sadd.s32 $0x200, s0  }
0x102: {  	[hbm4b:s15+s29] =	stream.linear.scatter [tilespmem:s30], [sflag:$0x1], $0x80, $0x38;
	[tilespmem:$0x1A200] =	vst v63  }
0x103: {  	s1 =	sadd.s32 $0x80, s15;
	s30 =	sadd.s32 $0x600, s0  }
0x104: {  	[hbm4b:s1+s29] =	stream.linear.scatter [tilespmem:s30], [sflag:$0x1], $0x80, $0x38;
	[tilespmem:$0x1A200] =	vst v63  }
0x105: {  	s8 =	sadd.s32 $0x100, s15;
	s30 =	sadd.s32 $0xA00, s0  }
0x106: {  	[hbm4b:s8+s29] =	stream.linear.scatter [tilespmem:s30], [sflag:$0x1], $0x80, $0x38;
	[tilespmem:$0x1A200] =	vst v63  }
0x107: {  	s1 =	sadd.s32 $0x180, s15;
	s30 =	sadd.s32 $0xE00, s0  }
0x108: {  	[hbm4b:s1+s29] =	stream.linear.scatter [tilespmem:s30], [sflag:$0x1], $0x80, $0x38;
	[tilespmem:$0x1A200] =	vst v63  }
0x109: {  	s8 =	sadd.s32 $0x200, s15;
	s30 =	sadd.s32 $0x1200, s0  }
0x10a: {  	[hbm4b:s8+s29] =	stream.linear.scatter [tilespmem:s30], [sflag:$0x1], $0x80, $0x38;
	[tilespmem:$0x1A200] =	vst v63  }
0x10b: {  	s1 =	sadd.s32 $0x280, s15;
	s30 =	sadd.s32 $0x1600, s0  }
0x10c: {  	[hbm4b:s1+s29] =	stream.linear.scatter [tilespmem:s30], [sflag:$0x1], $0x80, $0x38;
	[tilespmem:$0x1A200] =	vst v63  }
0x10d: {  	s8 =	sadd.s32 $0x300, s15;
	s30 =	sadd.s32 $0x1A00, s0  }
0x10e: {  	[hbm4b:s8+s29] =	stream.linear.scatter [tilespmem:s30], [sflag:$0x1], $0x80, $0x38;
	[tilespmem:$0x1A200] =	vst v63  }
0x10f: {  	s31 =	spop (v2sf);
	s0 =	sadd.s32 $0x1E00, s0;
	s30 =	sadd.s32 $0x380, s15  }
0x110: {  	[hbm4b:s30+s29] =	stream.linear.scatter [tilespmem:s0], [sflag:$0x1], $0x80, $0x38;
	[tilespmem:$0x1A200] =	vst v63  }
0x111: {  	s30 =	sshll.u32 s31, $0xA;
	s0 =	sshll.u32 s31, $0x7  }
0x112: {  	s30 =	sand.u32 $0xFFFFE000, s30;
	s0 =	sand.u32 $0x380, s0  }
0x113: {  	(v2sf) =	vpush v0, $0x9;
	s0 =	sor.u32 s0, s30  }
0x114: {  	s30 =	sadd.s32 $0x200, s0  }
0x115: {  	[hbm4b:s16+s29] =	stream.linear.scatter [tilespmem:s30], [sflag:$0x2], $0x80, $0x38;
	[tilespmem:$0x1A200] =	vst v63  }
0x116: {  	s1 =	sadd.s32 $0x80, s16;
	s30 =	sadd.s32 $0x600, s0  }
0x117: {  	[hbm4b:s1+s29] =	stream.linear.scatter [tilespmem:s30], [sflag:$0x2], $0x80, $0x38;
	[tilespmem:$0x1A200] =	vst v63  }
0x118: {  	s8 =	sadd.s32 $0x100, s16;
	s30 =	sadd.s32 $0xA00, s0  }
0x119: {  	[hbm4b:s8+s29] =	stream.linear.scatter [tilespmem:s30], [sflag:$0x2], $0x80, $0x38;
	[tilespmem:$0x1A200] =	vst v63  }
0x11a: {  	s1 =	sadd.s32 $0x180, s16;
	s30 =	sadd.s32 $0xE00, s0  }
0x11b: {  	[hbm4b:s1+s29] =	stream.linear.scatter [tilespmem:s30], [sflag:$0x2], $0x80, $0x38;
	[tilespmem:$0x1A200] =	vst v63  }
0x11c: {  	s8 =	sadd.s32 $0x200, s16;
	s30 =	sadd.s32 $0x1200, s0  }
0x11d: {  	[hbm4b:s8+s29] =	stream.linear.scatter [tilespmem:s30], [sflag:$0x2], $0x80, $0x38;
	[tilespmem:$0x1A200] =	vst v63  }
0x11e: {  	s1 =	sadd.s32 $0x280, s16;
	s30 =	sadd.s32 $0x1600, s0  }
0x11f: {  	[hbm4b:s1+s29] =	stream.linear.scatter [tilespmem:s30], [sflag:$0x2], $0x80, $0x38;
	[tilespmem:$0x1A200] =	vst v63  }
0x120: {  	s8 =	sadd.s32 $0x300, s16;
	s30 =	sadd.s32 $0x1A00, s0  }
0x121: {  	[hbm4b:s8+s29] =	stream.linear.scatter [tilespmem:s30], [sflag:$0x2], $0x80, $0x38;
	[tilespmem:$0x1A200] =	vst v63  }
0x122: {  	s31 =	spop (v2sf);
	s0 =	sadd.s32 $0x1E00, s0;
	s30 =	sadd.s32 $0x380, s16  }
0x123: {  	[hbm4b:s30+s29] =	stream.linear.scatter [tilespmem:s0], [sflag:$0x2], $0x80, $0x38;
	[tilespmem:$0x1A200] =	vst v63  }
0x124: {  	s30 =	sshll.u32 s31, $0xA;
	s0 =	sshll.u32 s31, $0x7  }
0x125: {  	s30 =	sand.u32 $0xFFFFE000, s30;
	s0 =	sand.u32 $0x380, s0  }
0x126: {  	(v2sf) =	vpush v0, $0xA;
	s0 =	sor.u32 s0, s30  }
0x127: {  	s30 =	sadd.s32 $0x200, s0  }
0x128: {  	[hbm4b:s17+s29] =	stream.linear.scatter [tilespmem:s30], [sflag:$0x2], $0x80, $0x38;
	[tilespmem:$0x1A200] =	vst v63  }
0x129: {  	s1 =	sadd.s32 $0x80, s17;
	s30 =	sadd.s32 $0x600, s0  }
0x12a: {  	[hbm4b:s1+s29] =	stream.linear.scatter [tilespmem:s30], [sflag:$0x2], $0x80, $0x38;
	[tilespmem:$0x1A200] =	vst v63  }
0x12b: {  	s8 =	sadd.s32 $0x100, s17;
	s30 =	sadd.s32 $0xA00, s0  }
0x12c: {  	[hbm4b:s8+s29] =	stream.linear.scatter [tilespmem:s30], [sflag:$0x2], $0x80, $0x38;
	[tilespmem:$0x1A200] =	vst v63  }
0x12d: {  	s1 =	sadd.s32 $0x180, s17;
	s30 =	sadd.s32 $0xE00, s0  }
0x12e: {  	[hbm4b:s1+s29] =	stream.linear.scatter [tilespmem:s30], [sflag:$0x2], $0x80, $0x38;
	[tilespmem:$0x1A200] =	vst v63  }
0x12f: {  	s8 =	sadd.s32 $0x200, s17;
	s30 =	sadd.s32 $0x1200, s0  }
0x130: {  	[hbm4b:s8+s29] =	stream.linear.scatter [tilespmem:s30], [sflag:$0x2], $0x80, $0x38;
	[tilespmem:$0x1A200] =	vst v63  }
0x131: {  	s1 =	sadd.s32 $0x280, s17;
	s30 =	sadd.s32 $0x1600, s0  }
0x132: {  	[hbm4b:s1+s29] =	stream.linear.scatter [tilespmem:s30], [sflag:$0x2], $0x80, $0x38;
	[tilespmem:$0x1A200] =	vst v63  }
0x133: {  	s8 =	sadd.s32 $0x300, s17;
	s30 =	sadd.s32 $0x1A00, s0  }
0x134: {  	[hbm4b:s8+s29] =	stream.linear.scatter [tilespmem:s30], [sflag:$0x2], $0x80, $0x38;
	[tilespmem:$0x1A200] =	vst v63  }
0x135: {  	s31 =	spop (v2sf);
	s0 =	sadd.s32 $0x1E00, s0;
	s30 =	sadd.s32 $0x380, s17  }
0x136: {  	[hbm4b:s30+s29] =	stream.linear.scatter [tilespmem:s0], [sflag:$0x2], $0x80, $0x38;
	[tilespmem:$0x1A200] =	vst v63  }
0x137: {  	s30 =	sshll.u32 s31, $0xA;
	s0 =	sshll.u32 s31, $0x7  }
0x138: {  	s30 =	sand.u32 $0xFFFFE000, s30;
	s0 =	sand.u32 $0x380, s0  }
0x139: {  	(v2sf) =	vpush v0, $0xB;
	s0 =	sor.u32 s0, s30  }
0x13a: {  	s30 =	sadd.s32 $0x200, s0  }
0x13b: {  	[hbm4b:s18+s29] =	stream.linear.scatter [tilespmem:s30], [sflag:$0x2], $0x80, $0x38;
	[tilespmem:$0x1A200] =	vst v63  }
0x13c: {  	s1 =	sadd.s32 $0x80, s18;
	s30 =	sadd.s32 $0x600, s0  }
0x13d: {  	[hbm4b:s1+s29] =	stream.linear.scatter [tilespmem:s30], [sflag:$0x2], $0x80, $0x38;
	[tilespmem:$0x1A200] =	vst v63  }
0x13e: {  	s8 =	sadd.s32 $0x100, s18;
	s30 =	sadd.s32 $0xA00, s0  }
0x13f: {  	[hbm4b:s8+s29] =	stream.linear.scatter [tilespmem:s30], [sflag:$0x2], $0x80, $0x38;
	[tilespmem:$0x1A200] =	vst v63  }
0x140: {  	s1 =	sadd.s32 $0x180, s18;
	s30 =	sadd.s32 $0xE00, s0  }
0x141: {  	[hbm4b:s1+s29] =	stream.linear.scatter [tilespmem:s30], [sflag:$0x2], $0x80, $0x38;
	[tilespmem:$0x1A200] =	vst v63  }
0x142: {  	s8 =	sadd.s32 $0x200, s18;
	s30 =	sadd.s32 $0x1200, s0  }
0x143: {  	[hbm4b:s8+s29] =	stream.linear.scatter [tilespmem:s30], [sflag:$0x2], $0x80, $0x38;
	[tilespmem:$0x1A200] =	vst v63  }
0x144: {  	s1 =	sadd.s32 $0x280, s18;
	s30 =	sadd.s32 $0x1600, s0  }
0x145: {  	[hbm4b:s1+s29] =	stream.linear.scatter [tilespmem:s30], [sflag:$0x2], $0x80, $0x38;
	[tilespmem:$0x1A200] =	vst v63  }
0x146: {  	s8 =	sadd.s32 $0x300, s18;
	s30 =	sadd.s32 $0x1A00, s0  }
0x147: {  	[hbm4b:s8+s29] =	stream.linear.scatter [tilespmem:s30], [sflag:$0x2], $0x80, $0x38;
	[tilespmem:$0x1A200] =	vst v63  }
0x148: {  	s31 =	spop (v2sf);
	s0 =	sadd.s32 $0x1E00, s0;
	s30 =	sadd.s32 $0x380, s18  }
0x149: {  	[hbm4b:s30+s29] =	stream.linear.scatter [tilespmem:s0], [sflag:$0x2], $0x80, $0x38;
	[tilespmem:$0x1A200] =	vst v63  }
0x14a: {  	s30 =	sshll.u32 s31, $0xA;
	s0 =	sshll.u32 s31, $0x7  }
0x14b: {  	s30 =	sand.u32 $0xFFFFE000, s30;
	s0 =	sand.u32 $0x380, s0  }
0x14c: {  	(v2sf) =	vpush v0, $0xC;
	s0 =	sor.u32 s0, s30  }
0x14d: {  	s30 =	sadd.s32 $0x200, s0  }
0x14e: {  	[hbm4b:s19+s29] =	stream.linear.scatter [tilespmem:s30], [sflag:$0x2], $0x80, $0x38;
	[tilespmem:$0x1A200] =	vst v63  }
0x14f: {  	s1 =	sadd.s32 $0x80, s19;
	s30 =	sadd.s32 $0x600, s0  }
0x150: {  	[hbm4b:s1+s29] =	stream.linear.scatter [tilespmem:s30], [sflag:$0x2], $0x80, $0x38;
	[tilespmem:$0x1A200] =	vst v63  }
0x151: {  	s8 =	sadd.s32 $0x100, s19;
	s30 =	sadd.s32 $0xA00, s0  }
0x152: {  	[hbm4b:s8+s29] =	stream.linear.scatter [tilespmem:s30], [sflag:$0x2], $0x80, $0x38;
	[tilespmem:$0x1A200] =	vst v63  }
0x153: {  	s1 =	sadd.s32 $0x180, s19;
	s30 =	sadd.s32 $0xE00, s0  }
0x154: {  	[hbm4b:s1+s29] =	stream.linear.scatter [tilespmem:s30], [sflag:$0x2], $0x80, $0x38;
	[tilespmem:$0x1A200] =	vst v63  }
0x155: {  	s8 =	sadd.s32 $0x200, s19;
	s30 =	sadd.s32 $0x1200, s0  }
0x156: {  	[hbm4b:s8+s29] =	stream.linear.scatter [tilespmem:s30], [sflag:$0x2], $0x80, $0x38;
	[tilespmem:$0x1A200] =	vst v63  }
0x157: {  	s1 =	sadd.s32 $0x280, s19;
	s30 =	sadd.s32 $0x1600, s0  }
0x158: {  	[hbm4b:s1+s29] =	stream.linear.scatter [tilespmem:s30], [sflag:$0x2], $0x80, $0x38;
	[tilespmem:$0x1A200] =	vst v63  }
0x159: {  	s8 =	sadd.s32 $0x300, s19;
	s30 =	sadd.s32 $0x1A00, s0  }
0x15a: {  	[hbm4b:s8+s29] =	stream.linear.scatter [tilespmem:s30], [sflag:$0x2], $0x80, $0x38;
	[tilespmem:$0x1A200] =	vst v63  }
0x15b: {  	s31 =	spop (v2sf);
	s0 =	sadd.s32 $0x1E00, s0;
	s30 =	sadd.s32 $0x380, s19  }
0x15c: {  	[hbm4b:s30+s29] =	stream.linear.scatter [tilespmem:s0], [sflag:$0x2], $0x80, $0x38;
	[tilespmem:$0x1A200] =	vst v63  }
0x15d: {  	s30 =	sshll.u32 s31, $0xA;
	s0 =	sshll.u32 s31, $0x7  }
0x15e: {  	s30 =	sand.u32 $0xFFFFE000, s30;
	s0 =	sand.u32 $0x380, s0  }
0x15f: {  	(v2sf) =	vpush v0, $0xD;
	s0 =	sor.u32 s0, s30  }
0x160: {  	s30 =	sadd.s32 $0x200, s0  }
0x161: {  	[hbm4b:s20+s29] =	stream.linear.scatter [tilespmem:s30], [sflag:$0x2], $0x80, $0x38;
	[tilespmem:$0x1A200] =	vst v63  }
0x162: {  	s1 =	sadd.s32 $0x80, s20;
	s30 =	sadd.s32 $0x600, s0  }
0x163: {  	[hbm4b:s1+s29] =	stream.linear.scatter [tilespmem:s30], [sflag:$0x2], $0x80, $0x38;
	[tilespmem:$0x1A200] =	vst v63  }
0x164: {  	s8 =	sadd.s32 $0x100, s20;
	s30 =	sadd.s32 $0xA00, s0  }
0x165: {  	[hbm4b:s8+s29] =	stream.linear.scatter [tilespmem:s30], [sflag:$0x2], $0x80, $0x38;
	[tilespmem:$0x1A200] =	vst v63  }
0x166: {  	s1 =	sadd.s32 $0x180, s20;
	s30 =	sadd.s32 $0xE00, s0  }
0x167: {  	[hbm4b:s1+s29] =	stream.linear.scatter [tilespmem:s30], [sflag:$0x2], $0x80, $0x38;
	[tilespmem:$0x1A200] =	vst v63  }
0x168: {  	s8 =	sadd.s32 $0x200, s20;
	s30 =	sadd.s32 $0x1200, s0  }
0x169: {  	[hbm4b:s8+s29] =	stream.linear.scatter [tilespmem:s30], [sflag:$0x2], $0x80, $0x38;
	[tilespmem:$0x1A200] =	vst v63  }
0x16a: {  	s1 =	sadd.s32 $0x280, s20;
	s30 =	sadd.s32 $0x1600, s0  }
0x16b: {  	[hbm4b:s1+s29] =	stream.linear.scatter [tilespmem:s30], [sflag:$0x2], $0x80, $0x38;
	[tilespmem:$0x1A200] =	vst v63  }
0x16c: {  	s8 =	sadd.s32 $0x300, s20;
	s30 =	sadd.s32 $0x1A00, s0  }
0x16d: {  	[hbm4b:s8+s29] =	stream.linear.scatter [tilespmem:s30], [sflag:$0x2], $0x80, $0x38;
	[tilespmem:$0x1A200] =	vst v63  }
0x16e: {  	s31 =	spop (v2sf);
	s0 =	sadd.s32 $0x1E00, s0;
	s30 =	sadd.s32 $0x380, s20  }
0x16f: {  	[hbm4b:s30+s29] =	stream.linear.scatter [tilespmem:s0], [sflag:$0x2], $0x80, $0x38;
	[tilespmem:$0x1A200] =	vst v63  }
0x170: {  	s30 =	sshll.u32 s31, $0xA;
	s0 =	sshll.u32 s31, $0x7  }
0x171: {  	s30 =	sand.u32 $0xFFFFE000, s30;
	s0 =	sand.u32 $0x380, s0  }
0x172: {  	(v2sf) =	vpush v0, $0xE;
	s0 =	sor.u32 s0, s30  }
0x173: {  	s30 =	sadd.s32 $0x200, s0  }
0x174: {  	[hbm4b:s21+s29] =	stream.linear.scatter [tilespmem:s30], [sflag:$0x2], $0x80, $0x38;
	[tilespmem:$0x1A200] =	vst v63  }
0x175: {  	s1 =	sadd.s32 $0x80, s21;
	s30 =	sadd.s32 $0x600, s0  }
0x176: {  	[hbm4b:s1+s29] =	stream.linear.scatter [tilespmem:s30], [sflag:$0x2], $0x80, $0x38;
	[tilespmem:$0x1A200] =	vst v63  }
0x177: {  	s8 =	sadd.s32 $0x100, s21;
	s30 =	sadd.s32 $0xA00, s0  }
0x178: {  	[hbm4b:s8+s29] =	stream.linear.scatter [tilespmem:s30], [sflag:$0x2], $0x80, $0x38;
	[tilespmem:$0x1A200] =	vst v63  }
0x179: {  	s1 =	sadd.s32 $0x180, s21;
	s30 =	sadd.s32 $0xE00, s0  }
0x17a: {  	[hbm4b:s1+s29] =	stream.linear.scatter [tilespmem:s30], [sflag:$0x2], $0x80, $0x38;
	[tilespmem:$0x1A200] =	vst v63  }
0x17b: {  	s8 =	sadd.s32 $0x200, s21;
	s30 =	sadd.s32 $0x1200, s0  }
0x17c: {  	[hbm4b:s8+s29] =	stream.linear.scatter [tilespmem:s30], [sflag:$0x2], $0x80, $0x38;
	[tilespmem:$0x1A200] =	vst v63  }
0x17d: {  	s1 =	sadd.s32 $0x280, s21;
	s30 =	sadd.s32 $0x1600, s0  }
0x17e: {  	[hbm4b:s1+s29] =	stream.linear.scatter [tilespmem:s30], [sflag:$0x2], $0x80, $0x38;
	[tilespmem:$0x1A200] =	vst v63  }
0x17f: {  	s8 =	sadd.s32 $0x300, s21;
	s30 =	sadd.s32 $0x1A00, s0  }
0x180: {  	[hbm4b:s8+s29] =	stream.linear.scatter [tilespmem:s30], [sflag:$0x2], $0x80, $0x38;
	[tilespmem:$0x1A200] =	vst v63  }
0x181: {  	s31 =	spop (v2sf);
	s0 =	sadd.s32 $0x1E00, s0;
	s30 =	sadd.s32 $0x380, s21  }
0x182: {  	[hbm4b:s30+s29] =	stream.linear.scatter [tilespmem:s0], [sflag:$0x2], $0x80, $0x38;
	[tilespmem:$0x1A200] =	vst v63  }
0x183: {  	s30 =	sshll.u32 s31, $0xA;
	s0 =	sshll.u32 s31, $0x7  }
0x184: {  	s30 =	sand.u32 $0xFFFFE000, s30;
	s0 =	sand.u32 $0x380, s0  }
0x185: {  	(v2sf) =	vpush v0, $0xF;
	s0 =	sor.u32 s0, s30  }
0x186: {  	s30 =	sadd.s32 $0x200, s0  }
0x187: {  	[hbm4b:s22+s29] =	stream.linear.scatter [tilespmem:s30], [sflag:$0x2], $0x80, $0x38;
	[tilespmem:$0x1A200] =	vst v63  }
0x188: {  	s1 =	sadd.s32 $0x80, s22;
	s30 =	sadd.s32 $0x600, s0  }
0x189: {  	[hbm4b:s1+s29] =	stream.linear.scatter [tilespmem:s30], [sflag:$0x2], $0x80, $0x38;
	[tilespmem:$0x1A200] =	vst v63  }
0x18a: {  	s8 =	sadd.s32 $0x100, s22;
	s30 =	sadd.s32 $0xA00, s0  }
0x18b: {  	[hbm4b:s8+s29] =	stream.linear.scatter [tilespmem:s30], [sflag:$0x2], $0x80, $0x38;
	[tilespmem:$0x1A200] =	vst v63  }
0x18c: {  	s1 =	sadd.s32 $0x180, s22;
	s30 =	sadd.s32 $0xE00, s0  }
0x18d: {  	[hbm4b:s1+s29] =	stream.linear.scatter [tilespmem:s30], [sflag:$0x2], $0x80, $0x38;
	[tilespmem:$0x1A200] =	vst v63  }
0x18e: {  	s8 =	sadd.s32 $0x200, s22;
	s30 =	sadd.s32 $0x1200, s0  }
0x18f: {  	[hbm4b:s8+s29] =	stream.linear.scatter [tilespmem:s30], [sflag:$0x2], $0x80, $0x38;
	[tilespmem:$0x1A200] =	vst v63  }
0x190: {  	s1 =	sadd.s32 $0x280, s22;
	s30 =	sadd.s32 $0x1600, s0  }
0x191: {  	[hbm4b:s1+s29] =	stream.linear.scatter [tilespmem:s30], [sflag:$0x2], $0x80, $0x38;
	[tilespmem:$0x1A200] =	vst v63  }
0x192: {  	s8 =	sadd.s32 $0x300, s22;
	s30 =	sadd.s32 $0x1A00, s0  }
0x193: {  	[hbm4b:s8+s29] =	stream.linear.scatter [tilespmem:s30], [sflag:$0x2], $0x80, $0x38;
	[tilespmem:$0x1A200] =	vst v63  }
0x194: {  	s31 =	spop (v2sf);
	s0 =	sadd.s32 $0x1E00, s0;
	s30 =	sadd.s32 $0x380, s22  }
0x195: {  	[hbm4b:s30+s29] =	stream.linear.scatter [tilespmem:s0], [sflag:$0x2], $0x80, $0x38;
	[tilespmem:$0x1A200] =	vst v63  }
0x196: {  	s30 =	sshll.u32 s31, $0xA;
	s0 =	sshll.u32 s31, $0x7  }
0x197: {  	s30 =	sand.u32 $0xFFFFE000, s30;
	s0 =	sand.u32 $0x380, s0  }
0x198: {  	s0 =	sor.u32 s0, s30  }
0x199: {  	s30 =	sadd.s32 $0x200, s0  }
0x19a: {  	[hbm4b:s23+s29] =	stream.linear.scatter [tilespmem:s30], [sflag:$0x2], $0x80, $0x38;
	[tilespmem:$0x1A200] =	vst v63  }
0x19b: {  	s1 =	sadd.s32 $0x80, s23;
	s30 =	sadd.s32 $0x600, s0  }
0x19c: {  	[hbm4b:s1+s29] =	stream.linear.scatter [tilespmem:s30], [sflag:$0x2], $0x80, $0x38;
	[tilespmem:$0x1A200] =	vst v63  }
0x19d: {  	s8 =	sadd.s32 $0x100, s23;
	s30 =	sadd.s32 $0xA00, s0  }
0x19e: {  	[hbm4b:s8+s29] =	stream.linear.scatter [tilespmem:s30], [sflag:$0x2], $0x80, $0x38;
	[tilespmem:$0x1A200] =	vst v63  }
0x19f: {  	s1 =	sadd.s32 $0x180, s23;
	s30 =	sadd.s32 $0xE00, s0  }
0x1a0: {  	[hbm4b:s1+s29] =	stream.linear.scatter [tilespmem:s30], [sflag:$0x2], $0x80, $0x38;
	[tilespmem:$0x1A200] =	vst v63  }
0x1a1: {  	s8 =	sadd.s32 $0x200, s23;
	s30 =	sadd.s32 $0x1200, s0  }
0x1a2: {  	[hbm4b:s8+s29] =	stream.linear.scatter [tilespmem:s30], [sflag:$0x2], $0x80, $0x38;
	[tilespmem:$0x1A200] =	vst v63  }
0x1a3: {  	s1 =	sadd.s32 $0x280, s23;
	s30 =	sadd.s32 $0x1600, s0  }
0x1a4: {  	[hbm4b:s1+s29] =	stream.linear.scatter [tilespmem:s30], [sflag:$0x2], $0x80, $0x38;
	[tilespmem:$0x1A200] =	vst v63  }
0x1a5: {  	s8 =	sadd.s32 $0x300, s23;
	s30 =	sadd.s32 $0x1A00, s0  }
0x1a6: {  	[hbm4b:s8+s29] =	stream.linear.scatter [tilespmem:s30], [sflag:$0x2], $0x80, $0x38;
	[tilespmem:$0x1A200] =	vst v63  }
0x1a7: {  	s0 =	sadd.s32 $0x1E00, s0;
	s30 =	sadd.s32 $0x380, s23  }
0x1a8: {  	[hbm4b:s30+s29] =	stream.linear.scatter [tilespmem:s0], [sflag:$0x2], $0x80, $0x38;
	[tilespmem:$0x1A200] =	vst v63  }
0x1a9: {  	s30 =	simm.s32 $0x10  }
.LBB2_2:
0x1aa: {  	v0 =	vld [tilespmem:s30+$0x0];
	_ =	sdelay $0x3  }
0x1ab: {  	_ =	swait.ge [sflag:s26], $0x2000  }
0x1ac: {  	(v2sf) =	vpush v0, $0x0;
	_ =	sdelay $0xe  }
0x1ad: {  	s0 =	spop (v2sf)  }
0x1ae: {  	s1 =	sshll.u32 s0, $0xA;
	s0 =	sshll.u32 s0, $0x7  }
0x1af: {  	s31 =	rddreg [dreg:$0x3];
	s1 =	sand.u32 $0xFFFFE000, s1;
	s0 =	sand.u32 $0x380, s0  }
0x1b0: {  	[sflag:s26] =	ssyncset.done $0x0;
	s31 =	sadd.s32 s29, s31;
	(v2sf) =	vpush v0, $0x1;
	s0 =	sor.u32 s0, s1  }
0x1b1: {  	[sflag:s26] =	ssyncadd.s32 $0xFFFFE000;
	s1 =	sadd.s32 $0x800, s31;
	s8 =	sadd.s32 $0x200, s0  }
0x1b2: {  	[hbm4b:s1+s2] =	stream.linear.scatter [tilespmem:s8], [sflag:$0x1], $0x80, $0x38;
	[tilespmem:$0x1A200] =	vst v63  }
0x1b3: {  	s1 =	sadd.s32 $0x600, s0;
	s8 =	sadd.s32 $0x880, s31  }
0x1b4: {  	[hbm4b:s8+s2] =	stream.linear.scatter [tilespmem:s1], [sflag:$0x1], $0x80, $0x38;
	[tilespmem:$0x1A200] =	vst v63  }
0x1b5: {  	s1 =	sadd.s32 $0xA00, s0;
	s8 =	sadd.s32 $0x900, s31  }
0x1b6: {  	[hbm4b:s8+s2] =	stream.linear.scatter [tilespmem:s1], [sflag:$0x1], $0x80, $0x38;
	[tilespmem:$0x1A200] =	vst v63  }
0x1b7: {  	s1 =	sadd.s32 $0xE00, s0;
	s8 =	sadd.s32 $0x980, s31  }
0x1b8: {  	[hbm4b:s8+s2] =	stream.linear.scatter [tilespmem:s1], [sflag:$0x1], $0x80, $0x38;
	[tilespmem:$0x1A200] =	vst v63  }
0x1b9: {  	s1 =	sadd.s32 $0x1200, s0;
	s8 =	sadd.s32 $0xA00, s31  }
0x1ba: {  	[hbm4b:s8+s2] =	stream.linear.scatter [tilespmem:s1], [sflag:$0x1], $0x80, $0x38;
	[tilespmem:$0x1A200] =	vst v63  }
0x1bb: {  	s1 =	sadd.s32 $0x1600, s0;
	s8 =	sadd.s32 $0xA80, s31  }
0x1bc: {  	[hbm4b:s8+s2] =	stream.linear.scatter [tilespmem:s1], [sflag:$0x1], $0x80, $0x38;
	[tilespmem:$0x1A200] =	vst v63  }
0x1bd: {  	s1 =	sadd.s32 $0x1A00, s0;
	s8 =	sadd.s32 $0xB00, s31  }
0x1be: {  	[hbm4b:s8+s2] =	stream.linear.scatter [tilespmem:s1], [sflag:$0x1], $0x80, $0x38;
	[tilespmem:$0x1A200] =	vst v63  }
0x1bf: {  	s0 =	sadd.s32 $0x1E00, s0;
	s8 =	sadd.s32 $0xB80, s31;
	s1 =	spop (v2sf)  }
0x1c0: {  	[hbm4b:s8+s2] =	stream.linear.scatter [tilespmem:s0], [sflag:$0x1], $0x80, $0x38;
	[tilespmem:$0x1A200] =	vst v63  }
0x1c1: {  	s8 =	sshll.u32 s1, $0xA;
	s0 =	sshll.u32 s1, $0x7  }
0x1c2: {  	s1 =	sand.u32 $0xFFFFE000, s8;
	s0 =	sand.u32 $0x380, s0  }
0x1c3: {  	(v2sf) =	vpush v0, $0x2;
	s0 =	sor.u32 s0, s1  }
0x1c4: {  	s1 =	sadd.s32 $0x810, s31;
	s8 =	sadd.s32 $0x200, s0  }
0x1c5: {  	[hbm4b:s1+s2] =	stream.linear.scatter [tilespmem:s8], [sflag:$0x1], $0x80, $0x38;
	[tilespmem:$0x1A200] =	vst v63  }
0x1c6: {  	s1 =	sadd.s32 $0x600, s0;
	s8 =	sadd.s32 $0x890, s31  }
0x1c7: {  	[hbm4b:s8+s2] =	stream.linear.scatter [tilespmem:s1], [sflag:$0x1], $0x80, $0x38;
	[tilespmem:$0x1A200] =	vst v63  }
0x1c8: {  	s1 =	sadd.s32 $0xA00, s0;
	s8 =	sadd.s32 $0x910, s31  }
0x1c9: {  	[hbm4b:s8+s2] =	stream.linear.scatter [tilespmem:s1], [sflag:$0x1], $0x80, $0x38;
	[tilespmem:$0x1A200] =	vst v63  }
0x1ca: {  	s1 =	sadd.s32 $0xE00, s0;
	s8 =	sadd.s32 $0x990, s31  }
0x1cb: {  	[hbm4b:s8+s2] =	stream.linear.scatter [tilespmem:s1], [sflag:$0x1], $0x80, $0x38;
	[tilespmem:$0x1A200] =	vst v63  }
0x1cc: {  	s1 =	sadd.s32 $0x1200, s0;
	s8 =	sadd.s32 $0xA10, s31  }
0x1cd: {  	[hbm4b:s8+s2] =	stream.linear.scatter [tilespmem:s1], [sflag:$0x1], $0x80, $0x38;
	[tilespmem:$0x1A200] =	vst v63  }
0x1ce: {  	s1 =	sadd.s32 $0x1600, s0;
	s8 =	sadd.s32 $0xA90, s31  }
0x1cf: {  	[hbm4b:s8+s2] =	stream.linear.scatter [tilespmem:s1], [sflag:$0x1], $0x80, $0x38;
	[tilespmem:$0x1A200] =	vst v63  }
0x1d0: {  	s1 =	sadd.s32 $0x1A00, s0;
	s8 =	sadd.s32 $0xB10, s31  }
0x1d1: {  	[hbm4b:s8+s2] =	stream.linear.scatter [tilespmem:s1], [sflag:$0x1], $0x80, $0x38;
	[tilespmem:$0x1A200] =	vst v63  }
0x1d2: {  	s0 =	sadd.s32 $0x1E00, s0;
	s8 =	sadd.s32 $0xB90, s31;
	s1 =	spop (v2sf)  }
0x1d3: {  	[hbm4b:s8+s2] =	stream.linear.scatter [tilespmem:s0], [sflag:$0x1], $0x80, $0x38;
	[tilespmem:$0x1A200] =	vst v63  }
0x1d4: {  	s8 =	sshll.u32 s1, $0xA;
	s0 =	sshll.u32 s1, $0x7  }
0x1d5: {  	s1 =	sand.u32 $0xFFFFE000, s8;
	s0 =	sand.u32 $0x380, s0  }
0x1d6: {  	(v2sf) =	vpush v0, $0x3;
	s0 =	sor.u32 s0, s1  }
0x1d7: {  	s1 =	sadd.s32 $0x820, s31;
	s8 =	sadd.s32 $0x200, s0  }
0x1d8: {  	[hbm4b:s1+s2] =	stream.linear.scatter [tilespmem:s8], [sflag:$0x1], $0x80, $0x38;
	[tilespmem:$0x1A200] =	vst v63  }
0x1d9: {  	s1 =	sadd.s32 $0x600, s0;
	s8 =	sadd.s32 $0x8A0, s31  }
0x1da: {  	[hbm4b:s8+s2] =	stream.linear.scatter [tilespmem:s1], [sflag:$0x1], $0x80, $0x38;
	[tilespmem:$0x1A200] =	vst v63  }
0x1db: {  	s1 =	sadd.s32 $0xA00, s0;
	s8 =	sadd.s32 $0x920, s31  }
0x1dc: {  	[hbm4b:s8+s2] =	stream.linear.scatter [tilespmem:s1], [sflag:$0x1], $0x80, $0x38;
	[tilespmem:$0x1A200] =	vst v63  }
0x1dd: {  	s1 =	sadd.s32 $0xE00, s0;
	s8 =	sadd.s32 $0x9A0, s31  }
0x1de: {  	[hbm4b:s8+s2] =	stream.linear.scatter [tilespmem:s1], [sflag:$0x1], $0x80, $0x38;
	[tilespmem:$0x1A200] =	vst v63  }
0x1df: {  	s1 =	sadd.s32 $0x1200, s0;
	s8 =	sadd.s32 $0xA20, s31  }
0x1e0: {  	[hbm4b:s8+s2] =	stream.linear.scatter [tilespmem:s1], [sflag:$0x1], $0x80, $0x38;
	[tilespmem:$0x1A200] =	vst v63  }
0x1e1: {  	s1 =	sadd.s32 $0x1600, s0;
	s8 =	sadd.s32 $0xAA0, s31  }
0x1e2: {  	[hbm4b:s8+s2] =	stream.linear.scatter [tilespmem:s1], [sflag:$0x1], $0x80, $0x38;
	[tilespmem:$0x1A200] =	vst v63  }
0x1e3: {  	s1 =	sadd.s32 $0x1A00, s0;
	s8 =	sadd.s32 $0xB20, s31  }
0x1e4: {  	[hbm4b:s8+s2] =	stream.linear.scatter [tilespmem:s1], [sflag:$0x1], $0x80, $0x38;
	[tilespmem:$0x1A200] =	vst v63  }
0x1e5: {  	s0 =	sadd.s32 $0x1E00, s0;
	s8 =	sadd.s32 $0xBA0, s31;
	s1 =	spop (v2sf)  }
0x1e6: {  	[hbm4b:s8+s2] =	stream.linear.scatter [tilespmem:s0], [sflag:$0x1], $0x80, $0x38;
	[tilespmem:$0x1A200] =	vst v63  }
0x1e7: {  	s8 =	sshll.u32 s1, $0xA;
	s0 =	sshll.u32 s1, $0x7  }
0x1e8: {  	s1 =	sand.u32 $0xFFFFE000, s8;
	s0 =	sand.u32 $0x380, s0  }
0x1e9: {  	(v2sf) =	vpush v0, $0x4;
	s0 =	sor.u32 s0, s1  }
0x1ea: {  	s1 =	sadd.s32 $0x830, s31;
	s8 =	sadd.s32 $0x200, s0  }
0x1eb: {  	[hbm4b:s1+s2] =	stream.linear.scatter [tilespmem:s8], [sflag:$0x1], $0x80, $0x38;
	[tilespmem:$0x1A200] =	vst v63  }
0x1ec: {  	s1 =	sadd.s32 $0x600, s0;
	s8 =	sadd.s32 $0x8B0, s31  }
0x1ed: {  	[hbm4b:s8+s2] =	stream.linear.scatter [tilespmem:s1], [sflag:$0x1], $0x80, $0x38;
	[tilespmem:$0x1A200] =	vst v63  }
0x1ee: {  	s1 =	sadd.s32 $0xA00, s0;
	s8 =	sadd.s32 $0x930, s31  }
0x1ef: {  	[hbm4b:s8+s2] =	stream.linear.scatter [tilespmem:s1], [sflag:$0x1], $0x80, $0x38;
	[tilespmem:$0x1A200] =	vst v63  }
0x1f0: {  	s1 =	sadd.s32 $0xE00, s0;
	s8 =	sadd.s32 $0x9B0, s31  }
0x1f1: {  	[hbm4b:s8+s2] =	stream.linear.scatter [tilespmem:s1], [sflag:$0x1], $0x80, $0x38;
	[tilespmem:$0x1A200] =	vst v63  }
0x1f2: {  	s1 =	sadd.s32 $0x1200, s0;
	s8 =	sadd.s32 $0xA30, s31  }
0x1f3: {  	[hbm4b:s8+s2] =	stream.linear.scatter [tilespmem:s1], [sflag:$0x1], $0x80, $0x38;
	[tilespmem:$0x1A200] =	vst v63  }
0x1f4: {  	s1 =	sadd.s32 $0x1600, s0;
	s8 =	sadd.s32 $0xAB0, s31  }
0x1f5: {  	[hbm4b:s8+s2] =	stream.linear.scatter [tilespmem:s1], [sflag:$0x1], $0x80, $0x38;
	[tilespmem:$0x1A200] =	vst v63  }
0x1f6: {  	s1 =	sadd.s32 $0x1A00, s0;
	s8 =	sadd.s32 $0xB30, s31  }
0x1f7: {  	[hbm4b:s8+s2] =	stream.linear.scatter [tilespmem:s1], [sflag:$0x1], $0x80, $0x38;
	[tilespmem:$0x1A200] =	vst v63  }
0x1f8: {  	s0 =	sadd.s32 $0x1E00, s0;
	s8 =	sadd.s32 $0xBB0, s31;
	s1 =	spop (v2sf)  }
0x1f9: {  	[hbm4b:s8+s2] =	stream.linear.scatter [tilespmem:s0], [sflag:$0x1], $0x80, $0x38;
	[tilespmem:$0x1A200] =	vst v63  }
0x1fa: {  	s8 =	sshll.u32 s1, $0xA;
	s0 =	sshll.u32 s1, $0x7  }
0x1fb: {  	s1 =	sand.u32 $0xFFFFE000, s8;
	s0 =	sand.u32 $0x380, s0  }
0x1fc: {  	(v2sf) =	vpush v0, $0x5;
	s0 =	sor.u32 s0, s1  }
0x1fd: {  	s1 =	sadd.s32 $0x840, s31;
	s8 =	sadd.s32 $0x200, s0  }
0x1fe: {  	[hbm4b:s1+s2] =	stream.linear.scatter [tilespmem:s8], [sflag:$0x1], $0x80, $0x38;
	[tilespmem:$0x1A200] =	vst v63  }
0x1ff: {  	s1 =	sadd.s32 $0x600, s0;
	s8 =	sadd.s32 $0x8C0, s31  }
0x200: {  	[hbm4b:s8+s2] =	stream.linear.scatter [tilespmem:s1], [sflag:$0x1], $0x80, $0x38;
	[tilespmem:$0x1A200] =	vst v63  }
0x201: {  	s1 =	sadd.s32 $0xA00, s0;
	s8 =	sadd.s32 $0x940, s31  }
0x202: {  	[hbm4b:s8+s2] =	stream.linear.scatter [tilespmem:s1], [sflag:$0x1], $0x80, $0x38;
	[tilespmem:$0x1A200] =	vst v63  }
0x203: {  	s1 =	sadd.s32 $0xE00, s0;
	s8 =	sadd.s32 $0x9C0, s31  }
0x204: {  	[hbm4b:s8+s2] =	stream.linear.scatter [tilespmem:s1], [sflag:$0x1], $0x80, $0x38;
	[tilespmem:$0x1A200] =	vst v63  }
0x205: {  	s1 =	sadd.s32 $0x1200, s0;
	s8 =	sadd.s32 $0xA40, s31  }
0x206: {  	[hbm4b:s8+s2] =	stream.linear.scatter [tilespmem:s1], [sflag:$0x1], $0x80, $0x38;
	[tilespmem:$0x1A200] =	vst v63  }
0x207: {  	s1 =	sadd.s32 $0x1600, s0;
	s8 =	sadd.s32 $0xAC0, s31  }
0x208: {  	[hbm4b:s8+s2] =	stream.linear.scatter [tilespmem:s1], [sflag:$0x1], $0x80, $0x38;
	[tilespmem:$0x1A200] =	vst v63  }
0x209: {  	s1 =	sadd.s32 $0x1A00, s0;
	s8 =	sadd.s32 $0xB40, s31  }
0x20a: {  	[hbm4b:s8+s2] =	stream.linear.scatter [tilespmem:s1], [sflag:$0x1], $0x80, $0x38;
	[tilespmem:$0x1A200] =	vst v63  }
0x20b: {  	s0 =	sadd.s32 $0x1E00, s0;
	s8 =	sadd.s32 $0xBC0, s31;
	s1 =	spop (v2sf)  }
0x20c: {  	[hbm4b:s8+s2] =	stream.linear.scatter [tilespmem:s0], [sflag:$0x1], $0x80, $0x38;
	[tilespmem:$0x1A200] =	vst v63  }
0x20d: {  	s8 =	sshll.u32 s1, $0xA;
	s0 =	sshll.u32 s1, $0x7  }
0x20e: {  	s1 =	sand.u32 $0xFFFFE000, s8;
	s0 =	sand.u32 $0x380, s0  }
0x20f: {  	(v2sf) =	vpush v0, $0x6;
	s0 =	sor.u32 s0, s1  }
0x210: {  	s1 =	sadd.s32 $0x850, s31;
	s8 =	sadd.s32 $0x200, s0  }
0x211: {  	[hbm4b:s1+s2] =	stream.linear.scatter [tilespmem:s8], [sflag:$0x1], $0x80, $0x38;
	[tilespmem:$0x1A200] =	vst v63  }
0x212: {  	s1 =	sadd.s32 $0x600, s0;
	s8 =	sadd.s32 $0x8D0, s31  }
0x213: {  	[hbm4b:s8+s2] =	stream.linear.scatter [tilespmem:s1], [sflag:$0x1], $0x80, $0x38;
	[tilespmem:$0x1A200] =	vst v63  }
0x214: {  	s1 =	sadd.s32 $0xA00, s0;
	s8 =	sadd.s32 $0x950, s31  }
0x215: {  	[hbm4b:s8+s2] =	stream.linear.scatter [tilespmem:s1], [sflag:$0x1], $0x80, $0x38;
	[tilespmem:$0x1A200] =	vst v63  }
0x216: {  	s1 =	sadd.s32 $0xE00, s0;
	s8 =	sadd.s32 $0x9D0, s31  }
0x217: {  	[hbm4b:s8+s2] =	stream.linear.scatter [tilespmem:s1], [sflag:$0x1], $0x80, $0x38;
	[tilespmem:$0x1A200] =	vst v63  }
0x218: {  	s1 =	sadd.s32 $0x1200, s0;
	s8 =	sadd.s32 $0xA50, s31  }
0x219: {  	[hbm4b:s8+s2] =	stream.linear.scatter [tilespmem:s1], [sflag:$0x1], $0x80, $0x38;
	[tilespmem:$0x1A200] =	vst v63  }
0x21a: {  	s1 =	sadd.s32 $0x1600, s0;
	s8 =	sadd.s32 $0xAD0, s31  }
0x21b: {  	[hbm4b:s8+s2] =	stream.linear.scatter [tilespmem:s1], [sflag:$0x1], $0x80, $0x38;
	[tilespmem:$0x1A200] =	vst v63  }
0x21c: {  	s1 =	sadd.s32 $0x1A00, s0;
	s8 =	sadd.s32 $0xB50, s31  }
0x21d: {  	[hbm4b:s8+s2] =	stream.linear.scatter [tilespmem:s1], [sflag:$0x1], $0x80, $0x38;
	[tilespmem:$0x1A200] =	vst v63  }
0x21e: {  	s0 =	sadd.s32 $0x1E00, s0;
	s8 =	sadd.s32 $0xBD0, s31;
	s1 =	spop (v2sf)  }
0x21f: {  	[hbm4b:s8+s2] =	stream.linear.scatter [tilespmem:s0], [sflag:$0x1], $0x80, $0x38;
	[tilespmem:$0x1A200] =	vst v63  }
0x220: {  	s8 =	sshll.u32 s1, $0xA;
	s0 =	sshll.u32 s1, $0x7  }
0x221: {  	s1 =	sand.u32 $0xFFFFE000, s8;
	s0 =	sand.u32 $0x380, s0  }
0x222: {  	(v2sf) =	vpush v0, $0x7;
	s0 =	sor.u32 s0, s1  }
0x223: {  	s1 =	sadd.s32 $0x860, s31;
	s8 =	sadd.s32 $0x200, s0  }
0x224: {  	[hbm4b:s1+s2] =	stream.linear.scatter [tilespmem:s8], [sflag:$0x1], $0x80, $0x38;
	[tilespmem:$0x1A200] =	vst v63  }
0x225: {  	s1 =	sadd.s32 $0x600, s0;
	s8 =	sadd.s32 $0x8E0, s31  }
0x226: {  	[hbm4b:s8+s2] =	stream.linear.scatter [tilespmem:s1], [sflag:$0x1], $0x80, $0x38;
	[tilespmem:$0x1A200] =	vst v63  }
0x227: {  	s1 =	sadd.s32 $0xA00, s0;
	s8 =	sadd.s32 $0x960, s31  }
0x228: {  	[hbm4b:s8+s2] =	stream.linear.scatter [tilespmem:s1], [sflag:$0x1], $0x80, $0x38;
	[tilespmem:$0x1A200] =	vst v63  }
0x229: {  	s1 =	sadd.s32 $0xE00, s0;
	s8 =	sadd.s32 $0x9E0, s31  }
0x22a: {  	[hbm4b:s8+s2] =	stream.linear.scatter [tilespmem:s1], [sflag:$0x1], $0x80, $0x38;
	[tilespmem:$0x1A200] =	vst v63  }
0x22b: {  	s1 =	sadd.s32 $0x1200, s0;
	s8 =	sadd.s32 $0xA60, s31  }
0x22c: {  	[hbm4b:s8+s2] =	stream.linear.scatter [tilespmem:s1], [sflag:$0x1], $0x80, $0x38;
	[tilespmem:$0x1A200] =	vst v63  }
0x22d: {  	s1 =	sadd.s32 $0x1600, s0;
	s8 =	sadd.s32 $0xAE0, s31  }
0x22e: {  	[hbm4b:s8+s2] =	stream.linear.scatter [tilespmem:s1], [sflag:$0x1], $0x80, $0x38;
	[tilespmem:$0x1A200] =	vst v63  }
0x22f: {  	s1 =	sadd.s32 $0x1A00, s0;
	s8 =	sadd.s32 $0xB60, s31  }
0x230: {  	[hbm4b:s8+s2] =	stream.linear.scatter [tilespmem:s1], [sflag:$0x1], $0x80, $0x38;
	[tilespmem:$0x1A200] =	vst v63  }
0x231: {  	s0 =	sadd.s32 $0x1E00, s0;
	s8 =	sadd.s32 $0xBE0, s31;
	s1 =	spop (v2sf)  }
0x232: {  	[hbm4b:s8+s2] =	stream.linear.scatter [tilespmem:s0], [sflag:$0x1], $0x80, $0x38;
	[tilespmem:$0x1A200] =	vst v63  }
0x233: {  	s8 =	sshll.u32 s1, $0xA;
	s0 =	sshll.u32 s1, $0x7  }
0x234: {  	s1 =	sand.u32 $0xFFFFE000, s8;
	s0 =	sand.u32 $0x380, s0  }
0x235: {  	s0 =	sor.u32 s0, s1  }
0x236: {  	s1 =	sadd.s32 $0x870, s31;
	s8 =	sadd.s32 $0x200, s0  }
0x237: {  	[hbm4b:s1+s2] =	stream.linear.scatter [tilespmem:s8], [sflag:$0x1], $0x80, $0x38;
	[tilespmem:$0x1A200] =	vst v63  }
0x238: {  	s1 =	sadd.s32 $0x600, s0;
	s8 =	sadd.s32 $0x8F0, s31  }
0x239: {  	[hbm4b:s8+s2] =	stream.linear.scatter [tilespmem:s1], [sflag:$0x1], $0x80, $0x38;
	[tilespmem:$0x1A200] =	vst v63  }
0x23a: {  	s1 =	sadd.s32 $0xA00, s0;
	s8 =	sadd.s32 $0x970, s31  }
0x23b: {  	[hbm4b:s8+s2] =	stream.linear.scatter [tilespmem:s1], [sflag:$0x1], $0x80, $0x38;
	[tilespmem:$0x1A200] =	vst v63  }
0x23c: {  	s1 =	sadd.s32 $0xE00, s0;
	s8 =	sadd.s32 $0x9F0, s31  }
0x23d: {  	[hbm4b:s8+s2] =	stream.linear.scatter [tilespmem:s1], [sflag:$0x1], $0x80, $0x38;
	[tilespmem:$0x1A200] =	vst v63  }
0x23e: {  	s1 =	sadd.s32 $0x1200, s0;
	s8 =	sadd.s32 $0xA70, s31  }
0x23f: {  	[hbm4b:s8+s2] =	stream.linear.scatter [tilespmem:s1], [sflag:$0x1], $0x80, $0x38;
	[tilespmem:$0x1A200] =	vst v63  }
0x240: {  	s1 =	sadd.s32 $0x1600, s0;
	s8 =	sadd.s32 $0xAF0, s31  }
0x241: {  	[hbm4b:s8+s2] =	stream.linear.scatter [tilespmem:s1], [sflag:$0x1], $0x80, $0x38;
	[tilespmem:$0x1A200] =	vst v63  }
0x242: {  	s1 =	sadd.s32 $0x1A00, s0;
	s8 =	sadd.s32 $0xB70, s31  }
0x243: {  	[hbm4b:s8+s2] =	stream.linear.scatter [tilespmem:s1], [sflag:$0x1], $0x80, $0x38;
	[tilespmem:$0x1A200] =	vst v63  }
0x244: {  	s0 =	sadd.s32 $0x1E00, s0;
	s8 =	sadd.s32 $0xBF0, s31  }
0x245: {  	[hbm4b:s8+s2] =	stream.linear.scatter [tilespmem:s0], [sflag:$0x1], $0x80, $0x38;
	[tilespmem:$0x1A200] =	vst v63  }
0x246: {  	_ =	swait.ge [sflag:s25], $0x2000  }
0x247: {  	(v2sf) =	vpush v0, $0x8;
	_ =	sdelay $0xe  }
0x248: {  	s1 =	spop (v2sf)  }
0x249: {  	s8 =	sshll.u32 s1, $0xA;
	s0 =	sshll.u32 s1, $0x7  }
0x24a: {  	s1 =	sand.u32 $0xFFFFE000, s8;
	s0 =	sand.u32 $0x380, s0  }
0x24b: {  	[sflag:s25] =	ssyncset.done $0x0;
	(v2sf) =	vpush v0, $0x9;
	s0 =	sor.u32 s0, s1  }
0x24c: {  	[sflag:s25] =	ssyncadd.s32 $0xFFFFE000;
	s1 =	sadd.s32 $0xC00, s31;
	s8 =	sadd.s32 $0x200, s0  }
0x24d: {  	[hbm4b:s1+s2] =	stream.linear.scatter [tilespmem:s8], [sflag:$0x2], $0x80, $0x38;
	[tilespmem:$0x1A200] =	vst v63  }
0x24e: {  	s1 =	sadd.s32 $0x600, s0;
	s8 =	sadd.s32 $0xC80, s31  }
0x24f: {  	[hbm4b:s8+s2] =	stream.linear.scatter [tilespmem:s1], [sflag:$0x2], $0x80, $0x38;
	[tilespmem:$0x1A200] =	vst v63  }
0x250: {  	s1 =	sadd.s32 $0xA00, s0;
	s8 =	sadd.s32 $0xD00, s31  }
0x251: {  	[hbm4b:s8+s2] =	stream.linear.scatter [tilespmem:s1], [sflag:$0x2], $0x80, $0x38;
	[tilespmem:$0x1A200] =	vst v63  }
0x252: {  	s1 =	sadd.s32 $0xE00, s0;
	s8 =	sadd.s32 $0xD80, s31  }
0x253: {  	[hbm4b:s8+s2] =	stream.linear.scatter [tilespmem:s1], [sflag:$0x2], $0x80, $0x38;
	[tilespmem:$0x1A200] =	vst v63  }
0x254: {  	s1 =	sadd.s32 $0x1200, s0;
	s8 =	sadd.s32 $0xE00, s31  }
0x255: {  	[hbm4b:s8+s2] =	stream.linear.scatter [tilespmem:s1], [sflag:$0x2], $0x80, $0x38;
	[tilespmem:$0x1A200] =	vst v63  }
0x256: {  	s1 =	sadd.s32 $0x1600, s0;
	s8 =	sadd.s32 $0xE80, s31  }
0x257: {  	[hbm4b:s8+s2] =	stream.linear.scatter [tilespmem:s1], [sflag:$0x2], $0x80, $0x38;
	[tilespmem:$0x1A200] =	vst v63  }
0x258: {  	s1 =	sadd.s32 $0x1A00, s0;
	s8 =	sadd.s32 $0xF00, s31  }
0x259: {  	[hbm4b:s8+s2] =	stream.linear.scatter [tilespmem:s1], [sflag:$0x2], $0x80, $0x38;
	[tilespmem:$0x1A200] =	vst v63  }
0x25a: {  	s0 =	sadd.s32 $0x1E00, s0;
	s8 =	sadd.s32 $0xF80, s31;
	s1 =	spop (v2sf)  }
0x25b: {  	[hbm4b:s8+s2] =	stream.linear.scatter [tilespmem:s0], [sflag:$0x2], $0x80, $0x38;
	[tilespmem:$0x1A200] =	vst v63  }
0x25c: {  	s8 =	sshll.u32 s1, $0xA;
	s0 =	sshll.u32 s1, $0x7  }
0x25d: {  	s1 =	sand.u32 $0xFFFFE000, s8;
	s0 =	sand.u32 $0x380, s0  }
0x25e: {  	(v2sf) =	vpush v0, $0xA;
	s0 =	sor.u32 s0, s1  }
0x25f: {  	s1 =	sadd.s32 $0xC10, s31;
	s8 =	sadd.s32 $0x200, s0  }
0x260: {  	[hbm4b:s1+s2] =	stream.linear.scatter [tilespmem:s8], [sflag:$0x2], $0x80, $0x38;
	[tilespmem:$0x1A200] =	vst v63  }
0x261: {  	s1 =	sadd.s32 $0x600, s0;
	s8 =	sadd.s32 $0xC90, s31  }
0x262: {  	[hbm4b:s8+s2] =	stream.linear.scatter [tilespmem:s1], [sflag:$0x2], $0x80, $0x38;
	[tilespmem:$0x1A200] =	vst v63  }
0x263: {  	s1 =	sadd.s32 $0xA00, s0;
	s8 =	sadd.s32 $0xD10, s31  }
0x264: {  	[hbm4b:s8+s2] =	stream.linear.scatter [tilespmem:s1], [sflag:$0x2], $0x80, $0x38;
	[tilespmem:$0x1A200] =	vst v63  }
0x265: {  	s1 =	sadd.s32 $0xE00, s0;
	s8 =	sadd.s32 $0xD90, s31  }
0x266: {  	[hbm4b:s8+s2] =	stream.linear.scatter [tilespmem:s1], [sflag:$0x2], $0x80, $0x38;
	[tilespmem:$0x1A200] =	vst v63  }
0x267: {  	s1 =	sadd.s32 $0x1200, s0;
	s8 =	sadd.s32 $0xE10, s31  }
0x268: {  	[hbm4b:s8+s2] =	stream.linear.scatter [tilespmem:s1], [sflag:$0x2], $0x80, $0x38;
	[tilespmem:$0x1A200] =	vst v63  }
0x269: {  	s1 =	sadd.s32 $0x1600, s0;
	s8 =	sadd.s32 $0xE90, s31  }
0x26a: {  	[hbm4b:s8+s2] =	stream.linear.scatter [tilespmem:s1], [sflag:$0x2], $0x80, $0x38;
	[tilespmem:$0x1A200] =	vst v63  }
0x26b: {  	s1 =	sadd.s32 $0x1A00, s0;
	s8 =	sadd.s32 $0xF10, s31  }
0x26c: {  	[hbm4b:s8+s2] =	stream.linear.scatter [tilespmem:s1], [sflag:$0x2], $0x80, $0x38;
	[tilespmem:$0x1A200] =	vst v63  }
0x26d: {  	s0 =	sadd.s32 $0x1E00, s0;
	s8 =	sadd.s32 $0xF90, s31;
	s1 =	spop (v2sf)  }
0x26e: {  	[hbm4b:s8+s2] =	stream.linear.scatter [tilespmem:s0], [sflag:$0x2], $0x80, $0x38;
	[tilespmem:$0x1A200] =	vst v63  }
0x26f: {  	s8 =	sshll.u32 s1, $0xA;
	s0 =	sshll.u32 s1, $0x7  }
0x270: {  	s1 =	sand.u32 $0xFFFFE000, s8;
	s0 =	sand.u32 $0x380, s0  }
0x271: {  	(v2sf) =	vpush v0, $0xB;
	s0 =	sor.u32 s0, s1  }
0x272: {  	s1 =	sadd.s32 $0xC20, s31;
	s8 =	sadd.s32 $0x200, s0  }
0x273: {  	[hbm4b:s1+s2] =	stream.linear.scatter [tilespmem:s8], [sflag:$0x2], $0x80, $0x38;
	[tilespmem:$0x1A200] =	vst v63  }
0x274: {  	s1 =	sadd.s32 $0x600, s0;
	s8 =	sadd.s32 $0xCA0, s31  }
0x275: {  	[hbm4b:s8+s2] =	stream.linear.scatter [tilespmem:s1], [sflag:$0x2], $0x80, $0x38;
	[tilespmem:$0x1A200] =	vst v63  }
0x276: {  	s1 =	sadd.s32 $0xA00, s0;
	s8 =	sadd.s32 $0xD20, s31  }
0x277: {  	[hbm4b:s8+s2] =	stream.linear.scatter [tilespmem:s1], [sflag:$0x2], $0x80, $0x38;
	[tilespmem:$0x1A200] =	vst v63  }
0x278: {  	s1 =	sadd.s32 $0xE00, s0;
	s8 =	sadd.s32 $0xDA0, s31  }
0x279: {  	[hbm4b:s8+s2] =	stream.linear.scatter [tilespmem:s1], [sflag:$0x2], $0x80, $0x38;
	[tilespmem:$0x1A200] =	vst v63  }
0x27a: {  	s1 =	sadd.s32 $0x1200, s0;
	s8 =	sadd.s32 $0xE20, s31  }
0x27b: {  	[hbm4b:s8+s2] =	stream.linear.scatter [tilespmem:s1], [sflag:$0x2], $0x80, $0x38;
	[tilespmem:$0x1A200] =	vst v63  }
0x27c: {  	s1 =	sadd.s32 $0x1600, s0;
	s8 =	sadd.s32 $0xEA0, s31  }
0x27d: {  	[hbm4b:s8+s2] =	stream.linear.scatter [tilespmem:s1], [sflag:$0x2], $0x80, $0x38;
	[tilespmem:$0x1A200] =	vst v63  }
0x27e: {  	s1 =	sadd.s32 $0x1A00, s0;
	s8 =	sadd.s32 $0xF20, s31  }
0x27f: {  	[hbm4b:s8+s2] =	stream.linear.scatter [tilespmem:s1], [sflag:$0x2], $0x80, $0x38;
	[tilespmem:$0x1A200] =	vst v63  }
0x280: {  	s0 =	sadd.s32 $0x1E00, s0;
	s8 =	sadd.s32 $0xFA0, s31;
	s1 =	spop (v2sf)  }
0x281: {  	[hbm4b:s8+s2] =	stream.linear.scatter [tilespmem:s0], [sflag:$0x2], $0x80, $0x38;
	[tilespmem:$0x1A200] =	vst v63  }
0x282: {  	s8 =	sshll.u32 s1, $0xA;
	s0 =	sshll.u32 s1, $0x7  }
0x283: {  	s1 =	sand.u32 $0xFFFFE000, s8;
	s0 =	sand.u32 $0x380, s0  }
0x284: {  	(v2sf) =	vpush v0, $0xC;
	s0 =	sor.u32 s0, s1  }
0x285: {  	s1 =	sadd.s32 $0xC30, s31;
	s8 =	sadd.s32 $0x200, s0  }
0x286: {  	[hbm4b:s1+s2] =	stream.linear.scatter [tilespmem:s8], [sflag:$0x2], $0x80, $0x38;
	[tilespmem:$0x1A200] =	vst v63  }
0x287: {  	s1 =	sadd.s32 $0x600, s0;
	s8 =	sadd.s32 $0xCB0, s31  }
0x288: {  	[hbm4b:s8+s2] =	stream.linear.scatter [tilespmem:s1], [sflag:$0x2], $0x80, $0x38;
	[tilespmem:$0x1A200] =	vst v63  }
0x289: {  	s1 =	sadd.s32 $0xA00, s0;
	s8 =	sadd.s32 $0xD30, s31  }
0x28a: {  	[hbm4b:s8+s2] =	stream.linear.scatter [tilespmem:s1], [sflag:$0x2], $0x80, $0x38;
	[tilespmem:$0x1A200] =	vst v63  }
0x28b: {  	s1 =	sadd.s32 $0xE00, s0;
	s8 =	sadd.s32 $0xDB0, s31  }
0x28c: {  	[hbm4b:s8+s2] =	stream.linear.scatter [tilespmem:s1], [sflag:$0x2], $0x80, $0x38;
	[tilespmem:$0x1A200] =	vst v63  }
0x28d: {  	s1 =	sadd.s32 $0x1200, s0;
	s8 =	sadd.s32 $0xE30, s31  }
0x28e: {  	[hbm4b:s8+s2] =	stream.linear.scatter [tilespmem:s1], [sflag:$0x2], $0x80, $0x38;
	[tilespmem:$0x1A200] =	vst v63  }
0x28f: {  	s1 =	sadd.s32 $0x1600, s0;
	s8 =	sadd.s32 $0xEB0, s31  }
0x290: {  	[hbm4b:s8+s2] =	stream.linear.scatter [tilespmem:s1], [sflag:$0x2], $0x80, $0x38;
	[tilespmem:$0x1A200] =	vst v63  }
0x291: {  	s1 =	sadd.s32 $0x1A00, s0;
	s8 =	sadd.s32 $0xF30, s31  }
0x292: {  	[hbm4b:s8+s2] =	stream.linear.scatter [tilespmem:s1], [sflag:$0x2], $0x80, $0x38;
	[tilespmem:$0x1A200] =	vst v63  }
0x293: {  	s0 =	sadd.s32 $0x1E00, s0;
	s8 =	sadd.s32 $0xFB0, s31;
	s1 =	spop (v2sf)  }
0x294: {  	[hbm4b:s8+s2] =	stream.linear.scatter [tilespmem:s0], [sflag:$0x2], $0x80, $0x38;
	[tilespmem:$0x1A200] =	vst v63  }
0x295: {  	s8 =	sshll.u32 s1, $0xA;
	s0 =	sshll.u32 s1, $0x7  }
0x296: {  	s1 =	sand.u32 $0xFFFFE000, s8;
	s0 =	sand.u32 $0x380, s0  }
0x297: {  	(v2sf) =	vpush v0, $0xD;
	s0 =	sor.u32 s0, s1  }
0x298: {  	s1 =	sadd.s32 $0xC40, s31;
	s8 =	sadd.s32 $0x200, s0  }
0x299: {  	[hbm4b:s1+s2] =	stream.linear.scatter [tilespmem:s8], [sflag:$0x2], $0x80, $0x38;
	[tilespmem:$0x1A200] =	vst v63  }
0x29a: {  	s1 =	sadd.s32 $0x600, s0;
	s8 =	sadd.s32 $0xCC0, s31  }
0x29b: {  	[hbm4b:s8+s2] =	stream.linear.scatter [tilespmem:s1], [sflag:$0x2], $0x80, $0x38;
	[tilespmem:$0x1A200] =	vst v63  }
0x29c: {  	s1 =	sadd.s32 $0xA00, s0;
	s8 =	sadd.s32 $0xD40, s31  }
0x29d: {  	[hbm4b:s8+s2] =	stream.linear.scatter [tilespmem:s1], [sflag:$0x2], $0x80, $0x38;
	[tilespmem:$0x1A200] =	vst v63  }
0x29e: {  	s1 =	sadd.s32 $0xE00, s0;
	s8 =	sadd.s32 $0xDC0, s31  }
0x29f: {  	[hbm4b:s8+s2] =	stream.linear.scatter [tilespmem:s1], [sflag:$0x2], $0x80, $0x38;
	[tilespmem:$0x1A200] =	vst v63  }
0x2a0: {  	s1 =	sadd.s32 $0x1200, s0;
	s8 =	sadd.s32 $0xE40, s31  }
0x2a1: {  	[hbm4b:s8+s2] =	stream.linear.scatter [tilespmem:s1], [sflag:$0x2], $0x80, $0x38;
	[tilespmem:$0x1A200] =	vst v63  }
0x2a2: {  	s1 =	sadd.s32 $0x1600, s0;
	s8 =	sadd.s32 $0xEC0, s31  }
0x2a3: {  	[hbm4b:s8+s2] =	stream.linear.scatter [tilespmem:s1], [sflag:$0x2], $0x80, $0x38;
	[tilespmem:$0x1A200] =	vst v63  }
0x2a4: {  	s1 =	sadd.s32 $0x1A00, s0;
	s8 =	sadd.s32 $0xF40, s31  }
0x2a5: {  	[hbm4b:s8+s2] =	stream.linear.scatter [tilespmem:s1], [sflag:$0x2], $0x80, $0x38;
	[tilespmem:$0x1A200] =	vst v63  }
0x2a6: {  	s0 =	sadd.s32 $0x1E00, s0;
	s8 =	sadd.s32 $0xFC0, s31;
	s1 =	spop (v2sf)  }
0x2a7: {  	[hbm4b:s8+s2] =	stream.linear.scatter [tilespmem:s0], [sflag:$0x2], $0x80, $0x38;
	[tilespmem:$0x1A200] =	vst v63  }
0x2a8: {  	s8 =	sshll.u32 s1, $0xA;
	s0 =	sshll.u32 s1, $0x7  }
0x2a9: {  	s1 =	sand.u32 $0xFFFFE000, s8;
	s0 =	sand.u32 $0x380, s0  }
0x2aa: {  	(v2sf) =	vpush v0, $0xE;
	s0 =	sor.u32 s0, s1  }
0x2ab: {  	s1 =	sadd.s32 $0xC50, s31;
	s8 =	sadd.s32 $0x200, s0  }
0x2ac: {  	[hbm4b:s1+s2] =	stream.linear.scatter [tilespmem:s8], [sflag:$0x2], $0x80, $0x38;
	[tilespmem:$0x1A200] =	vst v63  }
0x2ad: {  	s1 =	sadd.s32 $0x600, s0;
	s8 =	sadd.s32 $0xCD0, s31  }
0x2ae: {  	[hbm4b:s8+s2] =	stream.linear.scatter [tilespmem:s1], [sflag:$0x2], $0x80, $0x38;
	[tilespmem:$0x1A200] =	vst v63  }
0x2af: {  	s1 =	sadd.s32 $0xA00, s0;
	s8 =	sadd.s32 $0xD50, s31  }
0x2b0: {  	[hbm4b:s8+s2] =	stream.linear.scatter [tilespmem:s1], [sflag:$0x2], $0x80, $0x38;
	[tilespmem:$0x1A200] =	vst v63  }
0x2b1: {  	s1 =	sadd.s32 $0xE00, s0;
	s8 =	sadd.s32 $0xDD0, s31  }
0x2b2: {  	[hbm4b:s8+s2] =	stream.linear.scatter [tilespmem:s1], [sflag:$0x2], $0x80, $0x38;
	[tilespmem:$0x1A200] =	vst v63  }
0x2b3: {  	s1 =	sadd.s32 $0x1200, s0;
	s8 =	sadd.s32 $0xE50, s31  }
0x2b4: {  	[hbm4b:s8+s2] =	stream.linear.scatter [tilespmem:s1], [sflag:$0x2], $0x80, $0x38;
	[tilespmem:$0x1A200] =	vst v63  }
0x2b5: {  	s1 =	sadd.s32 $0x1600, s0;
	s8 =	sadd.s32 $0xED0, s31  }
0x2b6: {  	[hbm4b:s8+s2] =	stream.linear.scatter [tilespmem:s1], [sflag:$0x2], $0x80, $0x38;
	[tilespmem:$0x1A200] =	vst v63  }
0x2b7: {  	s1 =	sadd.s32 $0x1A00, s0;
	s8 =	sadd.s32 $0xF50, s31  }
0x2b8: {  	[hbm4b:s8+s2] =	stream.linear.scatter [tilespmem:s1], [sflag:$0x2], $0x80, $0x38;
	[tilespmem:$0x1A200] =	vst v63  }
0x2b9: {  	s0 =	sadd.s32 $0x1E00, s0;
	s8 =	sadd.s32 $0xFD0, s31;
	s1 =	spop (v2sf)  }
0x2ba: {  	[hbm4b:s8+s2] =	stream.linear.scatter [tilespmem:s0], [sflag:$0x2], $0x80, $0x38;
	[tilespmem:$0x1A200] =	vst v63  }
0x2bb: {  	s8 =	sshll.u32 s1, $0xA;
	s0 =	sshll.u32 s1, $0x7  }
0x2bc: {  	s1 =	sand.u32 $0xFFFFE000, s8;
	s0 =	sand.u32 $0x380, s0  }
0x2bd: {  	(v2sf) =	vpush v0, $0xF;
	s0 =	sor.u32 s0, s1  }
0x2be: {  	s1 =	sadd.s32 $0xC60, s31;
	s8 =	sadd.s32 $0x200, s0  }
0x2bf: {  	[hbm4b:s1+s2] =	stream.linear.scatter [tilespmem:s8], [sflag:$0x2], $0x80, $0x38;
	[tilespmem:$0x1A200] =	vst v63  }
0x2c0: {  	s1 =	sadd.s32 $0x600, s0;
	s8 =	sadd.s32 $0xCE0, s31  }
0x2c1: {  	[hbm4b:s8+s2] =	stream.linear.scatter [tilespmem:s1], [sflag:$0x2], $0x80, $0x38;
	[tilespmem:$0x1A200] =	vst v63  }
0x2c2: {  	s1 =	sadd.s32 $0xA00, s0;
	s8 =	sadd.s32 $0xD60, s31  }
0x2c3: {  	[hbm4b:s8+s2] =	stream.linear.scatter [tilespmem:s1], [sflag:$0x2], $0x80, $0x38;
	[tilespmem:$0x1A200] =	vst v63  }
0x2c4: {  	s1 =	sadd.s32 $0xE00, s0;
	s8 =	sadd.s32 $0xDE0, s31  }
0x2c5: {  	[hbm4b:s8+s2] =	stream.linear.scatter [tilespmem:s1], [sflag:$0x2], $0x80, $0x38;
	[tilespmem:$0x1A200] =	vst v63  }
0x2c6: {  	s1 =	sadd.s32 $0x1200, s0;
	s8 =	sadd.s32 $0xE60, s31  }
0x2c7: {  	[hbm4b:s8+s2] =	stream.linear.scatter [tilespmem:s1], [sflag:$0x2], $0x80, $0x38;
	[tilespmem:$0x1A200] =	vst v63  }
0x2c8: {  	s1 =	sadd.s32 $0x1600, s0;
	s8 =	sadd.s32 $0xEE0, s31  }
0x2c9: {  	[hbm4b:s8+s2] =	stream.linear.scatter [tilespmem:s1], [sflag:$0x2], $0x80, $0x38;
	[tilespmem:$0x1A200] =	vst v63  }
0x2ca: {  	s1 =	sadd.s32 $0x1A00, s0;
	s8 =	sadd.s32 $0xF60, s31  }
0x2cb: {  	[hbm4b:s8+s2] =	stream.linear.scatter [tilespmem:s1], [sflag:$0x2], $0x80, $0x38;
	[tilespmem:$0x1A200] =	vst v63  }
0x2cc: {  	s0 =	sadd.s32 $0x1E00, s0;
	s8 =	sadd.s32 $0xFE0, s31;
	s1 =	spop (v2sf)  }
0x2cd: {  	[hbm4b:s8+s2] =	stream.linear.scatter [tilespmem:s0], [sflag:$0x2], $0x80, $0x38;
	[tilespmem:$0x1A200] =	vst v63  }
0x2ce: {  	s8 =	sshll.u32 s1, $0xA;
	s0 =	sshll.u32 s1, $0x7  }
0x2cf: {  	s1 =	sand.u32 $0xFFFFE000, s8;
	s0 =	sand.u32 $0x380, s0  }
0x2d0: {  	s0 =	sor.u32 s0, s1  }
0x2d1: {  	s1 =	sadd.s32 $0xC70, s31;
	s8 =	sadd.s32 $0x200, s0  }
0x2d2: {  	[hbm4b:s1+s2] =	stream.linear.scatter [tilespmem:s8], [sflag:$0x2], $0x80, $0x38;
	[tilespmem:$0x1A200] =	vst v63  }
0x2d3: {  	s1 =	sadd.s32 $0x600, s0;
	s8 =	sadd.s32 $0xCF0, s31  }
0x2d4: {  	[hbm4b:s8+s2] =	stream.linear.scatter [tilespmem:s1], [sflag:$0x2], $0x80, $0x38;
	[tilespmem:$0x1A200] =	vst v63  }
0x2d5: {  	s1 =	sadd.s32 $0xA00, s0;
	s8 =	sadd.s32 $0xD70, s31  }
0x2d6: {  	[hbm4b:s8+s2] =	stream.linear.scatter [tilespmem:s1], [sflag:$0x2], $0x80, $0x38;
	[tilespmem:$0x1A200] =	vst v63  }
0x2d7: {  	s1 =	sadd.s32 $0xE00, s0;
	s8 =	sadd.s32 $0xDF0, s31  }
0x2d8: {  	[hbm4b:s8+s2] =	stream.linear.scatter [tilespmem:s1], [sflag:$0x2], $0x80, $0x38;
	[tilespmem:$0x1A200] =	vst v63  }
0x2d9: {  	s1 =	sadd.s32 $0x1200, s0;
	s8 =	sadd.s32 $0xE70, s31  }
0x2da: {  	[hbm4b:s8+s2] =	stream.linear.scatter [tilespmem:s1], [sflag:$0x2], $0x80, $0x38;
	[tilespmem:$0x1A200] =	vst v63  }
0x2db: {  	p0 =	sne.s32 s29, $0xF000;
	s1 =	sadd.s32 $0x1600, s0;
	s8 =	sadd.s32 $0xEF0, s31  }
0x2dc: {  	[hbm4b:s8+s2] =	stream.linear.scatter [tilespmem:s1], [sflag:$0x2], $0x80, $0x38;
	[tilespmem:$0x1A200] =	vst v63  }
.Ltmp0:
0x2dd: {  	_ = 	snop;
	(pc) =	sbr.rel @p0 .LBB2_2-.Ltmp0, $4  }
0x2de: {  	s30 =	sadd.s32 $0x10, s30;
	s1 =	sadd.s32 $0x1A00, s0;
	s8 =	sadd.s32 $0xF70, s31  }
0x2df: {  	[hbm4b:s8+s2] =	stream.linear.scatter [tilespmem:s1], [sflag:$0x2], $0x80, $0x38;
	[tilespmem:$0x1A200] =	vst v63  }
0x2e0: {  	s29 =	sadd.s32 $0x800, s29;
	s0 =	sadd.s32 $0x1E00, s0;
	s31 =	sadd.s32 $0xFF0, s31  }
0x2e1: {  	[hbm4b:s31+s2] =	stream.linear.scatter [tilespmem:s0], [sflag:$0x2], $0x80, $0x38;
	[tilespmem:$0x1A200] =	vst v63  }
0x2e2: {  	s28 =	sadd.s32 $0x1, s28  }
0x2e3: {  	_ =	swait.ge [sflag:s26], $0x2000;
	p0 =	sne.s32 s28, s24  }
.Ltmp1:
0x2e4: {  	[sflag:s26] =	ssyncset.done $0x0;
	(pc) =	sbr.rel @p0 .LBB2_1-.Ltmp1, $4  }
0x2e5: {  	[sflag:s26] =	ssyncadd.s32 $0xFFFFE000  }
0x2e6: {  	_ =	swait.ge [sflag:s25], $0x2000  }
0x2e7: {  	[sflag:s25] =	ssyncset.done $0x0  }
0x2e8: {  	[sflag:s25] =	ssyncadd.s32 $0xFFFFE000  }
0x2e9: {  	_ =	sfence.sel $0x180000  }
0x2ea: {  	[bflag:$0x0] =	sbarrier.arrive $0xFFFF  }
0x2eb: {  	_ =	strace $0x90000047  }
0x2ec: {  	s0 =	stileid.u32;
	[bflag:$0x2] =	sbarrier.arrive $0xFFFF  }
0x2ed: {  	p0 =	sne.s32 s0, $0x0;
	s0 =	rddreg [dreg:$0x2]  }
0x2ee: {  	s0 =	sadd.s32 @!p0 $0x100000, s0  }
0x2ef: {  	[sflag:s0] =	ssyncadd.tile.s32 @!p0 $0x1;
	_ =	shalt  }
.Lfunc_end2:
_tile_overlayer_lowered:
.L_overlay_start_2:
0x2f0: {  	(tag) =	ssettag $0x2  }
0x2f1: {  	s0 =	rddreg [dreg:$0x0];
	s2 =	stileid.u32  }
0x2f2: {  	s1 =	rddreg [dreg:$0x1];
	p0 =	sne.s32 s2, $0x0  }
0x2f3: {  	s3 =	rddreg [dreg:$0x2];
	[bflag:$0x3] =	sbarrier.arrive $0xFFFF;
	s2 =	simm.s32 @!p0 $0x1C03  }
0x2f4: {  	[timem:s3], [sflag:s2] =	dma.local @!p0 [hbm:s0], s1  }
0x2f5: {  	s0 =	simm.s32 @!p0 $0x3  }
0x2f6: {  	_ =	swait.ge @!p0 [sflag:s0], s1  }
0x2f7: {  	s1 =	ssub.s32 @!p0 $0x0, s1;
	[sflag:s0] =	ssyncset.done @!p0 $0x0  }
0x2f8: {  	[sflag:s0] =	ssyncadd.s32 @!p0 s1  }
0x2f9: {  	[bflag:$0x3] =	sbarrier.arrive $0xFFFF  }
0x2fa: {  	_ =	shalt  }

</sc_bundles>
